<compile_context>
chip_gen: v7x
topology: tpu7x:2x2x1
jax: 0.10.2.dev20260603
libtpu: 0.0.44.dev20260713+nightly
codegen_flags: <defaults>
</compile_context>

<pallas_src>
import functools

import jax
import jax.numpy as jnp
from jax import lax
from jax.experimental import pallas as pl
from jax.experimental.pallas import tpu as pltpu
from jax.experimental.pallas import tpu_sc as plsc

NUM_CORES = 2
NUM_SUBCORES = 16
NW = NUM_CORES * NUM_SUBCORES
NBUF = 2
PAIR = 4
NHALF = 4


@functools.partial(jax.jit, static_argnums=(2, 3, 4))
def _sc_gather(idx, table, bsz, f, d):
    per_w = bsz // NW
    per_h = per_w // NHALF
    npair = per_h // PAIR
    nout = npair // NBUF
    mesh = plsc.VectorSubcoreMesh(
        core_axis_name="c",
        subcore_axis_name="s",
        num_cores=NUM_CORES,
        num_subcores=NUM_SUBCORES,
    )

    @functools.partial(
        pl.kernel,
        out_type=jax.ShapeDtypeStruct((bsz, f, d), jnp.float32),
        mesh=mesh,
        scratch_types=[
            pltpu.VMEM((per_h, f), jnp.int32),
            pltpu.VMEM((NBUF, PAIR, f, d), jnp.float32),
        ]
        + [pltpu.SemaphoreType.DMA] * (2 * NBUF),
    )
    def k(idx_hbm, table_hbm, out_hbm, idx_v, rows_v, *sems):
        gsems = sems[:NBUF]
        osems = sems[NBUF:]
        wid = lax.axis_index("s") * NUM_CORES + lax.axis_index("c")

        def gather_wait(b):
            pltpu.make_async_copy(
                out_hbm.at[pl.ds(0, PAIR)],
                rows_v.at[b],
                gsems[b],
            ).wait()

        def store_wait(b):
            pltpu.make_async_copy(
                rows_v.at[b], out_hbm.at[pl.ds(0, PAIR)], osems[b]
            ).wait()

        for h in range(NHALF):
            base = wid * per_w + h * per_h

            pltpu.sync_copy(idx_hbm.at[pl.ds(base, per_h)], idx_v)

            def gather_start(p, b):
                for j in range(PAIR):
                    pltpu.async_copy(
                        table_hbm.at[idx_v.at[p * PAIR + j]],
                        rows_v.at[b, j],
                        gsems[b],
                    )

            def store_start(p, b):
                pltpu.async_copy(
                    rows_v.at[b],
                    out_hbm.at[pl.ds(base + p * PAIR, PAIR)],
                    osems[b],
                )

            for b in range(NBUF):
                gather_start(b, b)

            def round_body(r, carry):
                for b in range(NBUF):
                    gather_wait(b)
                    store_start(r * NBUF + b, b)

                @pl.when(r < nout - 1)
                def _prefetch():
                    for b in range(NBUF):
                        store_wait(b)
                        gather_start((r + 1) * NBUF + b, b)

                return carry

            lax.fori_loop(0, nout, round_body, 0)
            for b in range(NBUF):
                store_wait(b)

    return k(idx, table)


def kernel(indices, table):
    bsz, f = indices.shape
    d = table.shape[1]
    return _sc_gather(indices.astype(jnp.int32), table, bsz, f, d)

# --- scband reference (transcript-rebuilt; emitter-appended) ---
"""Pipeline reference for scband-model-2619930051425 (READ-ONLY COPY).

The authoritative reference and input builder live on the scoring server;
editing this copy changes nothing except your own understanding.
"""

import jax, jax.numpy as jnp
import numpy as np

NUM_EMBEDDINGS = 100000
EMBEDDING_DIM = 128
BATCH = 16384
FIELDS = 100


def setup_inputs(seed: int = 0) -> dict:
    key = jax.random.key(seed)
    k_idx, k_tab = jax.random.split(key)
    indices = jax.random.randint(k_idx, (BATCH, FIELDS), 0, NUM_EMBEDDINGS, dtype=jnp.int64 if jax.config.jax_enable_x64 else jnp.int32)
    table = jax.random.normal(k_tab, (NUM_EMBEDDINGS, EMBEDDING_DIM), dtype=jnp.float32) * 0.02
    return {"indices": indices, "table": table}


def reference(indices, table):
    # Faithful translation of nn.Embedding forward: row gather from the table.
    return jnp.take(table, indices, axis=0)

if __name__ == "__main__":
    import jax
    _d = setup_inputs()
    print(jax.jit(kernel)(*tuple(_d.values())))

</pallas_src>

<mosaic_0001>
#map = affine_map<(d0, d1) -> (0, 0)>
#map1 = affine_map<(d0, d1) -> (0, 0, 0)>
module attributes {stable_mosaic.version = 14 : i64} {
  func.func @k(%arg0: i32, %arg1: i32, %arg2: memref<16384x100xi32, #tpu.memory_space<hbm>>, %arg3: memref<100000x128xf32, #tpu.memory_space<hbm>>, %arg4: memref<16384x100x128xf32, #tpu.memory_space<hbm>>, %arg5: memref<128x100xi32, #tpu.memory_space<vmem>>, %arg6: memref<2x4x100x128xf32, #tpu.memory_space<vmem>>, %arg7: memref<!tpu.dma_semaphore, #tpu.memory_space<semaphore_mem>>, %arg8: memref<!tpu.dma_semaphore, #tpu.memory_space<semaphore_mem>>, %arg9: memref<!tpu.dma_semaphore, #tpu.memory_space<semaphore_mem>>, %arg10: memref<!tpu.dma_semaphore, #tpu.memory_space<semaphore_mem>>) attributes {dimension_semantics = [#tpu.dimension_semantics<core_parallel>, #tpu.dimension_semantics<subcore_parallel>], iteration_bounds = array<i64: 2, 16>, scalar_prefetch = 0 : i64, scratch_operands = 6 : i64, tpu.core_type = #tpu.core_type<sc_vector_subcore>, window_params = [{transform_indices = #map}, {transform_indices = #map}, {transform_indices = #map1}]} {
    %mul3A = arith.constant 2 : i32
    %mul3A_0 = arith.muli %arg1, %mul3A : i32
    %add3A = arith.addi %mul3A_0, %arg0 : i32
    %mul3A_1 = arith.constant 512 : i32
    %mul3A_2 = arith.muli %add3A, %mul3A_1 : i32
    %add3A_3 = arith.constant 0 : i32
    %add3A_4 = arith.addi %mul3A_2, %add3A_3 : i32
    "tpu.region"() ({
      %run_scoped3A = tpu.sem_alloc : memref<!tpu.dma_semaphore, #tpu.memory_space<semaphore_mem>>
      %dma_start3A_606 = arith.constant 0 : i32
      %dma_start3A_607 = tpu.memref_slice %arg2[%add3A_4, %dma_start3A_606] : memref<16384x100xi32, #tpu.memory_space<hbm>> -> memref<128x100xi32, #tpu.memory_space<hbm>>
      %dma_start3A_608 = arith.constant 0 : i32
      %dma_start3A_609 = tpu.memref_slice %arg2[%add3A_4, %dma_start3A_608] : memref<16384x100xi32, #tpu.memory_space<hbm>> -> memref<128x100xi32, #tpu.memory_space<hbm>>
      tpu.enqueue_dma source(%dma_start3A_609 : memref<128x100xi32, #tpu.memory_space<hbm>>) target(%arg5 : memref<128x100xi32, #tpu.memory_space<vmem>>) target_semaphore(%run_scoped3A : memref<!tpu.dma_semaphore, #tpu.memory_space<semaphore_mem>>)
      %dma_wait3A_610 = arith.constant 0 : i32
      %dma_wait3A_611 = tpu.memref_slice %arg2[%add3A_4, %dma_wait3A_610] : memref<16384x100xi32, #tpu.memory_space<hbm>> -> memref<128x100xi32, #tpu.memory_space<hbm>>
      %dma_wait3A_612 = arith.constant 0 : i32
      %dma_wait3A_613 = tpu.memref_slice %arg2[%add3A_4, %dma_wait3A_612] : memref<16384x100xi32, #tpu.memory_space<hbm>> -> memref<128x100xi32, #tpu.memory_space<hbm>>
      tpu.wait_dma2 semaphore(%run_scoped3A : memref<!tpu.dma_semaphore, #tpu.memory_space<semaphore_mem>>) src(%dma_wait3A_613 : memref<128x100xi32, #tpu.memory_space<hbm>>) dst(%arg5 : memref<128x100xi32, #tpu.memory_space<vmem>>)
      tpu.yield
    }) : () -> ()
    %dma_start3A = arith.constant 0 : i32
    %dma_start3A_5 = arith.constant 0 : i32
    %dma_start3A_6 = arith.constant 0 : i32
    %dma_start3A_7 = arith.constant 0 : i32
    %dma_start3A_8 = arith.constant 0 : i32
    %dma_start3A_9 = tpu.memref_slice %arg6[%dma_start3A_5, %dma_start3A_6, %dma_start3A_7, %dma_start3A_8] : memref<2x4x100x128xf32, #tpu.memory_space<vmem>> -> memref<1x1x100x128xf32, #tpu.memory_space<vmem>>
    %dma_start3A_10 = tpu.memref_squeeze %dma_start3A_9 : memref<1x1x100x128xf32, #tpu.memory_space<vmem>> -> memref<100x128xf32, #tpu.memory_space<vmem>>
    %dma_start3A_11 = arith.constant 0 : i32
    %dma_start3A_12 = tpu.memref_slice %arg5[%dma_start3A, %dma_start3A_11] : memref<128x100xi32, #tpu.memory_space<vmem>> -> memref<1x100xi32, #tpu.memory_space<vmem>>
    %dma_start3A_13 = tpu.memref_squeeze %dma_start3A_12 : memref<1x100xi32, #tpu.memory_space<vmem>> -> memref<100xi32, #tpu.memory_space<vmem>>
    %dma_start3A_14 = arith.constant 0 : i32
    %dma_start3A_15 = arith.constant 0 : i32
    %dma_start3A_16 = tpu.memref_slice %arg3[%dma_start3A_14, %dma_start3A_15] : memref<100000x128xf32, #tpu.memory_space<hbm>> -> memref<100000x128xf32, #tpu.memory_space<hbm>>
    tpu.enqueue_indirect_dma source(%dma_start3A_16 : memref<100000x128xf32, #tpu.memory_space<hbm>>) target(%dma_start3A_10 : memref<100x128xf32, #tpu.memory_space<vmem>>) offsets(%dma_start3A_13 : memref<100xi32, #tpu.memory_space<vmem>>) semaphore(%arg7 : memref<!tpu.dma_semaphore, #tpu.memory_space<semaphore_mem>>)
    %dma_start3A_17 = arith.constant 1 : i32
    %dma_start3A_18 = arith.constant 0 : i32
    %dma_start3A_19 = arith.constant 1 : i32
    %dma_start3A_20 = arith.constant 0 : i32
    %dma_start3A_21 = arith.constant 0 : i32
    %dma_start3A_22 = tpu.memref_slice %arg6[%dma_start3A_18, %dma_start3A_19, %dma_start3A_20, %dma_start3A_21] : memref<2x4x100x128xf32, #tpu.memory_space<vmem>> -> memref<1x1x100x128xf32, #tpu.memory_space<vmem>>
    %dma_start3A_23 = tpu.memref_squeeze %dma_start3A_22 : memref<1x1x100x128xf32, #tpu.memory_space<vmem>> -> memref<100x128xf32, #tpu.memory_space<vmem>>
    %dma_start3A_24 = arith.constant 0 : i32
    %dma_start3A_25 = tpu.memref_slice %arg5[%dma_start3A_17, %dma_start3A_24] : memref<128x100xi32, #tpu.memory_space<vmem>> -> memref<1x100xi32, #tpu.memory_space<vmem>>
    %dma_start3A_26 = tpu.memref_squeeze %dma_start3A_25 : memref<1x100xi32, #tpu.memory_space<vmem>> -> memref<100xi32, #tpu.memory_space<vmem>>
    %dma_start3A_27 = arith.constant 0 : i32
    %dma_start3A_28 = arith.constant 0 : i32
    %dma_start3A_29 = tpu.memref_slice %arg3[%dma_start3A_27, %dma_start3A_28] : memref<100000x128xf32, #tpu.memory_space<hbm>> -> memref<100000x128xf32, #tpu.memory_space<hbm>>
    tpu.enqueue_indirect_dma source(%dma_start3A_29 : memref<100000x128xf32, #tpu.memory_space<hbm>>) target(%dma_start3A_23 : memref<100x128xf32, #tpu.memory_space<vmem>>) offsets(%dma_start3A_26 : memref<100xi32, #tpu.memory_space<vmem>>) semaphore(%arg7 : memref<!tpu.dma_semaphore, #tpu.memory_space<semaphore_mem>>)
    %dma_start3A_30 = arith.constant 2 : i32
    %dma_start3A_31 = arith.constant 0 : i32
    %dma_start3A_32 = arith.constant 2 : i32
    %dma_start3A_33 = arith.constant 0 : i32
    %dma_start3A_34 = arith.constant 0 : i32
    %dma_start3A_35 = tpu.memref_slice %arg6[%dma_start3A_31, %dma_start3A_32, %dma_start3A_33, %dma_start3A_34] : memref<2x4x100x128xf32, #tpu.memory_space<vmem>> -> memref<1x1x100x128xf32, #tpu.memory_space<vmem>>
    %dma_start3A_36 = tpu.memref_squeeze %dma_start3A_35 : memref<1x1x100x128xf32, #tpu.memory_space<vmem>> -> memref<100x128xf32, #tpu.memory_space<vmem>>
    %dma_start3A_37 = arith.constant 0 : i32
    %dma_start3A_38 = tpu.memref_slice %arg5[%dma_start3A_30, %dma_start3A_37] : memref<128x100xi32, #tpu.memory_space<vmem>> -> memref<1x100xi32, #tpu.memory_space<vmem>>
    %dma_start3A_39 = tpu.memref_squeeze %dma_start3A_38 : memref<1x100xi32, #tpu.memory_space<vmem>> -> memref<100xi32, #tpu.memory_space<vmem>>
    %dma_start3A_40 = arith.constant 0 : i32
    %dma_start3A_41 = arith.constant 0 : i32
    %dma_start3A_42 = tpu.memref_slice %arg3[%dma_start3A_40, %dma_start3A_41] : memref<100000x128xf32, #tpu.memory_space<hbm>> -> memref<100000x128xf32, #tpu.memory_space<hbm>>
    tpu.enqueue_indirect_dma source(%dma_start3A_42 : memref<100000x128xf32, #tpu.memory_space<hbm>>) target(%dma_start3A_36 : memref<100x128xf32, #tpu.memory_space<vmem>>) offsets(%dma_start3A_39 : memref<100xi32, #tpu.memory_space<vmem>>) semaphore(%arg7 : memref<!tpu.dma_semaphore, #tpu.memory_space<semaphore_mem>>)
    %dma_start3A_43 = arith.constant 3 : i32
    %dma_start3A_44 = arith.constant 0 : i32
    %dma_start3A_45 = arith.constant 3 : i32
    %dma_start3A_46 = arith.constant 0 : i32
    %dma_start3A_47 = arith.constant 0 : i32
    %dma_start3A_48 = tpu.memref_slice %arg6[%dma_start3A_44, %dma_start3A_45, %dma_start3A_46, %dma_start3A_47] : memref<2x4x100x128xf32, #tpu.memory_space<vmem>> -> memref<1x1x100x128xf32, #tpu.memory_space<vmem>>
    %dma_start3A_49 = tpu.memref_squeeze %dma_start3A_48 : memref<1x1x100x128xf32, #tpu.memory_space<vmem>> -> memref<100x128xf32, #tpu.memory_space<vmem>>
    %dma_start3A_50 = arith.constant 0 : i32
    %dma_start3A_51 = tpu.memref_slice %arg5[%dma_start3A_43, %dma_start3A_50] : memref<128x100xi32, #tpu.memory_space<vmem>> -> memref<1x100xi32, #tpu.memory_space<vmem>>
    %dma_start3A_52 = tpu.memref_squeeze %dma_start3A_51 : memref<1x100xi32, #tpu.memory_space<vmem>> -> memref<100xi32, #tpu.memory_space<vmem>>
    %dma_start3A_53 = arith.constant 0 : i32
    %dma_start3A_54 = arith.constant 0 : i32
    %dma_start3A_55 = tpu.memref_slice %arg3[%dma_start3A_53, %dma_start3A_54] : memref<100000x128xf32, #tpu.memory_space<hbm>> -> memref<100000x128xf32, #tpu.memory_space<hbm>>
    tpu.enqueue_indirect_dma source(%dma_start3A_55 : memref<100000x128xf32, #tpu.memory_space<hbm>>) target(%dma_start3A_49 : memref<100x128xf32, #tpu.memory_space<vmem>>) offsets(%dma_start3A_52 : memref<100xi32, #tpu.memory_space<vmem>>) semaphore(%arg7 : memref<!tpu.dma_semaphore, #tpu.memory_space<semaphore_mem>>)
    %dma_start3A_56 = arith.constant 4 : i32
    %dma_start3A_57 = arith.constant 1 : i32
    %dma_start3A_58 = arith.constant 0 : i32
    %dma_start3A_59 = arith.constant 0 : i32
    %dma_start3A_60 = arith.constant 0 : i32
    %dma_start3A_61 = tpu.memref_slice %arg6[%dma_start3A_57, %dma_start3A_58, %dma_start3A_59, %dma_start3A_60] : memref<2x4x100x128xf32, #tpu.memory_space<vmem>> -> memref<1x1x100x128xf32, #tpu.memory_space<vmem>>
    %dma_start3A_62 = tpu.memref_squeeze %dma_start3A_61 : memref<1x1x100x128xf32, #tpu.memory_space<vmem>> -> memref<100x128xf32, #tpu.memory_space<vmem>>
    %dma_start3A_63 = arith.constant 0 : i32
    %dma_start3A_64 = tpu.memref_slice %arg5[%dma_start3A_56, %dma_start3A_63] : memref<128x100xi32, #tpu.memory_space<vmem>> -> memref<1x100xi32, #tpu.memory_space<vmem>>
    %dma_start3A_65 = tpu.memref_squeeze %dma_start3A_64 : memref<1x100xi32, #tpu.memory_space<vmem>> -> memref<100xi32, #tpu.memory_space<vmem>>
    %dma_start3A_66 = arith.constant 0 : i32
    %dma_start3A_67 = arith.constant 0 : i32
    %dma_start3A_68 = tpu.memref_slice %arg3[%dma_start3A_66, %dma_start3A_67] : memref<100000x128xf32, #tpu.memory_space<hbm>> -> memref<100000x128xf32, #tpu.memory_space<hbm>>
    tpu.enqueue_indirect_dma source(%dma_start3A_68 : memref<100000x128xf32, #tpu.memory_space<hbm>>) target(%dma_start3A_62 : memref<100x128xf32, #tpu.memory_space<vmem>>) offsets(%dma_start3A_65 : memref<100xi32, #tpu.memory_space<vmem>>) semaphore(%arg8 : memref<!tpu.dma_semaphore, #tpu.memory_space<semaphore_mem>>)
    %dma_start3A_69 = arith.constant 5 : i32
    %dma_start3A_70 = arith.constant 1 : i32
    %dma_start3A_71 = arith.constant 1 : i32
    %dma_start3A_72 = arith.constant 0 : i32
    %dma_start3A_73 = arith.constant 0 : i32
    %dma_start3A_74 = tpu.memref_slice %arg6[%dma_start3A_70, %dma_start3A_71, %dma_start3A_72, %dma_start3A_73] : memref<2x4x100x128xf32, #tpu.memory_space<vmem>> -> memref<1x1x100x128xf32, #tpu.memory_space<vmem>>
    %dma_start3A_75 = tpu.memref_squeeze %dma_start3A_74 : memref<1x1x100x128xf32, #tpu.memory_space<vmem>> -> memref<100x128xf32, #tpu.memory_space<vmem>>
    %dma_start3A_76 = arith.constant 0 : i32
    %dma_start3A_77 = tpu.memref_slice %arg5[%dma_start3A_69, %dma_start3A_76] : memref<128x100xi32, #tpu.memory_space<vmem>> -> memref<1x100xi32, #tpu.memory_space<vmem>>
    %dma_start3A_78 = tpu.memref_squeeze %dma_start3A_77 : memref<1x100xi32, #tpu.memory_space<vmem>> -> memref<100xi32, #tpu.memory_space<vmem>>
    %dma_start3A_79 = arith.constant 0 : i32
    %dma_start3A_80 = arith.constant 0 : i32
    %dma_start3A_81 = tpu.memref_slice %arg3[%dma_start3A_79, %dma_start3A_80] : memref<100000x128xf32, #tpu.memory_space<hbm>> -> memref<100000x128xf32, #tpu.memory_space<hbm>>
    tpu.enqueue_indirect_dma source(%dma_start3A_81 : memref<100000x128xf32, #tpu.memory_space<hbm>>) target(%dma_start3A_75 : memref<100x128xf32, #tpu.memory_space<vmem>>) offsets(%dma_start3A_78 : memref<100xi32, #tpu.memory_space<vmem>>) semaphore(%arg8 : memref<!tpu.dma_semaphore, #tpu.memory_space<semaphore_mem>>)
    %dma_start3A_82 = arith.constant 6 : i32
    %dma_start3A_83 = arith.constant 1 : i32
    %dma_start3A_84 = arith.constant 2 : i32
    %dma_start3A_85 = arith.constant 0 : i32
    %dma_start3A_86 = arith.constant 0 : i32
    %dma_start3A_87 = tpu.memref_slice %arg6[%dma_start3A_83, %dma_start3A_84, %dma_start3A_85, %dma_start3A_86] : memref<2x4x100x128xf32, #tpu.memory_space<vmem>> -> memref<1x1x100x128xf32, #tpu.memory_space<vmem>>
    %dma_start3A_88 = tpu.memref_squeeze %dma_start3A_87 : memref<1x1x100x128xf32, #tpu.memory_space<vmem>> -> memref<100x128xf32, #tpu.memory_space<vmem>>
    %dma_start3A_89 = arith.constant 0 : i32
    %dma_start3A_90 = tpu.memref_slice %arg5[%dma_start3A_82, %dma_start3A_89] : memref<128x100xi32, #tpu.memory_space<vmem>> -> memref<1x100xi32, #tpu.memory_space<vmem>>
    %dma_start3A_91 = tpu.memref_squeeze %dma_start3A_90 : memref<1x100xi32, #tpu.memory_space<vmem>> -> memref<100xi32, #tpu.memory_space<vmem>>
    %dma_start3A_92 = arith.constant 0 : i32
    %dma_start3A_93 = arith.constant 0 : i32
    %dma_start3A_94 = tpu.memref_slice %arg3[%dma_start3A_92, %dma_start3A_93] : memref<100000x128xf32, #tpu.memory_space<hbm>> -> memref<100000x128xf32, #tpu.memory_space<hbm>>
    tpu.enqueue_indirect_dma source(%dma_start3A_94 : memref<100000x128xf32, #tpu.memory_space<hbm>>) target(%dma_start3A_88 : memref<100x128xf32, #tpu.memory_space<vmem>>) offsets(%dma_start3A_91 : memref<100xi32, #tpu.memory_space<vmem>>) semaphore(%arg8 : memref<!tpu.dma_semaphore, #tpu.memory_space<semaphore_mem>>)
    %dma_start3A_95 = arith.constant 7 : i32
    %dma_start3A_96 = arith.constant 1 : i32
    %dma_start3A_97 = arith.constant 3 : i32
    %dma_start3A_98 = arith.constant 0 : i32
    %dma_start3A_99 = arith.constant 0 : i32
    %dma_start3A_100 = tpu.memref_slice %arg6[%dma_start3A_96, %dma_start3A_97, %dma_start3A_98, %dma_start3A_99] : memref<2x4x100x128xf32, #tpu.memory_space<vmem>> -> memref<1x1x100x128xf32, #tpu.memory_space<vmem>>
    %dma_start3A_101 = tpu.memref_squeeze %dma_start3A_100 : memref<1x1x100x128xf32, #tpu.memory_space<vmem>> -> memref<100x128xf32, #tpu.memory_space<vmem>>
    %dma_start3A_102 = arith.constant 0 : i32
    %dma_start3A_103 = tpu.memref_slice %arg5[%dma_start3A_95, %dma_start3A_102] : memref<128x100xi32, #tpu.memory_space<vmem>> -> memref<1x100xi32, #tpu.memory_space<vmem>>
    %dma_start3A_104 = tpu.memref_squeeze %dma_start3A_103 : memref<1x100xi32, #tpu.memory_space<vmem>> -> memref<100xi32, #tpu.memory_space<vmem>>
    %dma_start3A_105 = arith.constant 0 : i32
    %dma_start3A_106 = arith.constant 0 : i32
    %dma_start3A_107 = tpu.memref_slice %arg3[%dma_start3A_105, %dma_start3A_106] : memref<100000x128xf32, #tpu.memory_space<hbm>> -> memref<100000x128xf32, #tpu.memory_space<hbm>>
    tpu.enqueue_indirect_dma source(%dma_start3A_107 : memref<100000x128xf32, #tpu.memory_space<hbm>>) target(%dma_start3A_101 : memref<100x128xf32, #tpu.memory_space<vmem>>) offsets(%dma_start3A_104 : memref<100xi32, #tpu.memory_space<vmem>>) semaphore(%arg8 : memref<!tpu.dma_semaphore, #tpu.memory_space<semaphore_mem>>)
    %scan3A = arith.constant 0 : i32
    %scan3A_108 = arith.constant 0 : i32
    %scan3A_109 = arith.constant 16 : i32
    %scan3A_110 = arith.addi %scan3A_108, %scan3A_109 : i32
    %scan3A_111 = arith.constant 1 : i32
    scf.for %scan3A_606 = %scan3A_108 to %scan3A_110 step %scan3A_111  : i32 {
      %dma_wait3A_607 = arith.constant 0 : i32
      %dma_wait3A_608 = arith.constant 0 : i32
      %dma_wait3A_609 = arith.constant 0 : i32
      %dma_wait3A_610 = arith.constant 0 : i32
      %dma_wait3A_611 = tpu.memref_slice %arg6[%dma_wait3A_607, %dma_wait3A_608, %dma_wait3A_609, %dma_wait3A_610] : memref<2x4x100x128xf32, #tpu.memory_space<vmem>> -> memref<1x4x100x128xf32, #tpu.memory_space<vmem>>
      %dma_wait3A_612 = tpu.memref_squeeze %dma_wait3A_611 : memref<1x4x100x128xf32, #tpu.memory_space<vmem>> -> memref<4x100x128xf32, #tpu.memory_space<vmem>>
      %dma_wait3A_613 = arith.constant 0 : i32
      %dma_wait3A_614 = arith.constant 0 : i32
      %dma_wait3A_615 = arith.constant 0 : i32
      %dma_wait3A_616 = tpu.memref_slice %arg4[%dma_wait3A_613, %dma_wait3A_614, %dma_wait3A_615] : memref<16384x100x128xf32, #tpu.memory_space<hbm>> -> memref<4x100x128xf32, #tpu.memory_space<hbm>>
      %dma_wait3A_617 = arith.constant 0 : i32
      %dma_wait3A_618 = arith.constant 0 : i32
      %dma_wait3A_619 = arith.constant 0 : i32
      %dma_wait3A_620 = tpu.memref_slice %arg6[%dma_wait3A_607, %dma_wait3A_617, %dma_wait3A_618, %dma_wait3A_619] : memref<2x4x100x128xf32, #tpu.memory_space<vmem>> -> memref<1x4x100x128xf32, #tpu.memory_space<vmem>>
      %dma_wait3A_621 = tpu.memref_squeeze %dma_wait3A_620 : memref<1x4x100x128xf32, #tpu.memory_space<vmem>> -> memref<4x100x128xf32, #tpu.memory_space<vmem>>
      %dma_wait3A_622 = arith.constant 0 : i32
      %dma_wait3A_623 = arith.constant 0 : i32
      %dma_wait3A_624 = arith.constant 0 : i32
      %dma_wait3A_625 = tpu.memref_slice %arg4[%dma_wait3A_622, %dma_wait3A_623, %dma_wait3A_624] : memref<16384x100x128xf32, #tpu.memory_space<hbm>> -> memref<4x100x128xf32, #tpu.memory_space<hbm>>
      tpu.wait_dma2 semaphore(%arg7 : memref<!tpu.dma_semaphore, #tpu.memory_space<semaphore_mem>>) src(%dma_wait3A_625 : memref<4x100x128xf32, #tpu.memory_space<hbm>>) dst(%dma_wait3A_621 : memref<4x100x128xf32, #tpu.memory_space<vmem>>)
      %mul3A_626 = arith.constant 2 : i32
      %mul3A_627 = arith.muli %scan3A_606, %mul3A_626 : i32
      %add3A_628 = arith.constant 0 : i32
      %add3A_629 = arith.addi %mul3A_627, %add3A_628 : i32
      %mul3A_630 = arith.constant 4 : i32
      %mul3A_631 = arith.muli %add3A_629, %mul3A_630 : i32
      %add3A_632 = arith.addi %add3A_4, %mul3A_631 : i32
      %dma_start3A_633 = arith.constant 0 : i32
      %dma_start3A_634 = arith.constant 0 : i32
      %dma_start3A_635 = arith.constant 0 : i32
      %dma_start3A_636 = arith.constant 0 : i32
      %dma_start3A_637 = tpu.memref_slice %arg6[%dma_start3A_633, %dma_start3A_634, %dma_start3A_635, %dma_start3A_636] : memref<2x4x100x128xf32, #tpu.memory_space<vmem>> -> memref<1x4x100x128xf32, #tpu.memory_space<vmem>>
      %dma_start3A_638 = tpu.memref_squeeze %dma_start3A_637 : memref<1x4x100x128xf32, #tpu.memory_space<vmem>> -> memref<4x100x128xf32, #tpu.memory_space<vmem>>
      %dma_start3A_639 = arith.constant 0 : i32
      %dma_start3A_640 = arith.constant 0 : i32
      %dma_start3A_641 = tpu.memref_slice %arg4[%add3A_632, %dma_start3A_639, %dma_start3A_640] : memref<16384x100x128xf32, #tpu.memory_space<hbm>> -> memref<4x100x128xf32, #tpu.memory_space<hbm>>
      %dma_start3A_642 = arith.constant 0 : i32
      %dma_start3A_643 = arith.constant 0 : i32
      %dma_start3A_644 = tpu.memref_slice %arg4[%add3A_632, %dma_start3A_642, %dma_start3A_643] : memref<16384x100x128xf32, #tpu.memory_space<hbm>> -> memref<4x100x128xf32, #tpu.memory_space<hbm>>
      %dma_start3A_645 = arith.constant 0 : i32
      %dma_start3A_646 = arith.constant 0 : i32
      %dma_start3A_647 = arith.constant 0 : i32
      %dma_start3A_648 = tpu.memref_slice %arg6[%dma_start3A_633, %dma_start3A_645, %dma_start3A_646, %dma_start3A_647] : memref<2x4x100x128xf32, #tpu.memory_space<vmem>> -> memref<1x4x100x128xf32, #tpu.memory_space<vmem>>
      %dma_start3A_649 = tpu.memref_squeeze %dma_start3A_648 : memref<1x4x100x128xf32, #tpu.memory_space<vmem>> -> memref<4x100x128xf32, #tpu.memory_space<vmem>>
      tpu.enqueue_dma source(%dma_start3A_649 : memref<4x100x128xf32, #tpu.memory_space<vmem>>) target(%dma_start3A_644 : memref<4x100x128xf32, #tpu.memory_space<hbm>>) target_semaphore(%arg9 : memref<!tpu.dma_semaphore, #tpu.memory_space<semaphore_mem>>)
      %dma_wait3A_650 = arith.constant 1 : i32
      %dma_wait3A_651 = arith.constant 0 : i32
      %dma_wait3A_652 = arith.constant 0 : i32
      %dma_wait3A_653 = arith.constant 0 : i32
      %dma_wait3A_654 = tpu.memref_slice %arg6[%dma_wait3A_650, %dma_wait3A_651, %dma_wait3A_652, %dma_wait3A_653] : memref<2x4x100x128xf32, #tpu.memory_space<vmem>> -> memref<1x4x100x128xf32, #tpu.memory_space<vmem>>
      %dma_wait3A_655 = tpu.memref_squeeze %dma_wait3A_654 : memref<1x4x100x128xf32, #tpu.memory_space<vmem>> -> memref<4x100x128xf32, #tpu.memory_space<vmem>>
      %dma_wait3A_656 = arith.constant 0 : i32
      %dma_wait3A_657 = arith.constant 0 : i32
      %dma_wait3A_658 = arith.constant 0 : i32
      %dma_wait3A_659 = tpu.memref_slice %arg4[%dma_wait3A_656, %dma_wait3A_657, %dma_wait3A_658] : memref<16384x100x128xf32, #tpu.memory_space<hbm>> -> memref<4x100x128xf32, #tpu.memory_space<hbm>>
      %dma_wait3A_660 = arith.constant 0 : i32
      %dma_wait3A_661 = arith.constant 0 : i32
      %dma_wait3A_662 = arith.constant 0 : i32
      %dma_wait3A_663 = tpu.memref_slice %arg6[%dma_wait3A_650, %dma_wait3A_660, %dma_wait3A_661, %dma_wait3A_662] : memref<2x4x100x128xf32, #tpu.memory_space<vmem>> -> memref<1x4x100x128xf32, #tpu.memory_space<vmem>>
      %dma_wait3A_664 = tpu.memref_squeeze %dma_wait3A_663 : memref<1x4x100x128xf32, #tpu.memory_space<vmem>> -> memref<4x100x128xf32, #tpu.memory_space<vmem>>
      %dma_wait3A_665 = arith.constant 0 : i32
      %dma_wait3A_666 = arith.constant 0 : i32
      %dma_wait3A_667 = arith.constant 0 : i32
      %dma_wait3A_668 = tpu.memref_slice %arg4[%dma_wait3A_665, %dma_wait3A_666, %dma_wait3A_667] : memref<16384x100x128xf32, #tpu.memory_space<hbm>> -> memref<4x100x128xf32, #tpu.memory_space<hbm>>
      tpu.wait_dma2 semaphore(%arg8 : memref<!tpu.dma_semaphore, #tpu.memory_space<semaphore_mem>>) src(%dma_wait3A_668 : memref<4x100x128xf32, #tpu.memory_space<hbm>>) dst(%dma_wait3A_664 : memref<4x100x128xf32, #tpu.memory_space<vmem>>)
      %mul3A_669 = arith.constant 2 : i32
      %mul3A_670 = arith.muli %scan3A_606, %mul3A_669 : i32
      %add3A_671 = arith.constant 1 : i32
      %add3A_672 = arith.addi %mul3A_670, %add3A_671 : i32
      %mul3A_673 = arith.constant 4 : i32
      %mul3A_674 = arith.muli %add3A_672, %mul3A_673 : i32
      %add3A_675 = arith.addi %add3A_4, %mul3A_674 : i32
      %dma_start3A_676 = arith.constant 1 : i32
      %dma_start3A_677 = arith.constant 0 : i32
      %dma_start3A_678 = arith.constant 0 : i32
      %dma_start3A_679 = arith.constant 0 : i32
      %dma_start3A_680 = tpu.memref_slice %arg6[%dma_start3A_676, %dma_start3A_677, %dma_start3A_678, %dma_start3A_679] : memref<2x4x100x128xf32, #tpu.memory_space<vmem>> -> memref<1x4x100x128xf32, #tpu.memory_space<vmem>>
      %dma_start3A_681 = tpu.memref_squeeze %dma_start3A_680 : memref<1x4x100x128xf32, #tpu.memory_space<vmem>> -> memref<4x100x128xf32, #tpu.memory_space<vmem>>
      %dma_start3A_682 = arith.constant 0 : i32
      %dma_start3A_683 = arith.constant 0 : i32
      %dma_start3A_684 = tpu.memref_slice %arg4[%add3A_675, %dma_start3A_682, %dma_start3A_683] : memref<16384x100x128xf32, #tpu.memory_space<hbm>> -> memref<4x100x128xf32, #tpu.memory_space<hbm>>
      %dma_start3A_685 = arith.constant 0 : i32
      %dma_start3A_686 = arith.constant 0 : i32
      %dma_start3A_687 = tpu.memref_slice %arg4[%add3A_675, %dma_start3A_685, %dma_start3A_686] : memref<16384x100x128xf32, #tpu.memory_space<hbm>> -> memref<4x100x128xf32, #tpu.memory_space<hbm>>
      %dma_start3A_688 = arith.constant 0 : i32
      %dma_start3A_689 = arith.constant 0 : i32
      %dma_start3A_690 = arith.constant 0 : i32
      %dma_start3A_691 = tpu.memref_slice %arg6[%dma_start3A_676, %dma_start3A_688, %dma_start3A_689, %dma_start3A_690] : memref<2x4x100x128xf32, #tpu.memory_space<vmem>> -> memref<1x4x100x128xf32, #tpu.memory_space<vmem>>
      %dma_start3A_692 = tpu.memref_squeeze %dma_start3A_691 : memref<1x4x100x128xf32, #tpu.memory_space<vmem>> -> memref<4x100x128xf32, #tpu.memory_space<vmem>>
      tpu.enqueue_dma source(%dma_start3A_692 : memref<4x100x128xf32, #tpu.memory_space<vmem>>) target(%dma_start3A_687 : memref<4x100x128xf32, #tpu.memory_space<hbm>>) target_semaphore(%arg10 : memref<!tpu.dma_semaphore, #tpu.memory_space<semaphore_mem>>)
      %lt3A = arith.constant 15 : i32
      %lt3A_693 = arith.cmpi slt, %scan3A_606, %lt3A : i32
      %convert_element_type3A = arith.extui %lt3A_693 : i1 to i32
      %cond3A = arith.constant 0 : i32
      %cond3A_694 = arith.cmpi ne, %convert_element_type3A, %cond3A : i32
      scf.if %cond3A_694 {
        %dma_wait3A_695 = arith.constant 0 : i32
        %dma_wait3A_696 = arith.constant 0 : i32
        %dma_wait3A_697 = arith.constant 0 : i32
        %dma_wait3A_698 = arith.constant 0 : i32
        %dma_wait3A_699 = tpu.memref_slice %arg6[%dma_wait3A_695, %dma_wait3A_696, %dma_wait3A_697, %dma_wait3A_698] : memref<2x4x100x128xf32, #tpu.memory_space<vmem>> -> memref<1x4x100x128xf32, #tpu.memory_space<vmem>>
        %dma_wait3A_700 = tpu.memref_squeeze %dma_wait3A_699 : memref<1x4x100x128xf32, #tpu.memory_space<vmem>> -> memref<4x100x128xf32, #tpu.memory_space<vmem>>
        %dma_wait3A_701 = arith.constant 0 : i32
        %dma_wait3A_702 = arith.constant 0 : i32
        %dma_wait3A_703 = arith.constant 0 : i32
        %dma_wait3A_704 = tpu.memref_slice %arg4[%dma_wait3A_701, %dma_wait3A_702, %dma_wait3A_703] : memref<16384x100x128xf32, #tpu.memory_space<hbm>> -> memref<4x100x128xf32, #tpu.memory_space<hbm>>
        %dma_wait3A_705 = arith.constant 0 : i32
        %dma_wait3A_706 = arith.constant 0 : i32
        %dma_wait3A_707 = arith.constant 0 : i32
        %dma_wait3A_708 = tpu.memref_slice %arg4[%dma_wait3A_705, %dma_wait3A_706, %dma_wait3A_707] : memref<16384x100x128xf32, #tpu.memory_space<hbm>> -> memref<4x100x128xf32, #tpu.memory_space<hbm>>
        %dma_wait3A_709 = arith.constant 0 : i32
        %dma_wait3A_710 = arith.constant 0 : i32
        %dma_wait3A_711 = arith.constant 0 : i32
        %dma_wait3A_712 = tpu.memref_slice %arg6[%dma_wait3A_695, %dma_wait3A_709, %dma_wait3A_710, %dma_wait3A_711] : memref<2x4x100x128xf32, #tpu.memory_space<vmem>> -> memref<1x4x100x128xf32, #tpu.memory_space<vmem>>
        %dma_wait3A_713 = tpu.memref_squeeze %dma_wait3A_712 : memref<1x4x100x128xf32, #tpu.memory_space<vmem>> -> memref<4x100x128xf32, #tpu.memory_space<vmem>>
        tpu.wait_dma2 semaphore(%arg9 : memref<!tpu.dma_semaphore, #tpu.memory_space<semaphore_mem>>) src(%dma_wait3A_713 : memref<4x100x128xf32, #tpu.memory_space<vmem>>) dst(%dma_wait3A_708 : memref<4x100x128xf32, #tpu.memory_space<hbm>>)
        %add3A_714 = arith.constant 1 : i32
        %add3A_715 = arith.addi %scan3A_606, %add3A_714 : i32
        %mul3A_716 = arith.constant 2 : i32
        %mul3A_717 = arith.muli %add3A_715, %mul3A_716 : i32
        %add3A_718 = arith.constant 0 : i32
        %add3A_719 = arith.addi %mul3A_717, %add3A_718 : i32
        %mul3A_720 = arith.constant 4 : i32
        %mul3A_721 = arith.muli %add3A_719, %mul3A_720 : i32
        %add3A_722 = arith.constant 0 : i32
        %add3A_723 = arith.addi %mul3A_721, %add3A_722 : i32
        %dma_start3A_724 = arith.constant 0 : i32
        %dma_start3A_725 = arith.constant 0 : i32
        %dma_start3A_726 = arith.constant 0 : i32
        %dma_start3A_727 = arith.constant 0 : i32
        %dma_start3A_728 = tpu.memref_slice %arg6[%dma_start3A_724, %dma_start3A_725, %dma_start3A_726, %dma_start3A_727] : memref<2x4x100x128xf32, #tpu.memory_space<vmem>> -> memref<1x1x100x128xf32, #tpu.memory_space<vmem>>
        %dma_start3A_729 = tpu.memref_squeeze %dma_start3A_728 : memref<1x1x100x128xf32, #tpu.memory_space<vmem>> -> memref<100x128xf32, #tpu.memory_space<vmem>>
        %dma_start3A_730 = arith.constant 0 : i32
        %dma_start3A_731 = tpu.memref_slice %arg5[%add3A_723, %dma_start3A_730] : memref<128x100xi32, #tpu.memory_space<vmem>> -> memref<1x100xi32, #tpu.memory_space<vmem>>
        %dma_start3A_732 = tpu.memref_squeeze %dma_start3A_731 : memref<1x100xi32, #tpu.memory_space<vmem>> -> memref<100xi32, #tpu.memory_space<vmem>>
        %dma_start3A_733 = arith.constant 0 : i32
        %dma_start3A_734 = arith.constant 0 : i32
        %dma_start3A_735 = tpu.memref_slice %arg3[%dma_start3A_733, %dma_start3A_734] : memref<100000x128xf32, #tpu.memory_space<hbm>> -> memref<100000x128xf32, #tpu.memory_space<hbm>>
        tpu.enqueue_indirect_dma source(%dma_start3A_735 : memref<100000x128xf32, #tpu.memory_space<hbm>>) target(%dma_start3A_729 : memref<100x128xf32, #tpu.memory_space<vmem>>) offsets(%dma_start3A_732 : memref<100xi32, #tpu.memory_space<vmem>>) semaphore(%arg7 : memref<!tpu.dma_semaphore, #tpu.memory_space<semaphore_mem>>)
        %mul3A_736 = arith.constant 4 : i32
        %mul3A_737 = arith.muli %add3A_719, %mul3A_736 : i32
        %add3A_738 = arith.constant 1 : i32
        %add3A_739 = arith.addi %mul3A_737, %add3A_738 : i32
        %dma_start3A_740 = arith.constant 0 : i32
        %dma_start3A_741 = arith.constant 1 : i32
        %dma_start3A_742 = arith.constant 0 : i32
        %dma_start3A_743 = arith.constant 0 : i32
        %dma_start3A_744 = tpu.memref_slice %arg6[%dma_start3A_740, %dma_start3A_741, %dma_start3A_742, %dma_start3A_743] : memref<2x4x100x128xf32, #tpu.memory_space<vmem>> -> memref<1x1x100x128xf32, #tpu.memory_space<vmem>>
        %dma_start3A_745 = tpu.memref_squeeze %dma_start3A_744 : memref<1x1x100x128xf32, #tpu.memory_space<vmem>> -> memref<100x128xf32, #tpu.memory_space<vmem>>
        %dma_start3A_746 = arith.constant 0 : i32
        %dma_start3A_747 = tpu.memref_slice %arg5[%add3A_739, %dma_start3A_746] : memref<128x100xi32, #tpu.memory_space<vmem>> -> memref<1x100xi32, #tpu.memory_space<vmem>>
        %dma_start3A_748 = tpu.memref_squeeze %dma_start3A_747 : memref<1x100xi32, #tpu.memory_space<vmem>> -> memref<100xi32, #tpu.memory_space<vmem>>
        %dma_start3A_749 = arith.constant 0 : i32
        %dma_start3A_750 = arith.constant 0 : i32
        %dma_start3A_751 = tpu.memref_slice %arg3[%dma_start3A_749, %dma_start3A_750] : memref<100000x128xf32, #tpu.memory_space<hbm>> -> memref<100000x128xf32, #tpu.memory_space<hbm>>
        tpu.enqueue_indirect_dma source(%dma_start3A_751 : memref<100000x128xf32, #tpu.memory_space<hbm>>) target(%dma_start3A_745 : memref<100x128xf32, #tpu.memory_space<vmem>>) offsets(%dma_start3A_748 : memref<100xi32, #tpu.memory_space<vmem>>) semaphore(%arg7 : memref<!tpu.dma_semaphore, #tpu.memory_space<semaphore_mem>>)
        %mul3A_752 = arith.constant 4 : i32
        %mul3A_753 = arith.muli %add3A_719, %mul3A_752 : i32
        %add3A_754 = arith.constant 2 : i32
        %add3A_755 = arith.addi %mul3A_753, %add3A_754 : i32
        %dma_start3A_756 = arith.constant 0 : i32
        %dma_start3A_757 = arith.constant 2 : i32
        %dma_start3A_758 = arith.constant 0 : i32
        %dma_start3A_759 = arith.constant 0 : i32
        %dma_start3A_760 = tpu.memref_slice %arg6[%dma_start3A_756, %dma_start3A_757, %dma_start3A_758, %dma_start3A_759] : memref<2x4x100x128xf32, #tpu.memory_space<vmem>> -> memref<1x1x100x128xf32, #tpu.memory_space<vmem>>
        %dma_start3A_761 = tpu.memref_squeeze %dma_start3A_760 : memref<1x1x100x128xf32, #tpu.memory_space<vmem>> -> memref<100x128xf32, #tpu.memory_space<vmem>>
        %dma_start3A_762 = arith.constant 0 : i32
        %dma_start3A_763 = tpu.memref_slice %arg5[%add3A_755, %dma_start3A_762] : memref<128x100xi32, #tpu.memory_space<vmem>> -> memref<1x100xi32, #tpu.memory_space<vmem>>
        %dma_start3A_764 = tpu.memref_squeeze %dma_start3A_763 : memref<1x100xi32, #tpu.memory_space<vmem>> -> memref<100xi32, #tpu.memory_space<vmem>>
        %dma_start3A_765 = arith.constant 0 : i32
        %dma_start3A_766 = arith.constant 0 : i32
        %dma_start3A_767 = tpu.memref_slice %arg3[%dma_start3A_765, %dma_start3A_766] : memref<100000x128xf32, #tpu.memory_space<hbm>> -> memref<100000x128xf32, #tpu.memory_space<hbm>>
        tpu.enqueue_indirect_dma source(%dma_start3A_767 : memref<100000x128xf32, #tpu.memory_space<hbm>>) target(%dma_start3A_761 : memref<100x128xf32, #tpu.memory_space<vmem>>) offsets(%dma_start3A_764 : memref<100xi32, #tpu.memory_space<vmem>>) semaphore(%arg7 : memref<!tpu.dma_semaphore, #tpu.memory_space<semaphore_mem>>)
        %mul3A_768 = arith.constant 4 : i32
        %mul3A_769 = arith.muli %add3A_719, %mul3A_768 : i32
        %add3A_770 = arith.constant 3 : i32
        %add3A_771 = arith.addi %mul3A_769, %add3A_770 : i32
        %dma_start3A_772 = arith.constant 0 : i32
        %dma_start3A_773 = arith.constant 3 : i32
        %dma_start3A_774 = arith.constant 0 : i32
        %dma_start3A_775 = arith.constant 0 : i32
        %dma_start3A_776 = tpu.memref_slice %arg6[%dma_start3A_772, %dma_start3A_773, %dma_start3A_774, %dma_start3A_775] : memref<2x4x100x128xf32, #tpu.memory_space<vmem>> -> memref<1x1x100x128xf32, #tpu.memory_space<vmem>>
        %dma_start3A_777 = tpu.memref_squeeze %dma_start3A_776 : memref<1x1x100x128xf32, #tpu.memory_space<vmem>> -> memref<100x128xf32, #tpu.memory_space<vmem>>
        %dma_start3A_778 = arith.constant 0 : i32
        %dma_start3A_779 = tpu.memref_slice %arg5[%add3A_771, %dma_start3A_778] : memref<128x100xi32, #tpu.memory_space<vmem>> -> memref<1x100xi32, #tpu.memory_space<vmem>>
        %dma_start3A_780 = tpu.memref_squeeze %dma_start3A_779 : memref<1x100xi32, #tpu.memory_space<vmem>> -> memref<100xi32, #tpu.memory_space<vmem>>
        %dma_start3A_781 = arith.constant 0 : i32
        %dma_start3A_782 = arith.constant 0 : i32
        %dma_start3A_783 = tpu.memref_slice %arg3[%dma_start3A_781, %dma_start3A_782] : memref<100000x128xf32, #tpu.memory_space<hbm>> -> memref<100000x128xf32, #tpu.memory_space<hbm>>
        tpu.enqueue_indirect_dma source(%dma_start3A_783 : memref<100000x128xf32, #tpu.memory_space<hbm>>) target(%dma_start3A_777 : memref<100x128xf32, #tpu.memory_space<vmem>>) offsets(%dma_start3A_780 : memref<100xi32, #tpu.memory_space<vmem>>) semaphore(%arg7 : memref<!tpu.dma_semaphore, #tpu.memory_space<semaphore_mem>>)
        %dma_wait3A_784 = arith.constant 1 : i32
        %dma_wait3A_785 = arith.constant 0 : i32
        %dma_wait3A_786 = arith.constant 0 : i32
        %dma_wait3A_787 = arith.constant 0 : i32
        %dma_wait3A_788 = tpu.memref_slice %arg6[%dma_wait3A_784, %dma_wait3A_785, %dma_wait3A_786, %dma_wait3A_787] : memref<2x4x100x128xf32, #tpu.memory_space<vmem>> -> memref<1x4x100x128xf32, #tpu.memory_space<vmem>>
        %dma_wait3A_789 = tpu.memref_squeeze %dma_wait3A_788 : memref<1x4x100x128xf32, #tpu.memory_space<vmem>> -> memref<4x100x128xf32, #tpu.memory_space<vmem>>
        %dma_wait3A_790 = arith.constant 0 : i32
        %dma_wait3A_791 = arith.constant 0 : i32
        %dma_wait3A_792 = arith.constant 0 : i32
        %dma_wait3A_793 = tpu.memref_slice %arg4[%dma_wait3A_790, %dma_wait3A_791, %dma_wait3A_792] : memref<16384x100x128xf32, #tpu.memory_space<hbm>> -> memref<4x100x128xf32, #tpu.memory_space<hbm>>
        %dma_wait3A_794 = arith.constant 0 : i32
        %dma_wait3A_795 = arith.constant 0 : i32
        %dma_wait3A_796 = arith.constant 0 : i32
        %dma_wait3A_797 = tpu.memref_slice %arg4[%dma_wait3A_794, %dma_wait3A_795, %dma_wait3A_796] : memref<16384x100x128xf32, #tpu.memory_space<hbm>> -> memref<4x100x128xf32, #tpu.memory_space<hbm>>
        %dma_wait3A_798 = arith.constant 0 : i32
        %dma_wait3A_799 = arith.constant 0 : i32
        %dma_wait3A_800 = arith.constant 0 : i32
        %dma_wait3A_801 = tpu.memref_slice %arg6[%dma_wait3A_784, %dma_wait3A_798, %dma_wait3A_799, %dma_wait3A_800] : memref<2x4x100x128xf32, #tpu.memory_space<vmem>> -> memref<1x4x100x128xf32, #tpu.memory_space<vmem>>
        %dma_wait3A_802 = tpu.memref_squeeze %dma_wait3A_801 : memref<1x4x100x128xf32, #tpu.memory_space<vmem>> -> memref<4x100x128xf32, #tpu.memory_space<vmem>>
        tpu.wait_dma2 semaphore(%arg10 : memref<!tpu.dma_semaphore, #tpu.memory_space<semaphore_mem>>) src(%dma_wait3A_802 : memref<4x100x128xf32, #tpu.memory_space<vmem>>) dst(%dma_wait3A_797 : memref<4x100x128xf32, #tpu.memory_space<hbm>>)
        %add3A_803 = arith.constant 1 : i32
        %add3A_804 = arith.addi %scan3A_606, %add3A_803 : i32
        %mul3A_805 = arith.constant 2 : i32
        %mul3A_806 = arith.muli %add3A_804, %mul3A_805 : i32
        %add3A_807 = arith.constant 1 : i32
        %add3A_808 = arith.addi %mul3A_806, %add3A_807 : i32
        %mul3A_809 = arith.constant 4 : i32
        %mul3A_810 = arith.muli %add3A_808, %mul3A_809 : i32
        %add3A_811 = arith.constant 0 : i32
        %add3A_812 = arith.addi %mul3A_810, %add3A_811 : i32
        %dma_start3A_813 = arith.constant 1 : i32
        %dma_start3A_814 = arith.constant 0 : i32
        %dma_start3A_815 = arith.constant 0 : i32
        %dma_start3A_816 = arith.constant 0 : i32
        %dma_start3A_817 = tpu.memref_slice %arg6[%dma_start3A_813, %dma_start3A_814, %dma_start3A_815, %dma_start3A_816] : memref<2x4x100x128xf32, #tpu.memory_space<vmem>> -> memref<1x1x100x128xf32, #tpu.memory_space<vmem>>
        %dma_start3A_818 = tpu.memref_squeeze %dma_start3A_817 : memref<1x1x100x128xf32, #tpu.memory_space<vmem>> -> memref<100x128xf32, #tpu.memory_space<vmem>>
        %dma_start3A_819 = arith.constant 0 : i32
        %dma_start3A_820 = tpu.memref_slice %arg5[%add3A_812, %dma_start3A_819] : memref<128x100xi32, #tpu.memory_space<vmem>> -> memref<1x100xi32, #tpu.memory_space<vmem>>
        %dma_start3A_821 = tpu.memref_squeeze %dma_start3A_820 : memref<1x100xi32, #tpu.memory_space<vmem>> -> memref<100xi32, #tpu.memory_space<vmem>>
        %dma_start3A_822 = arith.constant 0 : i32
        %dma_start3A_823 = arith.constant 0 : i32
        %dma_start3A_824 = tpu.memref_slice %arg3[%dma_start3A_822, %dma_start3A_823] : memref<100000x128xf32, #tpu.memory_space<hbm>> -> memref<100000x128xf32, #tpu.memory_space<hbm>>
        tpu.enqueue_indirect_dma source(%dma_start3A_824 : memref<100000x128xf32, #tpu.memory_space<hbm>>) target(%dma_start3A_818 : memref<100x128xf32, #tpu.memory_space<vmem>>) offsets(%dma_start3A_821 : memref<100xi32, #tpu.memory_space<vmem>>) semaphore(%arg8 : memref<!tpu.dma_semaphore, #tpu.memory_space<semaphore_mem>>)
        %mul3A_825 = arith.constant 4 : i32
        %mul3A_826 = arith.muli %add3A_808, %mul3A_825 : i32
        %add3A_827 = arith.constant 1 : i32
        %add3A_828 = arith.addi %mul3A_826, %add3A_827 : i32
        %dma_start3A_829 = arith.constant 1 : i32
        %dma_start3A_830 = arith.constant 1 : i32
        %dma_start3A_831 = arith.constant 0 : i32
        %dma_start3A_832 = arith.constant 0 : i32
        %dma_start3A_833 = tpu.memref_slice %arg6[%dma_start3A_829, %dma_start3A_830, %dma_start3A_831, %dma_start3A_832] : memref<2x4x100x128xf32, #tpu.memory_space<vmem>> -> memref<1x1x100x128xf32, #tpu.memory_space<vmem>>
        %dma_start3A_834 = tpu.memref_squeeze %dma_start3A_833 : memref<1x1x100x128xf32, #tpu.memory_space<vmem>> -> memref<100x128xf32, #tpu.memory_space<vmem>>
        %dma_start3A_835 = arith.constant 0 : i32
        %dma_start3A_836 = tpu.memref_slice %arg5[%add3A_828, %dma_start3A_835] : memref<128x100xi32, #tpu.memory_space<vmem>> -> memref<1x100xi32, #tpu.memory_space<vmem>>
        %dma_start3A_837 = tpu.memref_squeeze %dma_start3A_836 : memref<1x100xi32, #tpu.memory_space<vmem>> -> memref<100xi32, #tpu.memory_space<vmem>>
        %dma_start3A_838 = arith.constant 0 : i32
        %dma_start3A_839 = arith.constant 0 : i32
        %dma_start3A_840 = tpu.memref_slice %arg3[%dma_start3A_838, %dma_start3A_839] : memref<100000x128xf32, #tpu.memory_space<hbm>> -> memref<100000x128xf32, #tpu.memory_space<hbm>>
        tpu.enqueue_indirect_dma source(%dma_start3A_840 : memref<100000x128xf32, #tpu.memory_space<hbm>>) target(%dma_start3A_834 : memref<100x128xf32, #tpu.memory_space<vmem>>) offsets(%dma_start3A_837 : memref<100xi32, #tpu.memory_space<vmem>>) semaphore(%arg8 : memref<!tpu.dma_semaphore, #tpu.memory_space<semaphore_mem>>)
        %mul3A_841 = arith.constant 4 : i32
        %mul3A_842 = arith.muli %add3A_808, %mul3A_841 : i32
        %add3A_843 = arith.constant 2 : i32
        %add3A_844 = arith.addi %mul3A_842, %add3A_843 : i32
        %dma_start3A_845 = arith.constant 1 : i32
        %dma_start3A_846 = arith.constant 2 : i32
        %dma_start3A_847 = arith.constant 0 : i32
        %dma_start3A_848 = arith.constant 0 : i32
        %dma_start3A_849 = tpu.memref_slice %arg6[%dma_start3A_845, %dma_start3A_846, %dma_start3A_847, %dma_start3A_848] : memref<2x4x100x128xf32, #tpu.memory_space<vmem>> -> memref<1x1x100x128xf32, #tpu.memory_space<vmem>>
        %dma_start3A_850 = tpu.memref_squeeze %dma_start3A_849 : memref<1x1x100x128xf32, #tpu.memory_space<vmem>> -> memref<100x128xf32, #tpu.memory_space<vmem>>
        %dma_start3A_851 = arith.constant 0 : i32
        %dma_start3A_852 = tpu.memref_slice %arg5[%add3A_844, %dma_start3A_851] : memref<128x100xi32, #tpu.memory_space<vmem>> -> memref<1x100xi32, #tpu.memory_space<vmem>>
        %dma_start3A_853 = tpu.memref_squeeze %dma_start3A_852 : memref<1x100xi32, #tpu.memory_space<vmem>> -> memref<100xi32, #tpu.memory_space<vmem>>
        %dma_start3A_854 = arith.constant 0 : i32
        %dma_start3A_855 = arith.constant 0 : i32
        %dma_start3A_856 = tpu.memref_slice %arg3[%dma_start3A_854, %dma_start3A_855] : memref<100000x128xf32, #tpu.memory_space<hbm>> -> memref<100000x128xf32, #tpu.memory_space<hbm>>
        tpu.enqueue_indirect_dma source(%dma_start3A_856 : memref<100000x128xf32, #tpu.memory_space<hbm>>) target(%dma_start3A_850 : memref<100x128xf32, #tpu.memory_space<vmem>>) offsets(%dma_start3A_853 : memref<100xi32, #tpu.memory_space<vmem>>) semaphore(%arg8 : memref<!tpu.dma_semaphore, #tpu.memory_space<semaphore_mem>>)
        %mul3A_857 = arith.constant 4 : i32
        %mul3A_858 = arith.muli %add3A_808, %mul3A_857 : i32
        %add3A_859 = arith.constant 3 : i32
        %add3A_860 = arith.addi %mul3A_858, %add3A_859 : i32
        %dma_start3A_861 = arith.constant 1 : i32
        %dma_start3A_862 = arith.constant 3 : i32
        %dma_start3A_863 = arith.constant 0 : i32
        %dma_start3A_864 = arith.constant 0 : i32
        %dma_start3A_865 = tpu.memref_slice %arg6[%dma_start3A_861, %dma_start3A_862, %dma_start3A_863, %dma_start3A_864] : memref<2x4x100x128xf32, #tpu.memory_space<vmem>> -> memref<1x1x100x128xf32, #tpu.memory_space<vmem>>
        %dma_start3A_866 = tpu.memref_squeeze %dma_start3A_865 : memref<1x1x100x128xf32, #tpu.memory_space<vmem>> -> memref<100x128xf32, #tpu.memory_space<vmem>>
        %dma_start3A_867 = arith.constant 0 : i32
        %dma_start3A_868 = tpu.memref_slice %arg5[%add3A_860, %dma_start3A_867] : memref<128x100xi32, #tpu.memory_space<vmem>> -> memref<1x100xi32, #tpu.memory_space<vmem>>
        %dma_start3A_869 = tpu.memref_squeeze %dma_start3A_868 : memref<1x100xi32, #tpu.memory_space<vmem>> -> memref<100xi32, #tpu.memory_space<vmem>>
        %dma_start3A_870 = arith.constant 0 : i32
        %dma_start3A_871 = arith.constant 0 : i32
        %dma_start3A_872 = tpu.memref_slice %arg3[%dma_start3A_870, %dma_start3A_871] : memref<100000x128xf32, #tpu.memory_space<hbm>> -> memref<100000x128xf32, #tpu.memory_space<hbm>>
        tpu.enqueue_indirect_dma source(%dma_start3A_872 : memref<100000x128xf32, #tpu.memory_space<hbm>>) target(%dma_start3A_866 : memref<100x128xf32, #tpu.memory_space<vmem>>) offsets(%dma_start3A_869 : memref<100xi32, #tpu.memory_space<vmem>>) semaphore(%arg8 : memref<!tpu.dma_semaphore, #tpu.memory_space<semaphore_mem>>)
      } else {
      }
    }
    %scan3A_112 = arith.constant 16 : i32
    %dma_wait3A = arith.constant 0 : i32
    %dma_wait3A_113 = arith.constant 0 : i32
    %dma_wait3A_114 = arith.constant 0 : i32
    %dma_wait3A_115 = arith.constant 0 : i32
    %dma_wait3A_116 = tpu.memref_slice %arg6[%dma_wait3A, %dma_wait3A_113, %dma_wait3A_114, %dma_wait3A_115] : memref<2x4x100x128xf32, #tpu.memory_space<vmem>> -> memref<1x4x100x128xf32, #tpu.memory_space<vmem>>
    %dma_wait3A_117 = tpu.memref_squeeze %dma_wait3A_116 : memref<1x4x100x128xf32, #tpu.memory_space<vmem>> -> memref<4x100x128xf32, #tpu.memory_space<vmem>>
    %dma_wait3A_118 = arith.constant 0 : i32
    %dma_wait3A_119 = arith.constant 0 : i32
    %dma_wait3A_120 = arith.constant 0 : i32
    %dma_wait3A_121 = tpu.memref_slice %arg4[%dma_wait3A_118, %dma_wait3A_119, %dma_wait3A_120] : memref<16384x100x128xf32, #tpu.memory_space<hbm>> -> memref<4x100x128xf32, #tpu.memory_space<hbm>>
    %dma_wait3A_122 = arith.constant 0 : i32
    %dma_wait3A_123 = arith.constant 0 : i32
    %dma_wait3A_124 = arith.constant 0 : i32
    %dma_wait3A_125 = tpu.memref_slice %arg4[%dma_wait3A_122, %dma_wait3A_123, %dma_wait3A_124] : memref<16384x100x128xf32, #tpu.memory_space<hbm>> -> memref<4x100x128xf32, #tpu.memory_space<hbm>>
    %dma_wait3A_126 = arith.constant 0 : i32
    %dma_wait3A_127 = arith.constant 0 : i32
    %dma_wait3A_128 = arith.constant 0 : i32
    %dma_wait3A_129 = tpu.memref_slice %arg6[%dma_wait3A, %dma_wait3A_126, %dma_wait3A_127, %dma_wait3A_128] : memref<2x4x100x128xf32, #tpu.memory_space<vmem>> -> memref<1x4x100x128xf32, #tpu.memory_space<vmem>>
    %dma_wait3A_130 = tpu.memref_squeeze %dma_wait3A_129 : memref<1x4x100x128xf32, #tpu.memory_space<vmem>> -> memref<4x100x128xf32, #tpu.memory_space<vmem>>
    tpu.wait_dma2 semaphore(%arg9 : memref<!tpu.dma_semaphore, #tpu.memory_space<semaphore_mem>>) src(%dma_wait3A_130 : memref<4x100x128xf32, #tpu.memory_space<vmem>>) dst(%dma_wait3A_125 : memref<4x100x128xf32, #tpu.memory_space<hbm>>)
    %dma_wait3A_131 = arith.constant 1 : i32
    %dma_wait3A_132 = arith.constant 0 : i32
    %dma_wait3A_133 = arith.constant 0 : i32
    %dma_wait3A_134 = arith.constant 0 : i32
    %dma_wait3A_135 = tpu.memref_slice %arg6[%dma_wait3A_131, %dma_wait3A_132, %dma_wait3A_133, %dma_wait3A_134] : memref<2x4x100x128xf32, #tpu.memory_space<vmem>> -> memref<1x4x100x128xf32, #tpu.memory_space<vmem>>
    %dma_wait3A_136 = tpu.memref_squeeze %dma_wait3A_135 : memref<1x4x100x128xf32, #tpu.memory_space<vmem>> -> memref<4x100x128xf32, #tpu.memory_space<vmem>>
    %dma_wait3A_137 = arith.constant 0 : i32
    %dma_wait3A_138 = arith.constant 0 : i32
    %dma_wait3A_139 = arith.constant 0 : i32
    %dma_wait3A_140 = tpu.memref_slice %arg4[%dma_wait3A_137, %dma_wait3A_138, %dma_wait3A_139] : memref<16384x100x128xf32, #tpu.memory_space<hbm>> -> memref<4x100x128xf32, #tpu.memory_space<hbm>>
    %dma_wait3A_141 = arith.constant 0 : i32
    %dma_wait3A_142 = arith.constant 0 : i32
    %dma_wait3A_143 = arith.constant 0 : i32
    %dma_wait3A_144 = tpu.memref_slice %arg4[%dma_wait3A_141, %dma_wait3A_142, %dma_wait3A_143] : memref<16384x100x128xf32, #tpu.memory_space<hbm>> -> memref<4x100x128xf32, #tpu.memory_space<hbm>>
    %dma_wait3A_145 = arith.constant 0 : i32
    %dma_wait3A_146 = arith.constant 0 : i32
    %dma_wait3A_147 = arith.constant 0 : i32
    %dma_wait3A_148 = tpu.memref_slice %arg6[%dma_wait3A_131, %dma_wait3A_145, %dma_wait3A_146, %dma_wait3A_147] : memref<2x4x100x128xf32, #tpu.memory_space<vmem>> -> memref<1x4x100x128xf32, #tpu.memory_space<vmem>>
    %dma_wait3A_149 = tpu.memref_squeeze %dma_wait3A_148 : memref<1x4x100x128xf32, #tpu.memory_space<vmem>> -> memref<4x100x128xf32, #tpu.memory_space<vmem>>
    tpu.wait_dma2 semaphore(%arg10 : memref<!tpu.dma_semaphore, #tpu.memory_space<semaphore_mem>>) src(%dma_wait3A_149 : memref<4x100x128xf32, #tpu.memory_space<vmem>>) dst(%dma_wait3A_144 : memref<4x100x128xf32, #tpu.memory_space<hbm>>)
    %mul3A_150 = arith.constant 512 : i32
    %mul3A_151 = arith.muli %add3A, %mul3A_150 : i32
    %add3A_152 = arith.constant 128 : i32
    %add3A_153 = arith.addi %mul3A_151, %add3A_152 : i32
    "tpu.region"() ({
      %run_scoped3A = tpu.sem_alloc : memref<!tpu.dma_semaphore, #tpu.memory_space<semaphore_mem>>
      %dma_start3A_606 = arith.constant 0 : i32
      %dma_start3A_607 = tpu.memref_slice %arg2[%add3A_153, %dma_start3A_606] : memref<16384x100xi32, #tpu.memory_space<hbm>> -> memref<128x100xi32, #tpu.memory_space<hbm>>
      %dma_start3A_608 = arith.constant 0 : i32
      %dma_start3A_609 = tpu.memref_slice %arg2[%add3A_153, %dma_start3A_608] : memref<16384x100xi32, #tpu.memory_space<hbm>> -> memref<128x100xi32, #tpu.memory_space<hbm>>
      tpu.enqueue_dma source(%dma_start3A_609 : memref<128x100xi32, #tpu.memory_space<hbm>>) target(%arg5 : memref<128x100xi32, #tpu.memory_space<vmem>>) target_semaphore(%run_scoped3A : memref<!tpu.dma_semaphore, #tpu.memory_space<semaphore_mem>>)
      %dma_wait3A_610 = arith.constant 0 : i32
      %dma_wait3A_611 = tpu.memref_slice %arg2[%add3A_153, %dma_wait3A_610] : memref<16384x100xi32, #tpu.memory_space<hbm>> -> memref<128x100xi32, #tpu.memory_space<hbm>>
      %dma_wait3A_612 = arith.constant 0 : i32
      %dma_wait3A_613 = tpu.memref_slice %arg2[%add3A_153, %dma_wait3A_612] : memref<16384x100xi32, #tpu.memory_space<hbm>> -> memref<128x100xi32, #tpu.memory_space<hbm>>
      tpu.wait_dma2 semaphore(%run_scoped3A : memref<!tpu.dma_semaphore, #tpu.memory_space<semaphore_mem>>) src(%dma_wait3A_613 : memref<128x100xi32, #tpu.memory_space<hbm>>) dst(%arg5 : memref<128x100xi32, #tpu.memory_space<vmem>>)
      tpu.yield
    }) : () -> ()
    %dma_start3A_154 = arith.constant 0 : i32
    %dma_start3A_155 = arith.constant 0 : i32
    %dma_start3A_156 = arith.constant 0 : i32
    %dma_start3A_157 = arith.constant 0 : i32
    %dma_start3A_158 = arith.constant 0 : i32
    %dma_start3A_159 = tpu.memref_slice %arg6[%dma_start3A_155, %dma_start3A_156, %dma_start3A_157, %dma_start3A_158] : memref<2x4x100x128xf32, #tpu.memory_space<vmem>> -> memref<1x1x100x128xf32, #tpu.memory_space<vmem>>
    %dma_start3A_160 = tpu.memref_squeeze %dma_start3A_159 : memref<1x1x100x128xf32, #tpu.memory_space<vmem>> -> memref<100x128xf32, #tpu.memory_space<vmem>>
    %dma_start3A_161 = arith.constant 0 : i32
    %dma_start3A_162 = tpu.memref_slice %arg5[%dma_start3A_154, %dma_start3A_161] : memref<128x100xi32, #tpu.memory_space<vmem>> -> memref<1x100xi32, #tpu.memory_space<vmem>>
    %dma_start3A_163 = tpu.memref_squeeze %dma_start3A_162 : memref<1x100xi32, #tpu.memory_space<vmem>> -> memref<100xi32, #tpu.memory_space<vmem>>
    %dma_start3A_164 = arith.constant 0 : i32
    %dma_start3A_165 = arith.constant 0 : i32
    %dma_start3A_166 = tpu.memref_slice %arg3[%dma_start3A_164, %dma_start3A_165] : memref<100000x128xf32, #tpu.memory_space<hbm>> -> memref<100000x128xf32, #tpu.memory_space<hbm>>
    tpu.enqueue_indirect_dma source(%dma_start3A_166 : memref<100000x128xf32, #tpu.memory_space<hbm>>) target(%dma_start3A_160 : memref<100x128xf32, #tpu.memory_space<vmem>>) offsets(%dma_start3A_163 : memref<100xi32, #tpu.memory_space<vmem>>) semaphore(%arg7 : memref<!tpu.dma_semaphore, #tpu.memory_space<semaphore_mem>>)
    %dma_start3A_167 = arith.constant 1 : i32
    %dma_start3A_168 = arith.constant 0 : i32
    %dma_start3A_169 = arith.constant 1 : i32
    %dma_start3A_170 = arith.constant 0 : i32
    %dma_start3A_171 = arith.constant 0 : i32
    %dma_start3A_172 = tpu.memref_slice %arg6[%dma_start3A_168, %dma_start3A_169, %dma_start3A_170, %dma_start3A_171] : memref<2x4x100x128xf32, #tpu.memory_space<vmem>> -> memref<1x1x100x128xf32, #tpu.memory_space<vmem>>
    %dma_start3A_173 = tpu.memref_squeeze %dma_start3A_172 : memref<1x1x100x128xf32, #tpu.memory_space<vmem>> -> memref<100x128xf32, #tpu.memory_space<vmem>>
    %dma_start3A_174 = arith.constant 0 : i32
    %dma_start3A_175 = tpu.memref_slice %arg5[%dma_start3A_167, %dma_start3A_174] : memref<128x100xi32, #tpu.memory_space<vmem>> -> memref<1x100xi32, #tpu.memory_space<vmem>>
    %dma_start3A_176 = tpu.memref_squeeze %dma_start3A_175 : memref<1x100xi32, #tpu.memory_space<vmem>> -> memref<100xi32, #tpu.memory_space<vmem>>
    %dma_start3A_177 = arith.constant 0 : i32
    %dma_start3A_178 = arith.constant 0 : i32
    %dma_start3A_179 = tpu.memref_slice %arg3[%dma_start3A_177, %dma_start3A_178] : memref<100000x128xf32, #tpu.memory_space<hbm>> -> memref<100000x128xf32, #tpu.memory_space<hbm>>
    tpu.enqueue_indirect_dma source(%dma_start3A_179 : memref<100000x128xf32, #tpu.memory_space<hbm>>) target(%dma_start3A_173 : memref<100x128xf32, #tpu.memory_space<vmem>>) offsets(%dma_start3A_176 : memref<100xi32, #tpu.memory_space<vmem>>) semaphore(%arg7 : memref<!tpu.dma_semaphore, #tpu.memory_space<semaphore_mem>>)
    %dma_start3A_180 = arith.constant 2 : i32
    %dma_start3A_181 = arith.constant 0 : i32
    %dma_start3A_182 = arith.constant 2 : i32
    %dma_start3A_183 = arith.constant 0 : i32
    %dma_start3A_184 = arith.constant 0 : i32
    %dma_start3A_185 = tpu.memref_slice %arg6[%dma_start3A_181, %dma_start3A_182, %dma_start3A_183, %dma_start3A_184] : memref<2x4x100x128xf32, #tpu.memory_space<vmem>> -> memref<1x1x100x128xf32, #tpu.memory_space<vmem>>
    %dma_start3A_186 = tpu.memref_squeeze %dma_start3A_185 : memref<1x1x100x128xf32, #tpu.memory_space<vmem>> -> memref<100x128xf32, #tpu.memory_space<vmem>>
    %dma_start3A_187 = arith.constant 0 : i32
    %dma_start3A_188 = tpu.memref_slice %arg5[%dma_start3A_180, %dma_start3A_187] : memref<128x100xi32, #tpu.memory_space<vmem>> -> memref<1x100xi32, #tpu.memory_space<vmem>>
    %dma_start3A_189 = tpu.memref_squeeze %dma_start3A_188 : memref<1x100xi32, #tpu.memory_space<vmem>> -> memref<100xi32, #tpu.memory_space<vmem>>
    %dma_start3A_190 = arith.constant 0 : i32
    %dma_start3A_191 = arith.constant 0 : i32
    %dma_start3A_192 = tpu.memref_slice %arg3[%dma_start3A_190, %dma_start3A_191] : memref<100000x128xf32, #tpu.memory_space<hbm>> -> memref<100000x128xf32, #tpu.memory_space<hbm>>
    tpu.enqueue_indirect_dma source(%dma_start3A_192 : memref<100000x128xf32, #tpu.memory_space<hbm>>) target(%dma_start3A_186 : memref<100x128xf32, #tpu.memory_space<vmem>>) offsets(%dma_start3A_189 : memref<100xi32, #tpu.memory_space<vmem>>) semaphore(%arg7 : memref<!tpu.dma_semaphore, #tpu.memory_space<semaphore_mem>>)
    %dma_start3A_193 = arith.constant 3 : i32
    %dma_start3A_194 = arith.constant 0 : i32
    %dma_start3A_195 = arith.constant 3 : i32
    %dma_start3A_196 = arith.constant 0 : i32
    %dma_start3A_197 = arith.constant 0 : i32
    %dma_start3A_198 = tpu.memref_slice %arg6[%dma_start3A_194, %dma_start3A_195, %dma_start3A_196, %dma_start3A_197] : memref<2x4x100x128xf32, #tpu.memory_space<vmem>> -> memref<1x1x100x128xf32, #tpu.memory_space<vmem>>
    %dma_start3A_199 = tpu.memref_squeeze %dma_start3A_198 : memref<1x1x100x128xf32, #tpu.memory_space<vmem>> -> memref<100x128xf32, #tpu.memory_space<vmem>>
    %dma_start3A_200 = arith.constant 0 : i32
    %dma_start3A_201 = tpu.memref_slice %arg5[%dma_start3A_193, %dma_start3A_200] : memref<128x100xi32, #tpu.memory_space<vmem>> -> memref<1x100xi32, #tpu.memory_space<vmem>>
    %dma_start3A_202 = tpu.memref_squeeze %dma_start3A_201 : memref<1x100xi32, #tpu.memory_space<vmem>> -> memref<100xi32, #tpu.memory_space<vmem>>
    %dma_start3A_203 = arith.constant 0 : i32
    %dma_start3A_204 = arith.constant 0 : i32
    %dma_start3A_205 = tpu.memref_slice %arg3[%dma_start3A_203, %dma_start3A_204] : memref<100000x128xf32, #tpu.memory_space<hbm>> -> memref<100000x128xf32, #tpu.memory_space<hbm>>
    tpu.enqueue_indirect_dma source(%dma_start3A_205 : memref<100000x128xf32, #tpu.memory_space<hbm>>) target(%dma_start3A_199 : memref<100x128xf32, #tpu.memory_space<vmem>>) offsets(%dma_start3A_202 : memref<100xi32, #tpu.memory_space<vmem>>) semaphore(%arg7 : memref<!tpu.dma_semaphore, #tpu.memory_space<semaphore_mem>>)
    %dma_start3A_206 = arith.constant 4 : i32
    %dma_start3A_207 = arith.constant 1 : i32
    %dma_start3A_208 = arith.constant 0 : i32
    %dma_start3A_209 = arith.constant 0 : i32
    %dma_start3A_210 = arith.constant 0 : i32
    %dma_start3A_211 = tpu.memref_slice %arg6[%dma_start3A_207, %dma_start3A_208, %dma_start3A_209, %dma_start3A_210] : memref<2x4x100x128xf32, #tpu.memory_space<vmem>> -> memref<1x1x100x128xf32, #tpu.memory_space<vmem>>
    %dma_start3A_212 = tpu.memref_squeeze %dma_start3A_211 : memref<1x1x100x128xf32, #tpu.memory_space<vmem>> -> memref<100x128xf32, #tpu.memory_space<vmem>>
    %dma_start3A_213 = arith.constant 0 : i32
    %dma_start3A_214 = tpu.memref_slice %arg5[%dma_start3A_206, %dma_start3A_213] : memref<128x100xi32, #tpu.memory_space<vmem>> -> memref<1x100xi32, #tpu.memory_space<vmem>>
    %dma_start3A_215 = tpu.memref_squeeze %dma_start3A_214 : memref<1x100xi32, #tpu.memory_space<vmem>> -> memref<100xi32, #tpu.memory_space<vmem>>
    %dma_start3A_216 = arith.constant 0 : i32
    %dma_start3A_217 = arith.constant 0 : i32
    %dma_start3A_218 = tpu.memref_slice %arg3[%dma_start3A_216, %dma_start3A_217] : memref<100000x128xf32, #tpu.memory_space<hbm>> -> memref<100000x128xf32, #tpu.memory_space<hbm>>
    tpu.enqueue_indirect_dma source(%dma_start3A_218 : memref<100000x128xf32, #tpu.memory_space<hbm>>) target(%dma_start3A_212 : memref<100x128xf32, #tpu.memory_space<vmem>>) offsets(%dma_start3A_215 : memref<100xi32, #tpu.memory_space<vmem>>) semaphore(%arg8 : memref<!tpu.dma_semaphore, #tpu.memory_space<semaphore_mem>>)
    %dma_start3A_219 = arith.constant 5 : i32
    %dma_start3A_220 = arith.constant 1 : i32
    %dma_start3A_221 = arith.constant 1 : i32
    %dma_start3A_222 = arith.constant 0 : i32
    %dma_start3A_223 = arith.constant 0 : i32
    %dma_start3A_224 = tpu.memref_slice %arg6[%dma_start3A_220, %dma_start3A_221, %dma_start3A_222, %dma_start3A_223] : memref<2x4x100x128xf32, #tpu.memory_space<vmem>> -> memref<1x1x100x128xf32, #tpu.memory_space<vmem>>
    %dma_start3A_225 = tpu.memref_squeeze %dma_start3A_224 : memref<1x1x100x128xf32, #tpu.memory_space<vmem>> -> memref<100x128xf32, #tpu.memory_space<vmem>>
    %dma_start3A_226 = arith.constant 0 : i32
    %dma_start3A_227 = tpu.memref_slice %arg5[%dma_start3A_219, %dma_start3A_226] : memref<128x100xi32, #tpu.memory_space<vmem>> -> memref<1x100xi32, #tpu.memory_space<vmem>>
    %dma_start3A_228 = tpu.memref_squeeze %dma_start3A_227 : memref<1x100xi32, #tpu.memory_space<vmem>> -> memref<100xi32, #tpu.memory_space<vmem>>
    %dma_start3A_229 = arith.constant 0 : i32
    %dma_start3A_230 = arith.constant 0 : i32
    %dma_start3A_231 = tpu.memref_slice %arg3[%dma_start3A_229, %dma_start3A_230] : memref<100000x128xf32, #tpu.memory_space<hbm>> -> memref<100000x128xf32, #tpu.memory_space<hbm>>
    tpu.enqueue_indirect_dma source(%dma_start3A_231 : memref<100000x128xf32, #tpu.memory_space<hbm>>) target(%dma_start3A_225 : memref<100x128xf32, #tpu.memory_space<vmem>>) offsets(%dma_start3A_228 : memref<100xi32, #tpu.memory_space<vmem>>) semaphore(%arg8 : memref<!tpu.dma_semaphore, #tpu.memory_space<semaphore_mem>>)
    %dma_start3A_232 = arith.constant 6 : i32
    %dma_start3A_233 = arith.constant 1 : i32
    %dma_start3A_234 = arith.constant 2 : i32
    %dma_start3A_235 = arith.constant 0 : i32
    %dma_start3A_236 = arith.constant 0 : i32
    %dma_start3A_237 = tpu.memref_slice %arg6[%dma_start3A_233, %dma_start3A_234, %dma_start3A_235, %dma_start3A_236] : memref<2x4x100x128xf32, #tpu.memory_space<vmem>> -> memref<1x1x100x128xf32, #tpu.memory_space<vmem>>
    %dma_start3A_238 = tpu.memref_squeeze %dma_start3A_237 : memref<1x1x100x128xf32, #tpu.memory_space<vmem>> -> memref<100x128xf32, #tpu.memory_space<vmem>>
    %dma_start3A_239 = arith.constant 0 : i32
    %dma_start3A_240 = tpu.memref_slice %arg5[%dma_start3A_232, %dma_start3A_239] : memref<128x100xi32, #tpu.memory_space<vmem>> -> memref<1x100xi32, #tpu.memory_space<vmem>>
    %dma_start3A_241 = tpu.memref_squeeze %dma_start3A_240 : memref<1x100xi32, #tpu.memory_space<vmem>> -> memref<100xi32, #tpu.memory_space<vmem>>
    %dma_start3A_242 = arith.constant 0 : i32
    %dma_start3A_243 = arith.constant 0 : i32
    %dma_start3A_244 = tpu.memref_slice %arg3[%dma_start3A_242, %dma_start3A_243] : memref<100000x128xf32, #tpu.memory_space<hbm>> -> memref<100000x128xf32, #tpu.memory_space<hbm>>
    tpu.enqueue_indirect_dma source(%dma_start3A_244 : memref<100000x128xf32, #tpu.memory_space<hbm>>) target(%dma_start3A_238 : memref<100x128xf32, #tpu.memory_space<vmem>>) offsets(%dma_start3A_241 : memref<100xi32, #tpu.memory_space<vmem>>) semaphore(%arg8 : memref<!tpu.dma_semaphore, #tpu.memory_space<semaphore_mem>>)
    %dma_start3A_245 = arith.constant 7 : i32
    %dma_start3A_246 = arith.constant 1 : i32
    %dma_start3A_247 = arith.constant 3 : i32
    %dma_start3A_248 = arith.constant 0 : i32
    %dma_start3A_249 = arith.constant 0 : i32
    %dma_start3A_250 = tpu.memref_slice %arg6[%dma_start3A_246, %dma_start3A_247, %dma_start3A_248, %dma_start3A_249] : memref<2x4x100x128xf32, #tpu.memory_space<vmem>> -> memref<1x1x100x128xf32, #tpu.memory_space<vmem>>
    %dma_start3A_251 = tpu.memref_squeeze %dma_start3A_250 : memref<1x1x100x128xf32, #tpu.memory_space<vmem>> -> memref<100x128xf32, #tpu.memory_space<vmem>>
    %dma_start3A_252 = arith.constant 0 : i32
    %dma_start3A_253 = tpu.memref_slice %arg5[%dma_start3A_245, %dma_start3A_252] : memref<128x100xi32, #tpu.memory_space<vmem>> -> memref<1x100xi32, #tpu.memory_space<vmem>>
    %dma_start3A_254 = tpu.memref_squeeze %dma_start3A_253 : memref<1x100xi32, #tpu.memory_space<vmem>> -> memref<100xi32, #tpu.memory_space<vmem>>
    %dma_start3A_255 = arith.constant 0 : i32
    %dma_start3A_256 = arith.constant 0 : i32
    %dma_start3A_257 = tpu.memref_slice %arg3[%dma_start3A_255, %dma_start3A_256] : memref<100000x128xf32, #tpu.memory_space<hbm>> -> memref<100000x128xf32, #tpu.memory_space<hbm>>
    tpu.enqueue_indirect_dma source(%dma_start3A_257 : memref<100000x128xf32, #tpu.memory_space<hbm>>) target(%dma_start3A_251 : memref<100x128xf32, #tpu.memory_space<vmem>>) offsets(%dma_start3A_254 : memref<100xi32, #tpu.memory_space<vmem>>) semaphore(%arg8 : memref<!tpu.dma_semaphore, #tpu.memory_space<semaphore_mem>>)
    %scan3A_258 = arith.constant 0 : i32
    %scan3A_259 = arith.constant 0 : i32
    %scan3A_260 = arith.constant 16 : i32
    %scan3A_261 = arith.addi %scan3A_259, %scan3A_260 : i32
    %scan3A_262 = arith.constant 1 : i32
    scf.for %scan3A_606 = %scan3A_259 to %scan3A_261 step %scan3A_262  : i32 {
      %dma_wait3A_607 = arith.constant 0 : i32
      %dma_wait3A_608 = arith.constant 0 : i32
      %dma_wait3A_609 = arith.constant 0 : i32
      %dma_wait3A_610 = arith.constant 0 : i32
      %dma_wait3A_611 = tpu.memref_slice %arg6[%dma_wait3A_607, %dma_wait3A_608, %dma_wait3A_609, %dma_wait3A_610] : memref<2x4x100x128xf32, #tpu.memory_space<vmem>> -> memref<1x4x100x128xf32, #tpu.memory_space<vmem>>
      %dma_wait3A_612 = tpu.memref_squeeze %dma_wait3A_611 : memref<1x4x100x128xf32, #tpu.memory_space<vmem>> -> memref<4x100x128xf32, #tpu.memory_space<vmem>>
      %dma_wait3A_613 = arith.constant 0 : i32
      %dma_wait3A_614 = arith.constant 0 : i32
      %dma_wait3A_615 = arith.constant 0 : i32
      %dma_wait3A_616 = tpu.memref_slice %arg4[%dma_wait3A_613, %dma_wait3A_614, %dma_wait3A_615] : memref<16384x100x128xf32, #tpu.memory_space<hbm>> -> memref<4x100x128xf32, #tpu.memory_space<hbm>>
      %dma_wait3A_617 = arith.constant 0 : i32
      %dma_wait3A_618 = arith.constant 0 : i32
      %dma_wait3A_619 = arith.constant 0 : i32
      %dma_wait3A_620 = tpu.memref_slice %arg6[%dma_wait3A_607, %dma_wait3A_617, %dma_wait3A_618, %dma_wait3A_619] : memref<2x4x100x128xf32, #tpu.memory_space<vmem>> -> memref<1x4x100x128xf32, #tpu.memory_space<vmem>>
      %dma_wait3A_621 = tpu.memref_squeeze %dma_wait3A_620 : memref<1x4x100x128xf32, #tpu.memory_space<vmem>> -> memref<4x100x128xf32, #tpu.memory_space<vmem>>
      %dma_wait3A_622 = arith.constant 0 : i32
      %dma_wait3A_623 = arith.constant 0 : i32
      %dma_wait3A_624 = arith.constant 0 : i32
      %dma_wait3A_625 = tpu.memref_slice %arg4[%dma_wait3A_622, %dma_wait3A_623, %dma_wait3A_624] : memref<16384x100x128xf32, #tpu.memory_space<hbm>> -> memref<4x100x128xf32, #tpu.memory_space<hbm>>
      tpu.wait_dma2 semaphore(%arg7 : memref<!tpu.dma_semaphore, #tpu.memory_space<semaphore_mem>>) src(%dma_wait3A_625 : memref<4x100x128xf32, #tpu.memory_space<hbm>>) dst(%dma_wait3A_621 : memref<4x100x128xf32, #tpu.memory_space<vmem>>)
      %mul3A_626 = arith.constant 2 : i32
      %mul3A_627 = arith.muli %scan3A_606, %mul3A_626 : i32
      %add3A_628 = arith.constant 0 : i32
      %add3A_629 = arith.addi %mul3A_627, %add3A_628 : i32
      %mul3A_630 = arith.constant 4 : i32
      %mul3A_631 = arith.muli %add3A_629, %mul3A_630 : i32
      %add3A_632 = arith.addi %add3A_153, %mul3A_631 : i32
      %dma_start3A_633 = arith.constant 0 : i32
      %dma_start3A_634 = arith.constant 0 : i32
      %dma_start3A_635 = arith.constant 0 : i32
      %dma_start3A_636 = arith.constant 0 : i32
      %dma_start3A_637 = tpu.memref_slice %arg6[%dma_start3A_633, %dma_start3A_634, %dma_start3A_635, %dma_start3A_636] : memref<2x4x100x128xf32, #tpu.memory_space<vmem>> -> memref<1x4x100x128xf32, #tpu.memory_space<vmem>>
      %dma_start3A_638 = tpu.memref_squeeze %dma_start3A_637 : memref<1x4x100x128xf32, #tpu.memory_space<vmem>> -> memref<4x100x128xf32, #tpu.memory_space<vmem>>
      %dma_start3A_639 = arith.constant 0 : i32
      %dma_start3A_640 = arith.constant 0 : i32
      %dma_start3A_641 = tpu.memref_slice %arg4[%add3A_632, %dma_start3A_639, %dma_start3A_640] : memref<16384x100x128xf32, #tpu.memory_space<hbm>> -> memref<4x100x128xf32, #tpu.memory_space<hbm>>
      %dma_start3A_642 = arith.constant 0 : i32
      %dma_start3A_643 = arith.constant 0 : i32
      %dma_start3A_644 = tpu.memref_slice %arg4[%add3A_632, %dma_start3A_642, %dma_start3A_643] : memref<16384x100x128xf32, #tpu.memory_space<hbm>> -> memref<4x100x128xf32, #tpu.memory_space<hbm>>
      %dma_start3A_645 = arith.constant 0 : i32
      %dma_start3A_646 = arith.constant 0 : i32
      %dma_start3A_647 = arith.constant 0 : i32
      %dma_start3A_648 = tpu.memref_slice %arg6[%dma_start3A_633, %dma_start3A_645, %dma_start3A_646, %dma_start3A_647] : memref<2x4x100x128xf32, #tpu.memory_space<vmem>> -> memref<1x4x100x128xf32, #tpu.memory_space<vmem>>
      %dma_start3A_649 = tpu.memref_squeeze %dma_start3A_648 : memref<1x4x100x128xf32, #tpu.memory_space<vmem>> -> memref<4x100x128xf32, #tpu.memory_space<vmem>>
      tpu.enqueue_dma source(%dma_start3A_649 : memref<4x100x128xf32, #tpu.memory_space<vmem>>) target(%dma_start3A_644 : memref<4x100x128xf32, #tpu.memory_space<hbm>>) target_semaphore(%arg9 : memref<!tpu.dma_semaphore, #tpu.memory_space<semaphore_mem>>)
      %dma_wait3A_650 = arith.constant 1 : i32
      %dma_wait3A_651 = arith.constant 0 : i32
      %dma_wait3A_652 = arith.constant 0 : i32
      %dma_wait3A_653 = arith.constant 0 : i32
      %dma_wait3A_654 = tpu.memref_slice %arg6[%dma_wait3A_650, %dma_wait3A_651, %dma_wait3A_652, %dma_wait3A_653] : memref<2x4x100x128xf32, #tpu.memory_space<vmem>> -> memref<1x4x100x128xf32, #tpu.memory_space<vmem>>
      %dma_wait3A_655 = tpu.memref_squeeze %dma_wait3A_654 : memref<1x4x100x128xf32, #tpu.memory_space<vmem>> -> memref<4x100x128xf32, #tpu.memory_space<vmem>>
      %dma_wait3A_656 = arith.constant 0 : i32
      %dma_wait3A_657 = arith.constant 0 : i32
      %dma_wait3A_658 = arith.constant 0 : i32
      %dma_wait3A_659 = tpu.memref_slice %arg4[%dma_wait3A_656, %dma_wait3A_657, %dma_wait3A_658] : memref<16384x100x128xf32, #tpu.memory_space<hbm>> -> memref<4x100x128xf32, #tpu.memory_space<hbm>>
      %dma_wait3A_660 = arith.constant 0 : i32
      %dma_wait3A_661 = arith.constant 0 : i32
      %dma_wait3A_662 = arith.constant 0 : i32
      %dma_wait3A_663 = tpu.memref_slice %arg6[%dma_wait3A_650, %dma_wait3A_660, %dma_wait3A_661, %dma_wait3A_662] : memref<2x4x100x128xf32, #tpu.memory_space<vmem>> -> memref<1x4x100x128xf32, #tpu.memory_space<vmem>>
      %dma_wait3A_664 = tpu.memref_squeeze %dma_wait3A_663 : memref<1x4x100x128xf32, #tpu.memory_space<vmem>> -> memref<4x100x128xf32, #tpu.memory_space<vmem>>
      %dma_wait3A_665 = arith.constant 0 : i32
      %dma_wait3A_666 = arith.constant 0 : i32
      %dma_wait3A_667 = arith.constant 0 : i32
      %dma_wait3A_668 = tpu.memref_slice %arg4[%dma_wait3A_665, %dma_wait3A_666, %dma_wait3A_667] : memref<16384x100x128xf32, #tpu.memory_space<hbm>> -> memref<4x100x128xf32, #tpu.memory_space<hbm>>
      tpu.wait_dma2 semaphore(%arg8 : memref<!tpu.dma_semaphore, #tpu.memory_space<semaphore_mem>>) src(%dma_wait3A_668 : memref<4x100x128xf32, #tpu.memory_space<hbm>>) dst(%dma_wait3A_664 : memref<4x100x128xf32, #tpu.memory_space<vmem>>)
      %mul3A_669 = arith.constant 2 : i32
      %mul3A_670 = arith.muli %scan3A_606, %mul3A_669 : i32
      %add3A_671 = arith.constant 1 : i32
      %add3A_672 = arith.addi %mul3A_670, %add3A_671 : i32
      %mul3A_673 = arith.constant 4 : i32
      %mul3A_674 = arith.muli %add3A_672, %mul3A_673 : i32
      %add3A_675 = arith.addi %add3A_153, %mul3A_674 : i32
      %dma_start3A_676 = arith.constant 1 : i32
      %dma_start3A_677 = arith.constant 0 : i32
      %dma_start3A_678 = arith.constant 0 : i32
      %dma_start3A_679 = arith.constant 0 : i32
      %dma_start3A_680 = tpu.memref_slice %arg6[%dma_start3A_676, %dma_start3A_677, %dma_start3A_678, %dma_start3A_679] : memref<2x4x100x128xf32, #tpu.memory_space<vmem>> -> memref<1x4x100x128xf32, #tpu.memory_space<vmem>>
      %dma_start3A_681 = tpu.memref_squeeze %dma_start3A_680 : memref<1x4x100x128xf32, #tpu.memory_space<vmem>> -> memref<4x100x128xf32, #tpu.memory_space<vmem>>
      %dma_start3A_682 = arith.constant 0 : i32
      %dma_start3A_683 = arith.constant 0 : i32
      %dma_start3A_684 = tpu.memref_slice %arg4[%add3A_675, %dma_start3A_682, %dma_start3A_683] : memref<16384x100x128xf32, #tpu.memory_space<hbm>> -> memref<4x100x128xf32, #tpu.memory_space<hbm>>
      %dma_start3A_685 = arith.constant 0 : i32
      %dma_start3A_686 = arith.constant 0 : i32
      %dma_start3A_687 = tpu.memref_slice %arg4[%add3A_675, %dma_start3A_685, %dma_start3A_686] : memref<16384x100x128xf32, #tpu.memory_space<hbm>> -> memref<4x100x128xf32, #tpu.memory_space<hbm>>
      %dma_start3A_688 = arith.constant 0 : i32
      %dma_start3A_689 = arith.constant 0 : i32
      %dma_start3A_690 = arith.constant 0 : i32
      %dma_start3A_691 = tpu.memref_slice %arg6[%dma_start3A_676, %dma_start3A_688, %dma_start3A_689, %dma_start3A_690] : memref<2x4x100x128xf32, #tpu.memory_space<vmem>> -> memref<1x4x100x128xf32, #tpu.memory_space<vmem>>
      %dma_start3A_692 = tpu.memref_squeeze %dma_start3A_691 : memref<1x4x100x128xf32, #tpu.memory_space<vmem>> -> memref<4x100x128xf32, #tpu.memory_space<vmem>>
      tpu.enqueue_dma source(%dma_start3A_692 : memref<4x100x128xf32, #tpu.memory_space<vmem>>) target(%dma_start3A_687 : memref<4x100x128xf32, #tpu.memory_space<hbm>>) target_semaphore(%arg10 : memref<!tpu.dma_semaphore, #tpu.memory_space<semaphore_mem>>)
      %lt3A = arith.constant 15 : i32
      %lt3A_693 = arith.cmpi slt, %scan3A_606, %lt3A : i32
      %convert_element_type3A = arith.extui %lt3A_693 : i1 to i32
      %cond3A = arith.constant 0 : i32
      %cond3A_694 = arith.cmpi ne, %convert_element_type3A, %cond3A : i32
      scf.if %cond3A_694 {
        %dma_wait3A_695 = arith.constant 0 : i32
        %dma_wait3A_696 = arith.constant 0 : i32
        %dma_wait3A_697 = arith.constant 0 : i32
        %dma_wait3A_698 = arith.constant 0 : i32
        %dma_wait3A_699 = tpu.memref_slice %arg6[%dma_wait3A_695, %dma_wait3A_696, %dma_wait3A_697, %dma_wait3A_698] : memref<2x4x100x128xf32, #tpu.memory_space<vmem>> -> memref<1x4x100x128xf32, #tpu.memory_space<vmem>>
        %dma_wait3A_700 = tpu.memref_squeeze %dma_wait3A_699 : memref<1x4x100x128xf32, #tpu.memory_space<vmem>> -> memref<4x100x128xf32, #tpu.memory_space<vmem>>
        %dma_wait3A_701 = arith.constant 0 : i32
        %dma_wait3A_702 = arith.constant 0 : i32
        %dma_wait3A_703 = arith.constant 0 : i32
        %dma_wait3A_704 = tpu.memref_slice %arg4[%dma_wait3A_701, %dma_wait3A_702, %dma_wait3A_703] : memref<16384x100x128xf32, #tpu.memory_space<hbm>> -> memref<4x100x128xf32, #tpu.memory_space<hbm>>
        %dma_wait3A_705 = arith.constant 0 : i32
        %dma_wait3A_706 = arith.constant 0 : i32
        %dma_wait3A_707 = arith.constant 0 : i32
        %dma_wait3A_708 = tpu.memref_slice %arg4[%dma_wait3A_705, %dma_wait3A_706, %dma_wait3A_707] : memref<16384x100x128xf32, #tpu.memory_space<hbm>> -> memref<4x100x128xf32, #tpu.memory_space<hbm>>
        %dma_wait3A_709 = arith.constant 0 : i32
        %dma_wait3A_710 = arith.constant 0 : i32
        %dma_wait3A_711 = arith.constant 0 : i32
        %dma_wait3A_712 = tpu.memref_slice %arg6[%dma_wait3A_695, %dma_wait3A_709, %dma_wait3A_710, %dma_wait3A_711] : memref<2x4x100x128xf32, #tpu.memory_space<vmem>> -> memref<1x4x100x128xf32, #tpu.memory_space<vmem>>
        %dma_wait3A_713 = tpu.memref_squeeze %dma_wait3A_712 : memref<1x4x100x128xf32, #tpu.memory_space<vmem>> -> memref<4x100x128xf32, #tpu.memory_space<vmem>>
        tpu.wait_dma2 semaphore(%arg9 : memref<!tpu.dma_semaphore, #tpu.memory_space<semaphore_mem>>) src(%dma_wait3A_713 : memref<4x100x128xf32, #tpu.memory_space<vmem>>) dst(%dma_wait3A_708 : memref<4x100x128xf32, #tpu.memory_space<hbm>>)
        %add3A_714 = arith.constant 1 : i32
        %add3A_715 = arith.addi %scan3A_606, %add3A_714 : i32
        %mul3A_716 = arith.constant 2 : i32
        %mul3A_717 = arith.muli %add3A_715, %mul3A_716 : i32
        %add3A_718 = arith.constant 0 : i32
        %add3A_719 = arith.addi %mul3A_717, %add3A_718 : i32
        %mul3A_720 = arith.constant 4 : i32
        %mul3A_721 = arith.muli %add3A_719, %mul3A_720 : i32
        %add3A_722 = arith.constant 0 : i32
        %add3A_723 = arith.addi %mul3A_721, %add3A_722 : i32
        %dma_start3A_724 = arith.constant 0 : i32
        %dma_start3A_725 = arith.constant 0 : i32
        %dma_start3A_726 = arith.constant 0 : i32
        %dma_start3A_727 = arith.constant 0 : i32
        %dma_start3A_728 = tpu.memref_slice %arg6[%dma_start3A_724, %dma_start3A_725, %dma_start3A_726, %dma_start3A_727] : memref<2x4x100x128xf32, #tpu.memory_space<vmem>> -> memref<1x1x100x128xf32, #tpu.memory_space<vmem>>
        %dma_start3A_729 = tpu.memref_squeeze %dma_start3A_728 : memref<1x1x100x128xf32, #tpu.memory_space<vmem>> -> memref<100x128xf32, #tpu.memory_space<vmem>>
        %dma_start3A_730 = arith.constant 0 : i32
        %dma_start3A_731 = tpu.memref_slice %arg5[%add3A_723, %dma_start3A_730] : memref<128x100xi32, #tpu.memory_space<vmem>> -> memref<1x100xi32, #tpu.memory_space<vmem>>
        %dma_start3A_732 = tpu.memref_squeeze %dma_start3A_731 : memref<1x100xi32, #tpu.memory_space<vmem>> -> memref<100xi32, #tpu.memory_space<vmem>>
        %dma_start3A_733 = arith.constant 0 : i32
        %dma_start3A_734 = arith.constant 0 : i32
        %dma_start3A_735 = tpu.memref_slice %arg3[%dma_start3A_733, %dma_start3A_734] : memref<100000x128xf32, #tpu.memory_space<hbm>> -> memref<100000x128xf32, #tpu.memory_space<hbm>>
        tpu.enqueue_indirect_dma source(%dma_start3A_735 : memref<100000x128xf32, #tpu.memory_space<hbm>>) target(%dma_start3A_729 : memref<100x128xf32, #tpu.memory_space<vmem>>) offsets(%dma_start3A_732 : memref<100xi32, #tpu.memory_space<vmem>>) semaphore(%arg7 : memref<!tpu.dma_semaphore, #tpu.memory_space<semaphore_mem>>)
        %mul3A_736 = arith.constant 4 : i32
        %mul3A_737 = arith.muli %add3A_719, %mul3A_736 : i32
        %add3A_738 = arith.constant 1 : i32
        %add3A_739 = arith.addi %mul3A_737, %add3A_738 : i32
        %dma_start3A_740 = arith.constant 0 : i32
        %dma_start3A_741 = arith.constant 1 : i32
        %dma_start3A_742 = arith.constant 0 : i32
        %dma_start3A_743 = arith.constant 0 : i32
        %dma_start3A_744 = tpu.memref_slice %arg6[%dma_start3A_740, %dma_start3A_741, %dma_start3A_742, %dma_start3A_743] : memref<2x4x100x128xf32, #tpu.memory_space<vmem>> -> memref<1x1x100x128xf32, #tpu.memory_space<vmem>>
        %dma_start3A_745 = tpu.memref_squeeze %dma_start3A_744 : memref<1x1x100x128xf32, #tpu.memory_space<vmem>> -> memref<100x128xf32, #tpu.memory_space<vmem>>
        %dma_start3A_746 = arith.constant 0 : i32
        %dma_start3A_747 = tpu.memref_slice %arg5[%add3A_739, %dma_start3A_746] : memref<128x100xi32, #tpu.memory_space<vmem>> -> memref<1x100xi32, #tpu.memory_space<vmem>>
        %dma_start3A_748 = tpu.memref_squeeze %dma_start3A_747 : memref<1x100xi32, #tpu.memory_space<vmem>> -> memref<100xi32, #tpu.memory_space<vmem>>
        %dma_start3A_749 = arith.constant 0 : i32
        %dma_start3A_750 = arith.constant 0 : i32
        %dma_start3A_751 = tpu.memref_slice %arg3[%dma_start3A_749, %dma_start3A_750] : memref<100000x128xf32, #tpu.memory_space<hbm>> -> memref<100000x128xf32, #tpu.memory_space<hbm>>
        tpu.enqueue_indirect_dma source(%dma_start3A_751 : memref<100000x128xf32, #tpu.memory_space<hbm>>) target(%dma_start3A_745 : memref<100x128xf32, #tpu.memory_space<vmem>>) offsets(%dma_start3A_748 : memref<100xi32, #tpu.memory_space<vmem>>) semaphore(%arg7 : memref<!tpu.dma_semaphore, #tpu.memory_space<semaphore_mem>>)
        %mul3A_752 = arith.constant 4 : i32
        %mul3A_753 = arith.muli %add3A_719, %mul3A_752 : i32
        %add3A_754 = arith.constant 2 : i32
        %add3A_755 = arith.addi %mul3A_753, %add3A_754 : i32
        %dma_start3A_756 = arith.constant 0 : i32
        %dma_start3A_757 = arith.constant 2 : i32
        %dma_start3A_758 = arith.constant 0 : i32
        %dma_start3A_759 = arith.constant 0 : i32
        %dma_start3A_760 = tpu.memref_slice %arg6[%dma_start3A_756, %dma_start3A_757, %dma_start3A_758, %dma_start3A_759] : memref<2x4x100x128xf32, #tpu.memory_space<vmem>> -> memref<1x1x100x128xf32, #tpu.memory_space<vmem>>
        %dma_start3A_761 = tpu.memref_squeeze %dma_start3A_760 : memref<1x1x100x128xf32, #tpu.memory_space<vmem>> -> memref<100x128xf32, #tpu.memory_space<vmem>>
        %dma_start3A_762 = arith.constant 0 : i32
        %dma_start3A_763 = tpu.memref_slice %arg5[%add3A_755, %dma_start3A_762] : memref<128x100xi32, #tpu.memory_space<vmem>> -> memref<1x100xi32, #tpu.memory_space<vmem>>
        %dma_start3A_764 = tpu.memref_squeeze %dma_start3A_763 : memref<1x100xi32, #tpu.memory_space<vmem>> -> memref<100xi32, #tpu.memory_space<vmem>>
        %dma_start3A_765 = arith.constant 0 : i32
        %dma_start3A_766 = arith.constant 0 : i32
        %dma_start3A_767 = tpu.memref_slice %arg3[%dma_start3A_765, %dma_start3A_766] : memref<100000x128xf32, #tpu.memory_space<hbm>> -> memref<100000x128xf32, #tpu.memory_space<hbm>>
        tpu.enqueue_indirect_dma source(%dma_start3A_767 : memref<100000x128xf32, #tpu.memory_space<hbm>>) target(%dma_start3A_761 : memref<100x128xf32, #tpu.memory_space<vmem>>) offsets(%dma_start3A_764 : memref<100xi32, #tpu.memory_space<vmem>>) semaphore(%arg7 : memref<!tpu.dma_semaphore, #tpu.memory_space<semaphore_mem>>)
        %mul3A_768 = arith.constant 4 : i32
        %mul3A_769 = arith.muli %add3A_719, %mul3A_768 : i32
        %add3A_770 = arith.constant 3 : i32
        %add3A_771 = arith.addi %mul3A_769, %add3A_770 : i32
        %dma_start3A_772 = arith.constant 0 : i32
        %dma_start3A_773 = arith.constant 3 : i32
        %dma_start3A_774 = arith.constant 0 : i32
        %dma_start3A_775 = arith.constant 0 : i32
        %dma_start3A_776 = tpu.memref_slice %arg6[%dma_start3A_772, %dma_start3A_773, %dma_start3A_774, %dma_start3A_775] : memref<2x4x100x128xf32, #tpu.memory_space<vmem>> -> memref<1x1x100x128xf32, #tpu.memory_space<vmem>>
        %dma_start3A_777 = tpu.memref_squeeze %dma_start3A_776 : memref<1x1x100x128xf32, #tpu.memory_space<vmem>> -> memref<100x128xf32, #tpu.memory_space<vmem>>
        %dma_start3A_778 = arith.constant 0 : i32
        %dma_start3A_779 = tpu.memref_slice %arg5[%add3A_771, %dma_start3A_778] : memref<128x100xi32, #tpu.memory_space<vmem>> -> memref<1x100xi32, #tpu.memory_space<vmem>>
        %dma_start3A_780 = tpu.memref_squeeze %dma_start3A_779 : memref<1x100xi32, #tpu.memory_space<vmem>> -> memref<100xi32, #tpu.memory_space<vmem>>
        %dma_start3A_781 = arith.constant 0 : i32
        %dma_start3A_782 = arith.constant 0 : i32
        %dma_start3A_783 = tpu.memref_slice %arg3[%dma_start3A_781, %dma_start3A_782] : memref<100000x128xf32, #tpu.memory_space<hbm>> -> memref<100000x128xf32, #tpu.memory_space<hbm>>
        tpu.enqueue_indirect_dma source(%dma_start3A_783 : memref<100000x128xf32, #tpu.memory_space<hbm>>) target(%dma_start3A_777 : memref<100x128xf32, #tpu.memory_space<vmem>>) offsets(%dma_start3A_780 : memref<100xi32, #tpu.memory_space<vmem>>) semaphore(%arg7 : memref<!tpu.dma_semaphore, #tpu.memory_space<semaphore_mem>>)
        %dma_wait3A_784 = arith.constant 1 : i32
        %dma_wait3A_785 = arith.constant 0 : i32
        %dma_wait3A_786 = arith.constant 0 : i32
        %dma_wait3A_787 = arith.constant 0 : i32
        %dma_wait3A_788 = tpu.memref_slice %arg6[%dma_wait3A_784, %dma_wait3A_785, %dma_wait3A_786, %dma_wait3A_787] : memref<2x4x100x128xf32, #tpu.memory_space<vmem>> -> memref<1x4x100x128xf32, #tpu.memory_space<vmem>>
        %dma_wait3A_789 = tpu.memref_squeeze %dma_wait3A_788 : memref<1x4x100x128xf32, #tpu.memory_space<vmem>> -> memref<4x100x128xf32, #tpu.memory_space<vmem>>
        %dma_wait3A_790 = arith.constant 0 : i32
        %dma_wait3A_791 = arith.constant 0 : i32
        %dma_wait3A_792 = arith.constant 0 : i32
        %dma_wait3A_793 = tpu.memref_slice %arg4[%dma_wait3A_790, %dma_wait3A_791, %dma_wait3A_792] : memref<16384x100x128xf32, #tpu.memory_space<hbm>> -> memref<4x100x128xf32, #tpu.memory_space<hbm>>
        %dma_wait3A_794 = arith.constant 0 : i32
        %dma_wait3A_795 = arith.constant 0 : i32
        %dma_wait3A_796 = arith.constant 0 : i32
        %dma_wait3A_797 = tpu.memref_slice %arg4[%dma_wait3A_794, %dma_wait3A_795, %dma_wait3A_796] : memref<16384x100x128xf32, #tpu.memory_space<hbm>> -> memref<4x100x128xf32, #tpu.memory_space<hbm>>
        %dma_wait3A_798 = arith.constant 0 : i32
        %dma_wait3A_799 = arith.constant 0 : i32
        %dma_wait3A_800 = arith.constant 0 : i32
        %dma_wait3A_801 = tpu.memref_slice %arg6[%dma_wait3A_784, %dma_wait3A_798, %dma_wait3A_799, %dma_wait3A_800] : memref<2x4x100x128xf32, #tpu.memory_space<vmem>> -> memref<1x4x100x128xf32, #tpu.memory_space<vmem>>
        %dma_wait3A_802 = tpu.memref_squeeze %dma_wait3A_801 : memref<1x4x100x128xf32, #tpu.memory_space<vmem>> -> memref<4x100x128xf32, #tpu.memory_space<vmem>>
        tpu.wait_dma2 semaphore(%arg10 : memref<!tpu.dma_semaphore, #tpu.memory_space<semaphore_mem>>) src(%dma_wait3A_802 : memref<4x100x128xf32, #tpu.memory_space<vmem>>) dst(%dma_wait3A_797 : memref<4x100x128xf32, #tpu.memory_space<hbm>>)
        %add3A_803 = arith.constant 1 : i32
        %add3A_804 = arith.addi %scan3A_606, %add3A_803 : i32
        %mul3A_805 = arith.constant 2 : i32
        %mul3A_806 = arith.muli %add3A_804, %mul3A_805 : i32
        %add3A_807 = arith.constant 1 : i32
        %add3A_808 = arith.addi %mul3A_806, %add3A_807 : i32
        %mul3A_809 = arith.constant 4 : i32
        %mul3A_810 = arith.muli %add3A_808, %mul3A_809 : i32
        %add3A_811 = arith.constant 0 : i32
        %add3A_812 = arith.addi %mul3A_810, %add3A_811 : i32
        %dma_start3A_813 = arith.constant 1 : i32
        %dma_start3A_814 = arith.constant 0 : i32
        %dma_start3A_815 = arith.constant 0 : i32
        %dma_start3A_816 = arith.constant 0 : i32
        %dma_start3A_817 = tpu.memref_slice %arg6[%dma_start3A_813, %dma_start3A_814, %dma_start3A_815, %dma_start3A_816] : memref<2x4x100x128xf32, #tpu.memory_space<vmem>> -> memref<1x1x100x128xf32, #tpu.memory_space<vmem>>
        %dma_start3A_818 = tpu.memref_squeeze %dma_start3A_817 : memref<1x1x100x128xf32, #tpu.memory_space<vmem>> -> memref<100x128xf32, #tpu.memory_space<vmem>>
        %dma_start3A_819 = arith.constant 0 : i32
        %dma_start3A_820 = tpu.memref_slice %arg5[%add3A_812, %dma_start3A_819] : memref<128x100xi32, #tpu.memory_space<vmem>> -> memref<1x100xi32, #tpu.memory_space<vmem>>
        %dma_start3A_821 = tpu.memref_squeeze %dma_start3A_820 : memref<1x100xi32, #tpu.memory_space<vmem>> -> memref<100xi32, #tpu.memory_space<vmem>>
        %dma_start3A_822 = arith.constant 0 : i32
        %dma_start3A_823 = arith.constant 0 : i32
        %dma_start3A_824 = tpu.memref_slice %arg3[%dma_start3A_822, %dma_start3A_823] : memref<100000x128xf32, #tpu.memory_space<hbm>> -> memref<100000x128xf32, #tpu.memory_space<hbm>>
        tpu.enqueue_indirect_dma source(%dma_start3A_824 : memref<100000x128xf32, #tpu.memory_space<hbm>>) target(%dma_start3A_818 : memref<100x128xf32, #tpu.memory_space<vmem>>) offsets(%dma_start3A_821 : memref<100xi32, #tpu.memory_space<vmem>>) semaphore(%arg8 : memref<!tpu.dma_semaphore, #tpu.memory_space<semaphore_mem>>)
        %mul3A_825 = arith.constant 4 : i32
        %mul3A_826 = arith.muli %add3A_808, %mul3A_825 : i32
        %add3A_827 = arith.constant 1 : i32
        %add3A_828 = arith.addi %mul3A_826, %add3A_827 : i32
        %dma_start3A_829 = arith.constant 1 : i32
        %dma_start3A_830 = arith.constant 1 : i32
        %dma_start3A_831 = arith.constant 0 : i32
        %dma_start3A_832 = arith.constant 0 : i32
        %dma_start3A_833 = tpu.memref_slice %arg6[%dma_start3A_829, %dma_start3A_830, %dma_start3A_831, %dma_start3A_832] : memref<2x4x100x128xf32, #tpu.memory_space<vmem>> -> memref<1x1x100x128xf32, #tpu.memory_space<vmem>>
        %dma_start3A_834 = tpu.memref_squeeze %dma_start3A_833 : memref<1x1x100x128xf32, #tpu.memory_space<vmem>> -> memref<100x128xf32, #tpu.memory_space<vmem>>
        %dma_start3A_835 = arith.constant 0 : i32
        %dma_start3A_836 = tpu.memref_slice %arg5[%add3A_828, %dma_start3A_835] : memref<128x100xi32, #tpu.memory_space<vmem>> -> memref<1x100xi32, #tpu.memory_space<vmem>>
        %dma_start3A_837 = tpu.memref_squeeze %dma_start3A_836 : memref<1x100xi32, #tpu.memory_space<vmem>> -> memref<100xi32, #tpu.memory_space<vmem>>
        %dma_start3A_838 = arith.constant 0 : i32
        %dma_start3A_839 = arith.constant 0 : i32
        %dma_start3A_840 = tpu.memref_slice %arg3[%dma_start3A_838, %dma_start3A_839] : memref<100000x128xf32, #tpu.memory_space<hbm>> -> memref<100000x128xf32, #tpu.memory_space<hbm>>
        tpu.enqueue_indirect_dma source(%dma_start3A_840 : memref<100000x128xf32, #tpu.memory_space<hbm>>) target(%dma_start3A_834 : memref<100x128xf32, #tpu.memory_space<vmem>>) offsets(%dma_start3A_837 : memref<100xi32, #tpu.memory_space<vmem>>) semaphore(%arg8 : memref<!tpu.dma_semaphore, #tpu.memory_space<semaphore_mem>>)
        %mul3A_841 = arith.constant 4 : i32
        %mul3A_842 = arith.muli %add3A_808, %mul3A_841 : i32
        %add3A_843 = arith.constant 2 : i32
        %add3A_844 = arith.addi %mul3A_842, %add3A_843 : i32
        %dma_start3A_845 = arith.constant 1 : i32
        %dma_start3A_846 = arith.constant 2 : i32
        %dma_start3A_847 = arith.constant 0 : i32
        %dma_start3A_848 = arith.constant 0 : i32
        %dma_start3A_849 = tpu.memref_slice %arg6[%dma_start3A_845, %dma_start3A_846, %dma_start3A_847, %dma_start3A_848] : memref<2x4x100x128xf32, #tpu.memory_space<vmem>> -> memref<1x1x100x128xf32, #tpu.memory_space<vmem>>
        %dma_start3A_850 = tpu.memref_squeeze %dma_start3A_849 : memref<1x1x100x128xf32, #tpu.memory_space<vmem>> -> memref<100x128xf32, #tpu.memory_space<vmem>>
        %dma_start3A_851 = arith.constant 0 : i32
        %dma_start3A_852 = tpu.memref_slice %arg5[%add3A_844, %dma_start3A_851] : memref<128x100xi32, #tpu.memory_space<vmem>> -> memref<1x100xi32, #tpu.memory_space<vmem>>
        %dma_start3A_853 = tpu.memref_squeeze %dma_start3A_852 : memref<1x100xi32, #tpu.memory_space<vmem>> -> memref<100xi32, #tpu.memory_space<vmem>>
        %dma_start3A_854 = arith.constant 0 : i32
        %dma_start3A_855 = arith.constant 0 : i32
        %dma_start3A_856 = tpu.memref_slice %arg3[%dma_start3A_854, %dma_start3A_855] : memref<100000x128xf32, #tpu.memory_space<hbm>> -> memref<100000x128xf32, #tpu.memory_space<hbm>>
        tpu.enqueue_indirect_dma source(%dma_start3A_856 : memref<100000x128xf32, #tpu.memory_space<hbm>>) target(%dma_start3A_850 : memref<100x128xf32, #tpu.memory_space<vmem>>) offsets(%dma_start3A_853 : memref<100xi32, #tpu.memory_space<vmem>>) semaphore(%arg8 : memref<!tpu.dma_semaphore, #tpu.memory_space<semaphore_mem>>)
        %mul3A_857 = arith.constant 4 : i32
        %mul3A_858 = arith.muli %add3A_808, %mul3A_857 : i32
        %add3A_859 = arith.constant 3 : i32
        %add3A_860 = arith.addi %mul3A_858, %add3A_859 : i32
        %dma_start3A_861 = arith.constant 1 : i32
        %dma_start3A_862 = arith.constant 3 : i32
        %dma_start3A_863 = arith.constant 0 : i32
        %dma_start3A_864 = arith.constant 0 : i32
        %dma_start3A_865 = tpu.memref_slice %arg6[%dma_start3A_861, %dma_start3A_862, %dma_start3A_863, %dma_start3A_864] : memref<2x4x100x128xf32, #tpu.memory_space<vmem>> -> memref<1x1x100x128xf32, #tpu.memory_space<vmem>>
        %dma_start3A_866 = tpu.memref_squeeze %dma_start3A_865 : memref<1x1x100x128xf32, #tpu.memory_space<vmem>> -> memref<100x128xf32, #tpu.memory_space<vmem>>
        %dma_start3A_867 = arith.constant 0 : i32
        %dma_start3A_868 = tpu.memref_slice %arg5[%add3A_860, %dma_start3A_867] : memref<128x100xi32, #tpu.memory_space<vmem>> -> memref<1x100xi32, #tpu.memory_space<vmem>>
        %dma_start3A_869 = tpu.memref_squeeze %dma_start3A_868 : memref<1x100xi32, #tpu.memory_space<vmem>> -> memref<100xi32, #tpu.memory_space<vmem>>
        %dma_start3A_870 = arith.constant 0 : i32
        %dma_start3A_871 = arith.constant 0 : i32
        %dma_start3A_872 = tpu.memref_slice %arg3[%dma_start3A_870, %dma_start3A_871] : memref<100000x128xf32, #tpu.memory_space<hbm>> -> memref<100000x128xf32, #tpu.memory_space<hbm>>
        tpu.enqueue_indirect_dma source(%dma_start3A_872 : memref<100000x128xf32, #tpu.memory_space<hbm>>) target(%dma_start3A_866 : memref<100x128xf32, #tpu.memory_space<vmem>>) offsets(%dma_start3A_869 : memref<100xi32, #tpu.memory_space<vmem>>) semaphore(%arg8 : memref<!tpu.dma_semaphore, #tpu.memory_space<semaphore_mem>>)
      } else {
      }
    }
    %scan3A_263 = arith.constant 16 : i32
    %dma_wait3A_264 = arith.constant 0 : i32
    %dma_wait3A_265 = arith.constant 0 : i32
    %dma_wait3A_266 = arith.constant 0 : i32
    %dma_wait3A_267 = arith.constant 0 : i32
    %dma_wait3A_268 = tpu.memref_slice %arg6[%dma_wait3A_264, %dma_wait3A_265, %dma_wait3A_266, %dma_wait3A_267] : memref<2x4x100x128xf32, #tpu.memory_space<vmem>> -> memref<1x4x100x128xf32, #tpu.memory_space<vmem>>
    %dma_wait3A_269 = tpu.memref_squeeze %dma_wait3A_268 : memref<1x4x100x128xf32, #tpu.memory_space<vmem>> -> memref<4x100x128xf32, #tpu.memory_space<vmem>>
    %dma_wait3A_270 = arith.constant 0 : i32
    %dma_wait3A_271 = arith.constant 0 : i32
    %dma_wait3A_272 = arith.constant 0 : i32
    %dma_wait3A_273 = tpu.memref_slice %arg4[%dma_wait3A_270, %dma_wait3A_271, %dma_wait3A_272] : memref<16384x100x128xf32, #tpu.memory_space<hbm>> -> memref<4x100x128xf32, #tpu.memory_space<hbm>>
    %dma_wait3A_274 = arith.constant 0 : i32
    %dma_wait3A_275 = arith.constant 0 : i32
    %dma_wait3A_276 = arith.constant 0 : i32
    %dma_wait3A_277 = tpu.memref_slice %arg4[%dma_wait3A_274, %dma_wait3A_275, %dma_wait3A_276] : memref<16384x100x128xf32, #tpu.memory_space<hbm>> -> memref<4x100x128xf32, #tpu.memory_space<hbm>>
    %dma_wait3A_278 = arith.constant 0 : i32
    %dma_wait3A_279 = arith.constant 0 : i32
    %dma_wait3A_280 = arith.constant 0 : i32
    %dma_wait3A_281 = tpu.memref_slice %arg6[%dma_wait3A_264, %dma_wait3A_278, %dma_wait3A_279, %dma_wait3A_280] : memref<2x4x100x128xf32, #tpu.memory_space<vmem>> -> memref<1x4x100x128xf32, #tpu.memory_space<vmem>>
    %dma_wait3A_282 = tpu.memref_squeeze %dma_wait3A_281 : memref<1x4x100x128xf32, #tpu.memory_space<vmem>> -> memref<4x100x128xf32, #tpu.memory_space<vmem>>
    tpu.wait_dma2 semaphore(%arg9 : memref<!tpu.dma_semaphore, #tpu.memory_space<semaphore_mem>>) src(%dma_wait3A_282 : memref<4x100x128xf32, #tpu.memory_space<vmem>>) dst(%dma_wait3A_277 : memref<4x100x128xf32, #tpu.memory_space<hbm>>)
    %dma_wait3A_283 = arith.constant 1 : i32
    %dma_wait3A_284 = arith.constant 0 : i32
    %dma_wait3A_285 = arith.constant 0 : i32
    %dma_wait3A_286 = arith.constant 0 : i32
    %dma_wait3A_287 = tpu.memref_slice %arg6[%dma_wait3A_283, %dma_wait3A_284, %dma_wait3A_285, %dma_wait3A_286] : memref<2x4x100x128xf32, #tpu.memory_space<vmem>> -> memref<1x4x100x128xf32, #tpu.memory_space<vmem>>
    %dma_wait3A_288 = tpu.memref_squeeze %dma_wait3A_287 : memref<1x4x100x128xf32, #tpu.memory_space<vmem>> -> memref<4x100x128xf32, #tpu.memory_space<vmem>>
    %dma_wait3A_289 = arith.constant 0 : i32
    %dma_wait3A_290 = arith.constant 0 : i32
    %dma_wait3A_291 = arith.constant 0 : i32
    %dma_wait3A_292 = tpu.memref_slice %arg4[%dma_wait3A_289, %dma_wait3A_290, %dma_wait3A_291] : memref<16384x100x128xf32, #tpu.memory_space<hbm>> -> memref<4x100x128xf32, #tpu.memory_space<hbm>>
    %dma_wait3A_293 = arith.constant 0 : i32
    %dma_wait3A_294 = arith.constant 0 : i32
    %dma_wait3A_295 = arith.constant 0 : i32
    %dma_wait3A_296 = tpu.memref_slice %arg4[%dma_wait3A_293, %dma_wait3A_294, %dma_wait3A_295] : memref<16384x100x128xf32, #tpu.memory_space<hbm>> -> memref<4x100x128xf32, #tpu.memory_space<hbm>>
    %dma_wait3A_297 = arith.constant 0 : i32
    %dma_wait3A_298 = arith.constant 0 : i32
    %dma_wait3A_299 = arith.constant 0 : i32
    %dma_wait3A_300 = tpu.memref_slice %arg6[%dma_wait3A_283, %dma_wait3A_297, %dma_wait3A_298, %dma_wait3A_299] : memref<2x4x100x128xf32, #tpu.memory_space<vmem>> -> memref<1x4x100x128xf32, #tpu.memory_space<vmem>>
    %dma_wait3A_301 = tpu.memref_squeeze %dma_wait3A_300 : memref<1x4x100x128xf32, #tpu.memory_space<vmem>> -> memref<4x100x128xf32, #tpu.memory_space<vmem>>
    tpu.wait_dma2 semaphore(%arg10 : memref<!tpu.dma_semaphore, #tpu.memory_space<semaphore_mem>>) src(%dma_wait3A_301 : memref<4x100x128xf32, #tpu.memory_space<vmem>>) dst(%dma_wait3A_296 : memref<4x100x128xf32, #tpu.memory_space<hbm>>)
    %mul3A_302 = arith.constant 512 : i32
    %mul3A_303 = arith.muli %add3A, %mul3A_302 : i32
    %add3A_304 = arith.constant 256 : i32
    %add3A_305 = arith.addi %mul3A_303, %add3A_304 : i32
    "tpu.region"() ({
      %run_scoped3A = tpu.sem_alloc : memref<!tpu.dma_semaphore, #tpu.memory_space<semaphore_mem>>
      %dma_start3A_606 = arith.constant 0 : i32
      %dma_start3A_607 = tpu.memref_slice %arg2[%add3A_305, %dma_start3A_606] : memref<16384x100xi32, #tpu.memory_space<hbm>> -> memref<128x100xi32, #tpu.memory_space<hbm>>
      %dma_start3A_608 = arith.constant 0 : i32
      %dma_start3A_609 = tpu.memref_slice %arg2[%add3A_305, %dma_start3A_608] : memref<16384x100xi32, #tpu.memory_space<hbm>> -> memref<128x100xi32, #tpu.memory_space<hbm>>
      tpu.enqueue_dma source(%dma_start3A_609 : memref<128x100xi32, #tpu.memory_space<hbm>>) target(%arg5 : memref<128x100xi32, #tpu.memory_space<vmem>>) target_semaphore(%run_scoped3A : memref<!tpu.dma_semaphore, #tpu.memory_space<semaphore_mem>>)
      %dma_wait3A_610 = arith.constant 0 : i32
      %dma_wait3A_611 = tpu.memref_slice %arg2[%add3A_305, %dma_wait3A_610] : memref<16384x100xi32, #tpu.memory_space<hbm>> -> memref<128x100xi32, #tpu.memory_space<hbm>>
      %dma_wait3A_612 = arith.constant 0 : i32
      %dma_wait3A_613 = tpu.memref_slice %arg2[%add3A_305, %dma_wait3A_612] : memref<16384x100xi32, #tpu.memory_space<hbm>> -> memref<128x100xi32, #tpu.memory_space<hbm>>
      tpu.wait_dma2 semaphore(%run_scoped3A : memref<!tpu.dma_semaphore, #tpu.memory_space<semaphore_mem>>) src(%dma_wait3A_613 : memref<128x100xi32, #tpu.memory_space<hbm>>) dst(%arg5 : memref<128x100xi32, #tpu.memory_space<vmem>>)
      tpu.yield
    }) : () -> ()
    %dma_start3A_306 = arith.constant 0 : i32
    %dma_start3A_307 = arith.constant 0 : i32
    %dma_start3A_308 = arith.constant 0 : i32
    %dma_start3A_309 = arith.constant 0 : i32
    %dma_start3A_310 = arith.constant 0 : i32
    %dma_start3A_311 = tpu.memref_slice %arg6[%dma_start3A_307, %dma_start3A_308, %dma_start3A_309, %dma_start3A_310] : memref<2x4x100x128xf32, #tpu.memory_space<vmem>> -> memref<1x1x100x128xf32, #tpu.memory_space<vmem>>
    %dma_start3A_312 = tpu.memref_squeeze %dma_start3A_311 : memref<1x1x100x128xf32, #tpu.memory_space<vmem>> -> memref<100x128xf32, #tpu.memory_space<vmem>>
    %dma_start3A_313 = arith.constant 0 : i32
    %dma_start3A_314 = tpu.memref_slice %arg5[%dma_start3A_306, %dma_start3A_313] : memref<128x100xi32, #tpu.memory_space<vmem>> -> memref<1x100xi32, #tpu.memory_space<vmem>>
    %dma_start3A_315 = tpu.memref_squeeze %dma_start3A_314 : memref<1x100xi32, #tpu.memory_space<vmem>> -> memref<100xi32, #tpu.memory_space<vmem>>
    %dma_start3A_316 = arith.constant 0 : i32
    %dma_start3A_317 = arith.constant 0 : i32
    %dma_start3A_318 = tpu.memref_slice %arg3[%dma_start3A_316, %dma_start3A_317] : memref<100000x128xf32, #tpu.memory_space<hbm>> -> memref<100000x128xf32, #tpu.memory_space<hbm>>
    tpu.enqueue_indirect_dma source(%dma_start3A_318 : memref<100000x128xf32, #tpu.memory_space<hbm>>) target(%dma_start3A_312 : memref<100x128xf32, #tpu.memory_space<vmem>>) offsets(%dma_start3A_315 : memref<100xi32, #tpu.memory_space<vmem>>) semaphore(%arg7 : memref<!tpu.dma_semaphore, #tpu.memory_space<semaphore_mem>>)
    %dma_start3A_319 = arith.constant 1 : i32
    %dma_start3A_320 = arith.constant 0 : i32
    %dma_start3A_321 = arith.constant 1 : i32
    %dma_start3A_322 = arith.constant 0 : i32
    %dma_start3A_323 = arith.constant 0 : i32
    %dma_start3A_324 = tpu.memref_slice %arg6[%dma_start3A_320, %dma_start3A_321, %dma_start3A_322, %dma_start3A_323] : memref<2x4x100x128xf32, #tpu.memory_space<vmem>> -> memref<1x1x100x128xf32, #tpu.memory_space<vmem>>
    %dma_start3A_325 = tpu.memref_squeeze %dma_start3A_324 : memref<1x1x100x128xf32, #tpu.memory_space<vmem>> -> memref<100x128xf32, #tpu.memory_space<vmem>>
    %dma_start3A_326 = arith.constant 0 : i32
    %dma_start3A_327 = tpu.memref_slice %arg5[%dma_start3A_319, %dma_start3A_326] : memref<128x100xi32, #tpu.memory_space<vmem>> -> memref<1x100xi32, #tpu.memory_space<vmem>>
    %dma_start3A_328 = tpu.memref_squeeze %dma_start3A_327 : memref<1x100xi32, #tpu.memory_space<vmem>> -> memref<100xi32, #tpu.memory_space<vmem>>
    %dma_start3A_329 = arith.constant 0 : i32
    %dma_start3A_330 = arith.constant 0 : i32
    %dma_start3A_331 = tpu.memref_slice %arg3[%dma_start3A_329, %dma_start3A_330] : memref<100000x128xf32, #tpu.memory_space<hbm>> -> memref<100000x128xf32, #tpu.memory_space<hbm>>
    tpu.enqueue_indirect_dma source(%dma_start3A_331 : memref<100000x128xf32, #tpu.memory_space<hbm>>) target(%dma_start3A_325 : memref<100x128xf32, #tpu.memory_space<vmem>>) offsets(%dma_start3A_328 : memref<100xi32, #tpu.memory_space<vmem>>) semaphore(%arg7 : memref<!tpu.dma_semaphore, #tpu.memory_space<semaphore_mem>>)
    %dma_start3A_332 = arith.constant 2 : i32
    %dma_start3A_333 = arith.constant 0 : i32
    %dma_start3A_334 = arith.constant 2 : i32
    %dma_start3A_335 = arith.constant 0 : i32
    %dma_start3A_336 = arith.constant 0 : i32
    %dma_start3A_337 = tpu.memref_slice %arg6[%dma_start3A_333, %dma_start3A_334, %dma_start3A_335, %dma_start3A_336] : memref<2x4x100x128xf32, #tpu.memory_space<vmem>> -> memref<1x1x100x128xf32, #tpu.memory_space<vmem>>
    %dma_start3A_338 = tpu.memref_squeeze %dma_start3A_337 : memref<1x1x100x128xf32, #tpu.memory_space<vmem>> -> memref<100x128xf32, #tpu.memory_space<vmem>>
    %dma_start3A_339 = arith.constant 0 : i32
    %dma_start3A_340 = tpu.memref_slice %arg5[%dma_start3A_332, %dma_start3A_339] : memref<128x100xi32, #tpu.memory_space<vmem>> -> memref<1x100xi32, #tpu.memory_space<vmem>>
    %dma_start3A_341 = tpu.memref_squeeze %dma_start3A_340 : memref<1x100xi32, #tpu.memory_space<vmem>> -> memref<100xi32, #tpu.memory_space<vmem>>
    %dma_start3A_342 = arith.constant 0 : i32
    %dma_start3A_343 = arith.constant 0 : i32
    %dma_start3A_344 = tpu.memref_slice %arg3[%dma_start3A_342, %dma_start3A_343] : memref<100000x128xf32, #tpu.memory_space<hbm>> -> memref<100000x128xf32, #tpu.memory_space<hbm>>
    tpu.enqueue_indirect_dma source(%dma_start3A_344 : memref<100000x128xf32, #tpu.memory_space<hbm>>) target(%dma_start3A_338 : memref<100x128xf32, #tpu.memory_space<vmem>>) offsets(%dma_start3A_341 : memref<100xi32, #tpu.memory_space<vmem>>) semaphore(%arg7 : memref<!tpu.dma_semaphore, #tpu.memory_space<semaphore_mem>>)
    %dma_start3A_345 = arith.constant 3 : i32
    %dma_start3A_346 = arith.constant 0 : i32
    %dma_start3A_347 = arith.constant 3 : i32
    %dma_start3A_348 = arith.constant 0 : i32
    %dma_start3A_349 = arith.constant 0 : i32
    %dma_start3A_350 = tpu.memref_slice %arg6[%dma_start3A_346, %dma_start3A_347, %dma_start3A_348, %dma_start3A_349] : memref<2x4x100x128xf32, #tpu.memory_space<vmem>> -> memref<1x1x100x128xf32, #tpu.memory_space<vmem>>
    %dma_start3A_351 = tpu.memref_squeeze %dma_start3A_350 : memref<1x1x100x128xf32, #tpu.memory_space<vmem>> -> memref<100x128xf32, #tpu.memory_space<vmem>>
    %dma_start3A_352 = arith.constant 0 : i32
    %dma_start3A_353 = tpu.memref_slice %arg5[%dma_start3A_345, %dma_start3A_352] : memref<128x100xi32, #tpu.memory_space<vmem>> -> memref<1x100xi32, #tpu.memory_space<vmem>>
    %dma_start3A_354 = tpu.memref_squeeze %dma_start3A_353 : memref<1x100xi32, #tpu.memory_space<vmem>> -> memref<100xi32, #tpu.memory_space<vmem>>
    %dma_start3A_355 = arith.constant 0 : i32
    %dma_start3A_356 = arith.constant 0 : i32
    %dma_start3A_357 = tpu.memref_slice %arg3[%dma_start3A_355, %dma_start3A_356] : memref<100000x128xf32, #tpu.memory_space<hbm>> -> memref<100000x128xf32, #tpu.memory_space<hbm>>
    tpu.enqueue_indirect_dma source(%dma_start3A_357 : memref<100000x128xf32, #tpu.memory_space<hbm>>) target(%dma_start3A_351 : memref<100x128xf32, #tpu.memory_space<vmem>>) offsets(%dma_start3A_354 : memref<100xi32, #tpu.memory_space<vmem>>) semaphore(%arg7 : memref<!tpu.dma_semaphore, #tpu.memory_space<semaphore_mem>>)
    %dma_start3A_358 = arith.constant 4 : i32
    %dma_start3A_359 = arith.constant 1 : i32
    %dma_start3A_360 = arith.constant 0 : i32
    %dma_start3A_361 = arith.constant 0 : i32
    %dma_start3A_362 = arith.constant 0 : i32
    %dma_start3A_363 = tpu.memref_slice %arg6[%dma_start3A_359, %dma_start3A_360, %dma_start3A_361, %dma_start3A_362] : memref<2x4x100x128xf32, #tpu.memory_space<vmem>> -> memref<1x1x100x128xf32, #tpu.memory_space<vmem>>
    %dma_start3A_364 = tpu.memref_squeeze %dma_start3A_363 : memref<1x1x100x128xf32, #tpu.memory_space<vmem>> -> memref<100x128xf32, #tpu.memory_space<vmem>>
    %dma_start3A_365 = arith.constant 0 : i32
    %dma_start3A_366 = tpu.memref_slice %arg5[%dma_start3A_358, %dma_start3A_365] : memref<128x100xi32, #tpu.memory_space<vmem>> -> memref<1x100xi32, #tpu.memory_space<vmem>>
    %dma_start3A_367 = tpu.memref_squeeze %dma_start3A_366 : memref<1x100xi32, #tpu.memory_space<vmem>> -> memref<100xi32, #tpu.memory_space<vmem>>
    %dma_start3A_368 = arith.constant 0 : i32
    %dma_start3A_369 = arith.constant 0 : i32
    %dma_start3A_370 = tpu.memref_slice %arg3[%dma_start3A_368, %dma_start3A_369] : memref<100000x128xf32, #tpu.memory_space<hbm>> -> memref<100000x128xf32, #tpu.memory_space<hbm>>
    tpu.enqueue_indirect_dma source(%dma_start3A_370 : memref<100000x128xf32, #tpu.memory_space<hbm>>) target(%dma_start3A_364 : memref<100x128xf32, #tpu.memory_space<vmem>>) offsets(%dma_start3A_367 : memref<100xi32, #tpu.memory_space<vmem>>) semaphore(%arg8 : memref<!tpu.dma_semaphore, #tpu.memory_space<semaphore_mem>>)
    %dma_start3A_371 = arith.constant 5 : i32
    %dma_start3A_372 = arith.constant 1 : i32
    %dma_start3A_373 = arith.constant 1 : i32
    %dma_start3A_374 = arith.constant 0 : i32
    %dma_start3A_375 = arith.constant 0 : i32
    %dma_start3A_376 = tpu.memref_slice %arg6[%dma_start3A_372, %dma_start3A_373, %dma_start3A_374, %dma_start3A_375] : memref<2x4x100x128xf32, #tpu.memory_space<vmem>> -> memref<1x1x100x128xf32, #tpu.memory_space<vmem>>
    %dma_start3A_377 = tpu.memref_squeeze %dma_start3A_376 : memref<1x1x100x128xf32, #tpu.memory_space<vmem>> -> memref<100x128xf32, #tpu.memory_space<vmem>>
    %dma_start3A_378 = arith.constant 0 : i32
    %dma_start3A_379 = tpu.memref_slice %arg5[%dma_start3A_371, %dma_start3A_378] : memref<128x100xi32, #tpu.memory_space<vmem>> -> memref<1x100xi32, #tpu.memory_space<vmem>>
    %dma_start3A_380 = tpu.memref_squeeze %dma_start3A_379 : memref<1x100xi32, #tpu.memory_space<vmem>> -> memref<100xi32, #tpu.memory_space<vmem>>
    %dma_start3A_381 = arith.constant 0 : i32
    %dma_start3A_382 = arith.constant 0 : i32
    %dma_start3A_383 = tpu.memref_slice %arg3[%dma_start3A_381, %dma_start3A_382] : memref<100000x128xf32, #tpu.memory_space<hbm>> -> memref<100000x128xf32, #tpu.memory_space<hbm>>
    tpu.enqueue_indirect_dma source(%dma_start3A_383 : memref<100000x128xf32, #tpu.memory_space<hbm>>) target(%dma_start3A_377 : memref<100x128xf32, #tpu.memory_space<vmem>>) offsets(%dma_start3A_380 : memref<100xi32, #tpu.memory_space<vmem>>) semaphore(%arg8 : memref<!tpu.dma_semaphore, #tpu.memory_space<semaphore_mem>>)
    %dma_start3A_384 = arith.constant 6 : i32
    %dma_start3A_385 = arith.constant 1 : i32
    %dma_start3A_386 = arith.constant 2 : i32
    %dma_start3A_387 = arith.constant 0 : i32
    %dma_start3A_388 = arith.constant 0 : i32
    %dma_start3A_389 = tpu.memref_slice %arg6[%dma_start3A_385, %dma_start3A_386, %dma_start3A_387, %dma_start3A_388] : memref<2x4x100x128xf32, #tpu.memory_space<vmem>> -> memref<1x1x100x128xf32, #tpu.memory_space<vmem>>
    %dma_start3A_390 = tpu.memref_squeeze %dma_start3A_389 : memref<1x1x100x128xf32, #tpu.memory_space<vmem>> -> memref<100x128xf32, #tpu.memory_space<vmem>>
    %dma_start3A_391 = arith.constant 0 : i32
    %dma_start3A_392 = tpu.memref_slice %arg5[%dma_start3A_384, %dma_start3A_391] : memref<128x100xi32, #tpu.memory_space<vmem>> -> memref<1x100xi32, #tpu.memory_space<vmem>>
    %dma_start3A_393 = tpu.memref_squeeze %dma_start3A_392 : memref<1x100xi32, #tpu.memory_space<vmem>> -> memref<100xi32, #tpu.memory_space<vmem>>
    %dma_start3A_394 = arith.constant 0 : i32
    %dma_start3A_395 = arith.constant 0 : i32
    %dma_start3A_396 = tpu.memref_slice %arg3[%dma_start3A_394, %dma_start3A_395] : memref<100000x128xf32, #tpu.memory_space<hbm>> -> memref<100000x128xf32, #tpu.memory_space<hbm>>
    tpu.enqueue_indirect_dma source(%dma_start3A_396 : memref<100000x128xf32, #tpu.memory_space<hbm>>) target(%dma_start3A_390 : memref<100x128xf32, #tpu.memory_space<vmem>>) offsets(%dma_start3A_393 : memref<100xi32, #tpu.memory_space<vmem>>) semaphore(%arg8 : memref<!tpu.dma_semaphore, #tpu.memory_space<semaphore_mem>>)
    %dma_start3A_397 = arith.constant 7 : i32
    %dma_start3A_398 = arith.constant 1 : i32
    %dma_start3A_399 = arith.constant 3 : i32
    %dma_start3A_400 = arith.constant 0 : i32
    %dma_start3A_401 = arith.constant 0 : i32
    %dma_start3A_402 = tpu.memref_slice %arg6[%dma_start3A_398, %dma_start3A_399, %dma_start3A_400, %dma_start3A_401] : memref<2x4x100x128xf32, #tpu.memory_space<vmem>> -> memref<1x1x100x128xf32, #tpu.memory_space<vmem>>
    %dma_start3A_403 = tpu.memref_squeeze %dma_start3A_402 : memref<1x1x100x128xf32, #tpu.memory_space<vmem>> -> memref<100x128xf32, #tpu.memory_space<vmem>>
    %dma_start3A_404 = arith.constant 0 : i32
    %dma_start3A_405 = tpu.memref_slice %arg5[%dma_start3A_397, %dma_start3A_404] : memref<128x100xi32, #tpu.memory_space<vmem>> -> memref<1x100xi32, #tpu.memory_space<vmem>>
    %dma_start3A_406 = tpu.memref_squeeze %dma_start3A_405 : memref<1x100xi32, #tpu.memory_space<vmem>> -> memref<100xi32, #tpu.memory_space<vmem>>
    %dma_start3A_407 = arith.constant 0 : i32
    %dma_start3A_408 = arith.constant 0 : i32
    %dma_start3A_409 = tpu.memref_slice %arg3[%dma_start3A_407, %dma_start3A_408] : memref<100000x128xf32, #tpu.memory_space<hbm>> -> memref<100000x128xf32, #tpu.memory_space<hbm>>
    tpu.enqueue_indirect_dma source(%dma_start3A_409 : memref<100000x128xf32, #tpu.memory_space<hbm>>) target(%dma_start3A_403 : memref<100x128xf32, #tpu.memory_space<vmem>>) offsets(%dma_start3A_406 : memref<100xi32, #tpu.memory_space<vmem>>) semaphore(%arg8 : memref<!tpu.dma_semaphore, #tpu.memory_space<semaphore_mem>>)
    %scan3A_410 = arith.constant 0 : i32
    %scan3A_411 = arith.constant 0 : i32
    %scan3A_412 = arith.constant 16 : i32
    %scan3A_413 = arith.addi %scan3A_411, %scan3A_412 : i32
    %scan3A_414 = arith.constant 1 : i32
    scf.for %scan3A_606 = %scan3A_411 to %scan3A_413 step %scan3A_414  : i32 {
      %dma_wait3A_607 = arith.constant 0 : i32
      %dma_wait3A_608 = arith.constant 0 : i32
      %dma_wait3A_609 = arith.constant 0 : i32
      %dma_wait3A_610 = arith.constant 0 : i32
      %dma_wait3A_611 = tpu.memref_slice %arg6[%dma_wait3A_607, %dma_wait3A_608, %dma_wait3A_609, %dma_wait3A_610] : memref<2x4x100x128xf32, #tpu.memory_space<vmem>> -> memref<1x4x100x128xf32, #tpu.memory_space<vmem>>
      %dma_wait3A_612 = tpu.memref_squeeze %dma_wait3A_611 : memref<1x4x100x128xf32, #tpu.memory_space<vmem>> -> memref<4x100x128xf32, #tpu.memory_space<vmem>>
      %dma_wait3A_613 = arith.constant 0 : i32
      %dma_wait3A_614 = arith.constant 0 : i32
      %dma_wait3A_615 = arith.constant 0 : i32
      %dma_wait3A_616 = tpu.memref_slice %arg4[%dma_wait3A_613, %dma_wait3A_614, %dma_wait3A_615] : memref<16384x100x128xf32, #tpu.memory_space<hbm>> -> memref<4x100x128xf32, #tpu.memory_space<hbm>>
      %dma_wait3A_617 = arith.constant 0 : i32
      %dma_wait3A_618 = arith.constant 0 : i32
      %dma_wait3A_619 = arith.constant 0 : i32
      %dma_wait3A_620 = tpu.memref_slice %arg6[%dma_wait3A_607, %dma_wait3A_617, %dma_wait3A_618, %dma_wait3A_619] : memref<2x4x100x128xf32, #tpu.memory_space<vmem>> -> memref<1x4x100x128xf32, #tpu.memory_space<vmem>>
      %dma_wait3A_621 = tpu.memref_squeeze %dma_wait3A_620 : memref<1x4x100x128xf32, #tpu.memory_space<vmem>> -> memref<4x100x128xf32, #tpu.memory_space<vmem>>
      %dma_wait3A_622 = arith.constant 0 : i32
      %dma_wait3A_623 = arith.constant 0 : i32
      %dma_wait3A_624 = arith.constant 0 : i32
      %dma_wait3A_625 = tpu.memref_slice %arg4[%dma_wait3A_622, %dma_wait3A_623, %dma_wait3A_624] : memref<16384x100x128xf32, #tpu.memory_space<hbm>> -> memref<4x100x128xf32, #tpu.memory_space<hbm>>
      tpu.wait_dma2 semaphore(%arg7 : memref<!tpu.dma_semaphore, #tpu.memory_space<semaphore_mem>>) src(%dma_wait3A_625 : memref<4x100x128xf32, #tpu.memory_space<hbm>>) dst(%dma_wait3A_621 : memref<4x100x128xf32, #tpu.memory_space<vmem>>)
      %mul3A_626 = arith.constant 2 : i32
      %mul3A_627 = arith.muli %scan3A_606, %mul3A_626 : i32
      %add3A_628 = arith.constant 0 : i32
      %add3A_629 = arith.addi %mul3A_627, %add3A_628 : i32
      %mul3A_630 = arith.constant 4 : i32
      %mul3A_631 = arith.muli %add3A_629, %mul3A_630 : i32
      %add3A_632 = arith.addi %add3A_305, %mul3A_631 : i32
      %dma_start3A_633 = arith.constant 0 : i32
      %dma_start3A_634 = arith.constant 0 : i32
      %dma_start3A_635 = arith.constant 0 : i32
      %dma_start3A_636 = arith.constant 0 : i32
      %dma_start3A_637 = tpu.memref_slice %arg6[%dma_start3A_633, %dma_start3A_634, %dma_start3A_635, %dma_start3A_636] : memref<2x4x100x128xf32, #tpu.memory_space<vmem>> -> memref<1x4x100x128xf32, #tpu.memory_space<vmem>>
      %dma_start3A_638 = tpu.memref_squeeze %dma_start3A_637 : memref<1x4x100x128xf32, #tpu.memory_space<vmem>> -> memref<4x100x128xf32, #tpu.memory_space<vmem>>
      %dma_start3A_639 = arith.constant 0 : i32
      %dma_start3A_640 = arith.constant 0 : i32
      %dma_start3A_641 = tpu.memref_slice %arg4[%add3A_632, %dma_start3A_639, %dma_start3A_640] : memref<16384x100x128xf32, #tpu.memory_space<hbm>> -> memref<4x100x128xf32, #tpu.memory_space<hbm>>
      %dma_start3A_642 = arith.constant 0 : i32
      %dma_start3A_643 = arith.constant 0 : i32
      %dma_start3A_644 = tpu.memref_slice %arg4[%add3A_632, %dma_start3A_642, %dma_start3A_643] : memref<16384x100x128xf32, #tpu.memory_space<hbm>> -> memref<4x100x128xf32, #tpu.memory_space<hbm>>
      %dma_start3A_645 = arith.constant 0 : i32
      %dma_start3A_646 = arith.constant 0 : i32
      %dma_start3A_647 = arith.constant 0 : i32
      %dma_start3A_648 = tpu.memref_slice %arg6[%dma_start3A_633, %dma_start3A_645, %dma_start3A_646, %dma_start3A_647] : memref<2x4x100x128xf32, #tpu.memory_space<vmem>> -> memref<1x4x100x128xf32, #tpu.memory_space<vmem>>
      %dma_start3A_649 = tpu.memref_squeeze %dma_start3A_648 : memref<1x4x100x128xf32, #tpu.memory_space<vmem>> -> memref<4x100x128xf32, #tpu.memory_space<vmem>>
      tpu.enqueue_dma source(%dma_start3A_649 : memref<4x100x128xf32, #tpu.memory_space<vmem>>) target(%dma_start3A_644 : memref<4x100x128xf32, #tpu.memory_space<hbm>>) target_semaphore(%arg9 : memref<!tpu.dma_semaphore, #tpu.memory_space<semaphore_mem>>)
      %dma_wait3A_650 = arith.constant 1 : i32
      %dma_wait3A_651 = arith.constant 0 : i32
      %dma_wait3A_652 = arith.constant 0 : i32
      %dma_wait3A_653 = arith.constant 0 : i32
      %dma_wait3A_654 = tpu.memref_slice %arg6[%dma_wait3A_650, %dma_wait3A_651, %dma_wait3A_652, %dma_wait3A_653] : memref<2x4x100x128xf32, #tpu.memory_space<vmem>> -> memref<1x4x100x128xf32, #tpu.memory_space<vmem>>
      %dma_wait3A_655 = tpu.memref_squeeze %dma_wait3A_654 : memref<1x4x100x128xf32, #tpu.memory_space<vmem>> -> memref<4x100x128xf32, #tpu.memory_space<vmem>>
      %dma_wait3A_656 = arith.constant 0 : i32
      %dma_wait3A_657 = arith.constant 0 : i32
      %dma_wait3A_658 = arith.constant 0 : i32
      %dma_wait3A_659 = tpu.memref_slice %arg4[%dma_wait3A_656, %dma_wait3A_657, %dma_wait3A_658] : memref<16384x100x128xf32, #tpu.memory_space<hbm>> -> memref<4x100x128xf32, #tpu.memory_space<hbm>>
      %dma_wait3A_660 = arith.constant 0 : i32
      %dma_wait3A_661 = arith.constant 0 : i32
      %dma_wait3A_662 = arith.constant 0 : i32
      %dma_wait3A_663 = tpu.memref_slice %arg6[%dma_wait3A_650, %dma_wait3A_660, %dma_wait3A_661, %dma_wait3A_662] : memref<2x4x100x128xf32, #tpu.memory_space<vmem>> -> memref<1x4x100x128xf32, #tpu.memory_space<vmem>>
      %dma_wait3A_664 = tpu.memref_squeeze %dma_wait3A_663 : memref<1x4x100x128xf32, #tpu.memory_space<vmem>> -> memref<4x100x128xf32, #tpu.memory_space<vmem>>
      %dma_wait3A_665 = arith.constant 0 : i32
      %dma_wait3A_666 = arith.constant 0 : i32
      %dma_wait3A_667 = arith.constant 0 : i32
      %dma_wait3A_668 = tpu.memref_slice %arg4[%dma_wait3A_665, %dma_wait3A_666, %dma_wait3A_667] : memref<16384x100x128xf32, #tpu.memory_space<hbm>> -> memref<4x100x128xf32, #tpu.memory_space<hbm>>
      tpu.wait_dma2 semaphore(%arg8 : memref<!tpu.dma_semaphore, #tpu.memory_space<semaphore_mem>>) src(%dma_wait3A_668 : memref<4x100x128xf32, #tpu.memory_space<hbm>>) dst(%dma_wait3A_664 : memref<4x100x128xf32, #tpu.memory_space<vmem>>)
      %mul3A_669 = arith.constant 2 : i32
      %mul3A_670 = arith.muli %scan3A_606, %mul3A_669 : i32
      %add3A_671 = arith.constant 1 : i32
      %add3A_672 = arith.addi %mul3A_670, %add3A_671 : i32
      %mul3A_673 = arith.constant 4 : i32
      %mul3A_674 = arith.muli %add3A_672, %mul3A_673 : i32
      %add3A_675 = arith.addi %add3A_305, %mul3A_674 : i32
      %dma_start3A_676 = arith.constant 1 : i32
      %dma_start3A_677 = arith.constant 0 : i32
      %dma_start3A_678 = arith.constant 0 : i32
      %dma_start3A_679 = arith.constant 0 : i32
      %dma_start3A_680 = tpu.memref_slice %arg6[%dma_start3A_676, %dma_start3A_677, %dma_start3A_678, %dma_start3A_679] : memref<2x4x100x128xf32, #tpu.memory_space<vmem>> -> memref<1x4x100x128xf32, #tpu.memory_space<vmem>>
      %dma_start3A_681 = tpu.memref_squeeze %dma_start3A_680 : memref<1x4x100x128xf32, #tpu.memory_space<vmem>> -> memref<4x100x128xf32, #tpu.memory_space<vmem>>
      %dma_start3A_682 = arith.constant 0 : i32
      %dma_start3A_683 = arith.constant 0 : i32
      %dma_start3A_684 = tpu.memref_slice %arg4[%add3A_675, %dma_start3A_682, %dma_start3A_683] : memref<16384x100x128xf32, #tpu.memory_space<hbm>> -> memref<4x100x128xf32, #tpu.memory_space<hbm>>
      %dma_start3A_685 = arith.constant 0 : i32
      %dma_start3A_686 = arith.constant 0 : i32
      %dma_start3A_687 = tpu.memref_slice %arg4[%add3A_675, %dma_start3A_685, %dma_start3A_686] : memref<16384x100x128xf32, #tpu.memory_space<hbm>> -> memref<4x100x128xf32, #tpu.memory_space<hbm>>
      %dma_start3A_688 = arith.constant 0 : i32
      %dma_start3A_689 = arith.constant 0 : i32
      %dma_start3A_690 = arith.constant 0 : i32
      %dma_start3A_691 = tpu.memref_slice %arg6[%dma_start3A_676, %dma_start3A_688, %dma_start3A_689, %dma_start3A_690] : memref<2x4x100x128xf32, #tpu.memory_space<vmem>> -> memref<1x4x100x128xf32, #tpu.memory_space<vmem>>
      %dma_start3A_692 = tpu.memref_squeeze %dma_start3A_691 : memref<1x4x100x128xf32, #tpu.memory_space<vmem>> -> memref<4x100x128xf32, #tpu.memory_space<vmem>>
      tpu.enqueue_dma source(%dma_start3A_692 : memref<4x100x128xf32, #tpu.memory_space<vmem>>) target(%dma_start3A_687 : memref<4x100x128xf32, #tpu.memory_space<hbm>>) target_semaphore(%arg10 : memref<!tpu.dma_semaphore, #tpu.memory_space<semaphore_mem>>)
      %lt3A = arith.constant 15 : i32
      %lt3A_693 = arith.cmpi slt, %scan3A_606, %lt3A : i32
      %convert_element_type3A = arith.extui %lt3A_693 : i1 to i32
      %cond3A = arith.constant 0 : i32
      %cond3A_694 = arith.cmpi ne, %convert_element_type3A, %cond3A : i32
      scf.if %cond3A_694 {
        %dma_wait3A_695 = arith.constant 0 : i32
        %dma_wait3A_696 = arith.constant 0 : i32
        %dma_wait3A_697 = arith.constant 0 : i32
        %dma_wait3A_698 = arith.constant 0 : i32
        %dma_wait3A_699 = tpu.memref_slice %arg6[%dma_wait3A_695, %dma_wait3A_696, %dma_wait3A_697, %dma_wait3A_698] : memref<2x4x100x128xf32, #tpu.memory_space<vmem>> -> memref<1x4x100x128xf32, #tpu.memory_space<vmem>>
        %dma_wait3A_700 = tpu.memref_squeeze %dma_wait3A_699 : memref<1x4x100x128xf32, #tpu.memory_space<vmem>> -> memref<4x100x128xf32, #tpu.memory_space<vmem>>
        %dma_wait3A_701 = arith.constant 0 : i32
        %dma_wait3A_702 = arith.constant 0 : i32
        %dma_wait3A_703 = arith.constant 0 : i32
        %dma_wait3A_704 = tpu.memref_slice %arg4[%dma_wait3A_701, %dma_wait3A_702, %dma_wait3A_703] : memref<16384x100x128xf32, #tpu.memory_space<hbm>> -> memref<4x100x128xf32, #tpu.memory_space<hbm>>
        %dma_wait3A_705 = arith.constant 0 : i32
        %dma_wait3A_706 = arith.constant 0 : i32
        %dma_wait3A_707 = arith.constant 0 : i32
        %dma_wait3A_708 = tpu.memref_slice %arg4[%dma_wait3A_705, %dma_wait3A_706, %dma_wait3A_707] : memref<16384x100x128xf32, #tpu.memory_space<hbm>> -> memref<4x100x128xf32, #tpu.memory_space<hbm>>
        %dma_wait3A_709 = arith.constant 0 : i32
        %dma_wait3A_710 = arith.constant 0 : i32
        %dma_wait3A_711 = arith.constant 0 : i32
        %dma_wait3A_712 = tpu.memref_slice %arg6[%dma_wait3A_695, %dma_wait3A_709, %dma_wait3A_710, %dma_wait3A_711] : memref<2x4x100x128xf32, #tpu.memory_space<vmem>> -> memref<1x4x100x128xf32, #tpu.memory_space<vmem>>
        %dma_wait3A_713 = tpu.memref_squeeze %dma_wait3A_712 : memref<1x4x100x128xf32, #tpu.memory_space<vmem>> -> memref<4x100x128xf32, #tpu.memory_space<vmem>>
        tpu.wait_dma2 semaphore(%arg9 : memref<!tpu.dma_semaphore, #tpu.memory_space<semaphore_mem>>) src(%dma_wait3A_713 : memref<4x100x128xf32, #tpu.memory_space<vmem>>) dst(%dma_wait3A_708 : memref<4x100x128xf32, #tpu.memory_space<hbm>>)
        %add3A_714 = arith.constant 1 : i32
        %add3A_715 = arith.addi %scan3A_606, %add3A_714 : i32
        %mul3A_716 = arith.constant 2 : i32
        %mul3A_717 = arith.muli %add3A_715, %mul3A_716 : i32
        %add3A_718 = arith.constant 0 : i32
        %add3A_719 = arith.addi %mul3A_717, %add3A_718 : i32
        %mul3A_720 = arith.constant 4 : i32
        %mul3A_721 = arith.muli %add3A_719, %mul3A_720 : i32
        %add3A_722 = arith.constant 0 : i32
        %add3A_723 = arith.addi %mul3A_721, %add3A_722 : i32
        %dma_start3A_724 = arith.constant 0 : i32
        %dma_start3A_725 = arith.constant 0 : i32
        %dma_start3A_726 = arith.constant 0 : i32
        %dma_start3A_727 = arith.constant 0 : i32
        %dma_start3A_728 = tpu.memref_slice %arg6[%dma_start3A_724, %dma_start3A_725, %dma_start3A_726, %dma_start3A_727] : memref<2x4x100x128xf32, #tpu.memory_space<vmem>> -> memref<1x1x100x128xf32, #tpu.memory_space<vmem>>
        %dma_start3A_729 = tpu.memref_squeeze %dma_start3A_728 : memref<1x1x100x128xf32, #tpu.memory_space<vmem>> -> memref<100x128xf32, #tpu.memory_space<vmem>>
        %dma_start3A_730 = arith.constant 0 : i32
        %dma_start3A_731 = tpu.memref_slice %arg5[%add3A_723, %dma_start3A_730] : memref<128x100xi32, #tpu.memory_space<vmem>> -> memref<1x100xi32, #tpu.memory_space<vmem>>
        %dma_start3A_732 = tpu.memref_squeeze %dma_start3A_731 : memref<1x100xi32, #tpu.memory_space<vmem>> -> memref<100xi32, #tpu.memory_space<vmem>>
        %dma_start3A_733 = arith.constant 0 : i32
        %dma_start3A_734 = arith.constant 0 : i32
        %dma_start3A_735 = tpu.memref_slice %arg3[%dma_start3A_733, %dma_start3A_734] : memref<100000x128xf32, #tpu.memory_space<hbm>> -> memref<100000x128xf32, #tpu.memory_space<hbm>>
        tpu.enqueue_indirect_dma source(%dma_start3A_735 : memref<100000x128xf32, #tpu.memory_space<hbm>>) target(%dma_start3A_729 : memref<100x128xf32, #tpu.memory_space<vmem>>) offsets(%dma_start3A_732 : memref<100xi32, #tpu.memory_space<vmem>>) semaphore(%arg7 : memref<!tpu.dma_semaphore, #tpu.memory_space<semaphore_mem>>)
        %mul3A_736 = arith.constant 4 : i32
        %mul3A_737 = arith.muli %add3A_719, %mul3A_736 : i32
        %add3A_738 = arith.constant 1 : i32
        %add3A_739 = arith.addi %mul3A_737, %add3A_738 : i32
        %dma_start3A_740 = arith.constant 0 : i32
        %dma_start3A_741 = arith.constant 1 : i32
        %dma_start3A_742 = arith.constant 0 : i32
        %dma_start3A_743 = arith.constant 0 : i32
        %dma_start3A_744 = tpu.memref_slice %arg6[%dma_start3A_740, %dma_start3A_741, %dma_start3A_742, %dma_start3A_743] : memref<2x4x100x128xf32, #tpu.memory_space<vmem>> -> memref<1x1x100x128xf32, #tpu.memory_space<vmem>>
        %dma_start3A_745 = tpu.memref_squeeze %dma_start3A_744 : memref<1x1x100x128xf32, #tpu.memory_space<vmem>> -> memref<100x128xf32, #tpu.memory_space<vmem>>
        %dma_start3A_746 = arith.constant 0 : i32
        %dma_start3A_747 = tpu.memref_slice %arg5[%add3A_739, %dma_start3A_746] : memref<128x100xi32, #tpu.memory_space<vmem>> -> memref<1x100xi32, #tpu.memory_space<vmem>>
        %dma_start3A_748 = tpu.memref_squeeze %dma_start3A_747 : memref<1x100xi32, #tpu.memory_space<vmem>> -> memref<100xi32, #tpu.memory_space<vmem>>
        %dma_start3A_749 = arith.constant 0 : i32
        %dma_start3A_750 = arith.constant 0 : i32
        %dma_start3A_751 = tpu.memref_slice %arg3[%dma_start3A_749, %dma_start3A_750] : memref<100000x128xf32, #tpu.memory_space<hbm>> -> memref<100000x128xf32, #tpu.memory_space<hbm>>
        tpu.enqueue_indirect_dma source(%dma_start3A_751 : memref<100000x128xf32, #tpu.memory_space<hbm>>) target(%dma_start3A_745 : memref<100x128xf32, #tpu.memory_space<vmem>>) offsets(%dma_start3A_748 : memref<100xi32, #tpu.memory_space<vmem>>) semaphore(%arg7 : memref<!tpu.dma_semaphore, #tpu.memory_space<semaphore_mem>>)
        %mul3A_752 = arith.constant 4 : i32
        %mul3A_753 = arith.muli %add3A_719, %mul3A_752 : i32
        %add3A_754 = arith.constant 2 : i32
        %add3A_755 = arith.addi %mul3A_753, %add3A_754 : i32
        %dma_start3A_756 = arith.constant 0 : i32
        %dma_start3A_757 = arith.constant 2 : i32
        %dma_start3A_758 = arith.constant 0 : i32
        %dma_start3A_759 = arith.constant 0 : i32
        %dma_start3A_760 = tpu.memref_slice %arg6[%dma_start3A_756, %dma_start3A_757, %dma_start3A_758, %dma_start3A_759] : memref<2x4x100x128xf32, #tpu.memory_space<vmem>> -> memref<1x1x100x128xf32, #tpu.memory_space<vmem>>
        %dma_start3A_761 = tpu.memref_squeeze %dma_start3A_760 : memref<1x1x100x128xf32, #tpu.memory_space<vmem>> -> memref<100x128xf32, #tpu.memory_space<vmem>>
        %dma_start3A_762 = arith.constant 0 : i32
        %dma_start3A_763 = tpu.memref_slice %arg5[%add3A_755, %dma_start3A_762] : memref<128x100xi32, #tpu.memory_space<vmem>> -> memref<1x100xi32, #tpu.memory_space<vmem>>
        %dma_start3A_764 = tpu.memref_squeeze %dma_start3A_763 : memref<1x100xi32, #tpu.memory_space<vmem>> -> memref<100xi32, #tpu.memory_space<vmem>>
        %dma_start3A_765 = arith.constant 0 : i32
        %dma_start3A_766 = arith.constant 0 : i32
        %dma_start3A_767 = tpu.memref_slice %arg3[%dma_start3A_765, %dma_start3A_766] : memref<100000x128xf32, #tpu.memory_space<hbm>> -> memref<100000x128xf32, #tpu.memory_space<hbm>>
        tpu.enqueue_indirect_dma source(%dma_start3A_767 : memref<100000x128xf32, #tpu.memory_space<hbm>>) target(%dma_start3A_761 : memref<100x128xf32, #tpu.memory_space<vmem>>) offsets(%dma_start3A_764 : memref<100xi32, #tpu.memory_space<vmem>>) semaphore(%arg7 : memref<!tpu.dma_semaphore, #tpu.memory_space<semaphore_mem>>)
        %mul3A_768 = arith.constant 4 : i32
        %mul3A_769 = arith.muli %add3A_719, %mul3A_768 : i32
        %add3A_770 = arith.constant 3 : i32
        %add3A_771 = arith.addi %mul3A_769, %add3A_770 : i32
        %dma_start3A_772 = arith.constant 0 : i32
        %dma_start3A_773 = arith.constant 3 : i32
        %dma_start3A_774 = arith.constant 0 : i32
        %dma_start3A_775 = arith.constant 0 : i32
        %dma_start3A_776 = tpu.memref_slice %arg6[%dma_start3A_772, %dma_start3A_773, %dma_start3A_774, %dma_start3A_775] : memref<2x4x100x128xf32, #tpu.memory_space<vmem>> -> memref<1x1x100x128xf32, #tpu.memory_space<vmem>>
        %dma_start3A_777 = tpu.memref_squeeze %dma_start3A_776 : memref<1x1x100x128xf32, #tpu.memory_space<vmem>> -> memref<100x128xf32, #tpu.memory_space<vmem>>
        %dma_start3A_778 = arith.constant 0 : i32
        %dma_start3A_779 = tpu.memref_slice %arg5[%add3A_771, %dma_start3A_778] : memref<128x100xi32, #tpu.memory_space<vmem>> -> memref<1x100xi32, #tpu.memory_space<vmem>>
        %dma_start3A_780 = tpu.memref_squeeze %dma_start3A_779 : memref<1x100xi32, #tpu.memory_space<vmem>> -> memref<100xi32, #tpu.memory_space<vmem>>
        %dma_start3A_781 = arith.constant 0 : i32
        %dma_start3A_782 = arith.constant 0 : i32
        %dma_start3A_783 = tpu.memref_slice %arg3[%dma_start3A_781, %dma_start3A_782] : memref<100000x128xf32, #tpu.memory_space<hbm>> -> memref<100000x128xf32, #tpu.memory_space<hbm>>
        tpu.enqueue_indirect_dma source(%dma_start3A_783 : memref<100000x128xf32, #tpu.memory_space<hbm>>) target(%dma_start3A_777 : memref<100x128xf32, #tpu.memory_space<vmem>>) offsets(%dma_start3A_780 : memref<100xi32, #tpu.memory_space<vmem>>) semaphore(%arg7 : memref<!tpu.dma_semaphore, #tpu.memory_space<semaphore_mem>>)
        %dma_wait3A_784 = arith.constant 1 : i32
        %dma_wait3A_785 = arith.constant 0 : i32
        %dma_wait3A_786 = arith.constant 0 : i32
        %dma_wait3A_787 = arith.constant 0 : i32
        %dma_wait3A_788 = tpu.memref_slice %arg6[%dma_wait3A_784, %dma_wait3A_785, %dma_wait3A_786, %dma_wait3A_787] : memref<2x4x100x128xf32, #tpu.memory_space<vmem>> -> memref<1x4x100x128xf32, #tpu.memory_space<vmem>>
        %dma_wait3A_789 = tpu.memref_squeeze %dma_wait3A_788 : memref<1x4x100x128xf32, #tpu.memory_space<vmem>> -> memref<4x100x128xf32, #tpu.memory_space<vmem>>
        %dma_wait3A_790 = arith.constant 0 : i32
        %dma_wait3A_791 = arith.constant 0 : i32
        %dma_wait3A_792 = arith.constant 0 : i32
        %dma_wait3A_793 = tpu.memref_slice %arg4[%dma_wait3A_790, %dma_wait3A_791, %dma_wait3A_792] : memref<16384x100x128xf32, #tpu.memory_space<hbm>> -> memref<4x100x128xf32, #tpu.memory_space<hbm>>
        %dma_wait3A_794 = arith.constant 0 : i32
        %dma_wait3A_795 = arith.constant 0 : i32
        %dma_wait3A_796 = arith.constant 0 : i32
        %dma_wait3A_797 = tpu.memref_slice %arg4[%dma_wait3A_794, %dma_wait3A_795, %dma_wait3A_796] : memref<16384x100x128xf32, #tpu.memory_space<hbm>> -> memref<4x100x128xf32, #tpu.memory_space<hbm>>
        %dma_wait3A_798 = arith.constant 0 : i32
        %dma_wait3A_799 = arith.constant 0 : i32
        %dma_wait3A_800 = arith.constant 0 : i32
        %dma_wait3A_801 = tpu.memref_slice %arg6[%dma_wait3A_784, %dma_wait3A_798, %dma_wait3A_799, %dma_wait3A_800] : memref<2x4x100x128xf32, #tpu.memory_space<vmem>> -> memref<1x4x100x128xf32, #tpu.memory_space<vmem>>
        %dma_wait3A_802 = tpu.memref_squeeze %dma_wait3A_801 : memref<1x4x100x128xf32, #tpu.memory_space<vmem>> -> memref<4x100x128xf32, #tpu.memory_space<vmem>>
        tpu.wait_dma2 semaphore(%arg10 : memref<!tpu.dma_semaphore, #tpu.memory_space<semaphore_mem>>) src(%dma_wait3A_802 : memref<4x100x128xf32, #tpu.memory_space<vmem>>) dst(%dma_wait3A_797 : memref<4x100x128xf32, #tpu.memory_space<hbm>>)
        %add3A_803 = arith.constant 1 : i32
        %add3A_804 = arith.addi %scan3A_606, %add3A_803 : i32
        %mul3A_805 = arith.constant 2 : i32
        %mul3A_806 = arith.muli %add3A_804, %mul3A_805 : i32
        %add3A_807 = arith.constant 1 : i32
        %add3A_808 = arith.addi %mul3A_806, %add3A_807 : i32
        %mul3A_809 = arith.constant 4 : i32
        %mul3A_810 = arith.muli %add3A_808, %mul3A_809 : i32
        %add3A_811 = arith.constant 0 : i32
        %add3A_812 = arith.addi %mul3A_810, %add3A_811 : i32
        %dma_start3A_813 = arith.constant 1 : i32
        %dma_start3A_814 = arith.constant 0 : i32
        %dma_start3A_815 = arith.constant 0 : i32
        %dma_start3A_816 = arith.constant 0 : i32
        %dma_start3A_817 = tpu.memref_slice %arg6[%dma_start3A_813, %dma_start3A_814, %dma_start3A_815, %dma_start3A_816] : memref<2x4x100x128xf32, #tpu.memory_space<vmem>> -> memref<1x1x100x128xf32, #tpu.memory_space<vmem>>
        %dma_start3A_818 = tpu.memref_squeeze %dma_start3A_817 : memref<1x1x100x128xf32, #tpu.memory_space<vmem>> -> memref<100x128xf32, #tpu.memory_space<vmem>>
        %dma_start3A_819 = arith.constant 0 : i32
        %dma_start3A_820 = tpu.memref_slice %arg5[%add3A_812, %dma_start3A_819] : memref<128x100xi32, #tpu.memory_space<vmem>> -> memref<1x100xi32, #tpu.memory_space<vmem>>
        %dma_start3A_821 = tpu.memref_squeeze %dma_start3A_820 : memref<1x100xi32, #tpu.memory_space<vmem>> -> memref<100xi32, #tpu.memory_space<vmem>>
        %dma_start3A_822 = arith.constant 0 : i32
        %dma_start3A_823 = arith.constant 0 : i32
        %dma_start3A_824 = tpu.memref_slice %arg3[%dma_start3A_822, %dma_start3A_823] : memref<100000x128xf32, #tpu.memory_space<hbm>> -> memref<100000x128xf32, #tpu.memory_space<hbm>>
        tpu.enqueue_indirect_dma source(%dma_start3A_824 : memref<100000x128xf32, #tpu.memory_space<hbm>>) target(%dma_start3A_818 : memref<100x128xf32, #tpu.memory_space<vmem>>) offsets(%dma_start3A_821 : memref<100xi32, #tpu.memory_space<vmem>>) semaphore(%arg8 : memref<!tpu.dma_semaphore, #tpu.memory_space<semaphore_mem>>)
        %mul3A_825 = arith.constant 4 : i32
        %mul3A_826 = arith.muli %add3A_808, %mul3A_825 : i32
        %add3A_827 = arith.constant 1 : i32
        %add3A_828 = arith.addi %mul3A_826, %add3A_827 : i32
        %dma_start3A_829 = arith.constant 1 : i32
        %dma_start3A_830 = arith.constant 1 : i32
        %dma_start3A_831 = arith.constant 0 : i32
        %dma_start3A_832 = arith.constant 0 : i32
        %dma_start3A_833 = tpu.memref_slice %arg6[%dma_start3A_829, %dma_start3A_830, %dma_start3A_831, %dma_start3A_832] : memref<2x4x100x128xf32, #tpu.memory_space<vmem>> -> memref<1x1x100x128xf32, #tpu.memory_space<vmem>>
        %dma_start3A_834 = tpu.memref_squeeze %dma_start3A_833 : memref<1x1x100x128xf32, #tpu.memory_space<vmem>> -> memref<100x128xf32, #tpu.memory_space<vmem>>
        %dma_start3A_835 = arith.constant 0 : i32
        %dma_start3A_836 = tpu.memref_slice %arg5[%add3A_828, %dma_start3A_835] : memref<128x100xi32, #tpu.memory_space<vmem>> -> memref<1x100xi32, #tpu.memory_space<vmem>>
        %dma_start3A_837 = tpu.memref_squeeze %dma_start3A_836 : memref<1x100xi32, #tpu.memory_space<vmem>> -> memref<100xi32, #tpu.memory_space<vmem>>
        %dma_start3A_838 = arith.constant 0 : i32
        %dma_start3A_839 = arith.constant 0 : i32
        %dma_start3A_840 = tpu.memref_slice %arg3[%dma_start3A_838, %dma_start3A_839] : memref<100000x128xf32, #tpu.memory_space<hbm>> -> memref<100000x128xf32, #tpu.memory_space<hbm>>
        tpu.enqueue_indirect_dma source(%dma_start3A_840 : memref<100000x128xf32, #tpu.memory_space<hbm>>) target(%dma_start3A_834 : memref<100x128xf32, #tpu.memory_space<vmem>>) offsets(%dma_start3A_837 : memref<100xi32, #tpu.memory_space<vmem>>) semaphore(%arg8 : memref<!tpu.dma_semaphore, #tpu.memory_space<semaphore_mem>>)
        %mul3A_841 = arith.constant 4 : i32
        %mul3A_842 = arith.muli %add3A_808, %mul3A_841 : i32
        %add3A_843 = arith.constant 2 : i32
        %add3A_844 = arith.addi %mul3A_842, %add3A_843 : i32
        %dma_start3A_845 = arith.constant 1 : i32
        %dma_start3A_846 = arith.constant 2 : i32
        %dma_start3A_847 = arith.constant 0 : i32
        %dma_start3A_848 = arith.constant 0 : i32
        %dma_start3A_849 = tpu.memref_slice %arg6[%dma_start3A_845, %dma_start3A_846, %dma_start3A_847, %dma_start3A_848] : memref<2x4x100x128xf32, #tpu.memory_space<vmem>> -> memref<1x1x100x128xf32, #tpu.memory_space<vmem>>
        %dma_start3A_850 = tpu.memref_squeeze %dma_start3A_849 : memref<1x1x100x128xf32, #tpu.memory_space<vmem>> -> memref<100x128xf32, #tpu.memory_space<vmem>>
        %dma_start3A_851 = arith.constant 0 : i32
        %dma_start3A_852 = tpu.memref_slice %arg5[%add3A_844, %dma_start3A_851] : memref<128x100xi32, #tpu.memory_space<vmem>> -> memref<1x100xi32, #tpu.memory_space<vmem>>
        %dma_start3A_853 = tpu.memref_squeeze %dma_start3A_852 : memref<1x100xi32, #tpu.memory_space<vmem>> -> memref<100xi32, #tpu.memory_space<vmem>>
        %dma_start3A_854 = arith.constant 0 : i32
        %dma_start3A_855 = arith.constant 0 : i32
        %dma_start3A_856 = tpu.memref_slice %arg3[%dma_start3A_854, %dma_start3A_855] : memref<100000x128xf32, #tpu.memory_space<hbm>> -> memref<100000x128xf32, #tpu.memory_space<hbm>>
        tpu.enqueue_indirect_dma source(%dma_start3A_856 : memref<100000x128xf32, #tpu.memory_space<hbm>>) target(%dma_start3A_850 : memref<100x128xf32, #tpu.memory_space<vmem>>) offsets(%dma_start3A_853 : memref<100xi32, #tpu.memory_space<vmem>>) semaphore(%arg8 : memref<!tpu.dma_semaphore, #tpu.memory_space<semaphore_mem>>)
        %mul3A_857 = arith.constant 4 : i32
        %mul3A_858 = arith.muli %add3A_808, %mul3A_857 : i32
        %add3A_859 = arith.constant 3 : i32
        %add3A_860 = arith.addi %mul3A_858, %add3A_859 : i32
        %dma_start3A_861 = arith.constant 1 : i32
        %dma_start3A_862 = arith.constant 3 : i32
        %dma_start3A_863 = arith.constant 0 : i32
        %dma_start3A_864 = arith.constant 0 : i32
        %dma_start3A_865 = tpu.memref_slice %arg6[%dma_start3A_861, %dma_start3A_862, %dma_start3A_863, %dma_start3A_864] : memref<2x4x100x128xf32, #tpu.memory_space<vmem>> -> memref<1x1x100x128xf32, #tpu.memory_space<vmem>>
        %dma_start3A_866 = tpu.memref_squeeze %dma_start3A_865 : memref<1x1x100x128xf32, #tpu.memory_space<vmem>> -> memref<100x128xf32, #tpu.memory_space<vmem>>
        %dma_start3A_867 = arith.constant 0 : i32
        %dma_start3A_868 = tpu.memref_slice %arg5[%add3A_860, %dma_start3A_867] : memref<128x100xi32, #tpu.memory_space<vmem>> -> memref<1x100xi32, #tpu.memory_space<vmem>>
        %dma_start3A_869 = tpu.memref_squeeze %dma_start3A_868 : memref<1x100xi32, #tpu.memory_space<vmem>> -> memref<100xi32, #tpu.memory_space<vmem>>
        %dma_start3A_870 = arith.constant 0 : i32
        %dma_start3A_871 = arith.constant 0 : i32
        %dma_start3A_872 = tpu.memref_slice %arg3[%dma_start3A_870, %dma_start3A_871] : memref<100000x128xf32, #tpu.memory_space<hbm>> -> memref<100000x128xf32, #tpu.memory_space<hbm>>
        tpu.enqueue_indirect_dma source(%dma_start3A_872 : memref<100000x128xf32, #tpu.memory_space<hbm>>) target(%dma_start3A_866 : memref<100x128xf32, #tpu.memory_space<vmem>>) offsets(%dma_start3A_869 : memref<100xi32, #tpu.memory_space<vmem>>) semaphore(%arg8 : memref<!tpu.dma_semaphore, #tpu.memory_space<semaphore_mem>>)
      } else {
      }
    }
    %scan3A_415 = arith.constant 16 : i32
    %dma_wait3A_416 = arith.constant 0 : i32
    %dma_wait3A_417 = arith.constant 0 : i32
    %dma_wait3A_418 = arith.constant 0 : i32
    %dma_wait3A_419 = arith.constant 0 : i32
    %dma_wait3A_420 = tpu.memref_slice %arg6[%dma_wait3A_416, %dma_wait3A_417, %dma_wait3A_418, %dma_wait3A_419] : memref<2x4x100x128xf32, #tpu.memory_space<vmem>> -> memref<1x4x100x128xf32, #tpu.memory_space<vmem>>
    %dma_wait3A_421 = tpu.memref_squeeze %dma_wait3A_420 : memref<1x4x100x128xf32, #tpu.memory_space<vmem>> -> memref<4x100x128xf32, #tpu.memory_space<vmem>>
    %dma_wait3A_422 = arith.constant 0 : i32
    %dma_wait3A_423 = arith.constant 0 : i32
    %dma_wait3A_424 = arith.constant 0 : i32
    %dma_wait3A_425 = tpu.memref_slice %arg4[%dma_wait3A_422, %dma_wait3A_423, %dma_wait3A_424] : memref<16384x100x128xf32, #tpu.memory_space<hbm>> -> memref<4x100x128xf32, #tpu.memory_space<hbm>>
    %dma_wait3A_426 = arith.constant 0 : i32
    %dma_wait3A_427 = arith.constant 0 : i32
    %dma_wait3A_428 = arith.constant 0 : i32
    %dma_wait3A_429 = tpu.memref_slice %arg4[%dma_wait3A_426, %dma_wait3A_427, %dma_wait3A_428] : memref<16384x100x128xf32, #tpu.memory_space<hbm>> -> memref<4x100x128xf32, #tpu.memory_space<hbm>>
    %dma_wait3A_430 = arith.constant 0 : i32
    %dma_wait3A_431 = arith.constant 0 : i32
    %dma_wait3A_432 = arith.constant 0 : i32
    %dma_wait3A_433 = tpu.memref_slice %arg6[%dma_wait3A_416, %dma_wait3A_430, %dma_wait3A_431, %dma_wait3A_432] : memref<2x4x100x128xf32, #tpu.memory_space<vmem>> -> memref<1x4x100x128xf32, #tpu.memory_space<vmem>>
    %dma_wait3A_434 = tpu.memref_squeeze %dma_wait3A_433 : memref<1x4x100x128xf32, #tpu.memory_space<vmem>> -> memref<4x100x128xf32, #tpu.memory_space<vmem>>
    tpu.wait_dma2 semaphore(%arg9 : memref<!tpu.dma_semaphore, #tpu.memory_space<semaphore_mem>>) src(%dma_wait3A_434 : memref<4x100x128xf32, #tpu.memory_space<vmem>>) dst(%dma_wait3A_429 : memref<4x100x128xf32, #tpu.memory_space<hbm>>)
    %dma_wait3A_435 = arith.constant 1 : i32
    %dma_wait3A_436 = arith.constant 0 : i32
    %dma_wait3A_437 = arith.constant 0 : i32
    %dma_wait3A_438 = arith.constant 0 : i32
    %dma_wait3A_439 = tpu.memref_slice %arg6[%dma_wait3A_435, %dma_wait3A_436, %dma_wait3A_437, %dma_wait3A_438] : memref<2x4x100x128xf32, #tpu.memory_space<vmem>> -> memref<1x4x100x128xf32, #tpu.memory_space<vmem>>
    %dma_wait3A_440 = tpu.memref_squeeze %dma_wait3A_439 : memref<1x4x100x128xf32, #tpu.memory_space<vmem>> -> memref<4x100x128xf32, #tpu.memory_space<vmem>>
    %dma_wait3A_441 = arith.constant 0 : i32
    %dma_wait3A_442 = arith.constant 0 : i32
    %dma_wait3A_443 = arith.constant 0 : i32
    %dma_wait3A_444 = tpu.memref_slice %arg4[%dma_wait3A_441, %dma_wait3A_442, %dma_wait3A_443] : memref<16384x100x128xf32, #tpu.memory_space<hbm>> -> memref<4x100x128xf32, #tpu.memory_space<hbm>>
    %dma_wait3A_445 = arith.constant 0 : i32
    %dma_wait3A_446 = arith.constant 0 : i32
    %dma_wait3A_447 = arith.constant 0 : i32
    %dma_wait3A_448 = tpu.memref_slice %arg4[%dma_wait3A_445, %dma_wait3A_446, %dma_wait3A_447] : memref<16384x100x128xf32, #tpu.memory_space<hbm>> -> memref<4x100x128xf32, #tpu.memory_space<hbm>>
    %dma_wait3A_449 = arith.constant 0 : i32
    %dma_wait3A_450 = arith.constant 0 : i32
    %dma_wait3A_451 = arith.constant 0 : i32
    %dma_wait3A_452 = tpu.memref_slice %arg6[%dma_wait3A_435, %dma_wait3A_449, %dma_wait3A_450, %dma_wait3A_451] : memref<2x4x100x128xf32, #tpu.memory_space<vmem>> -> memref<1x4x100x128xf32, #tpu.memory_space<vmem>>
    %dma_wait3A_453 = tpu.memref_squeeze %dma_wait3A_452 : memref<1x4x100x128xf32, #tpu.memory_space<vmem>> -> memref<4x100x128xf32, #tpu.memory_space<vmem>>
    tpu.wait_dma2 semaphore(%arg10 : memref<!tpu.dma_semaphore, #tpu.memory_space<semaphore_mem>>) src(%dma_wait3A_453 : memref<4x100x128xf32, #tpu.memory_space<vmem>>) dst(%dma_wait3A_448 : memref<4x100x128xf32, #tpu.memory_space<hbm>>)
    %mul3A_454 = arith.constant 512 : i32
    %mul3A_455 = arith.muli %add3A, %mul3A_454 : i32
    %add3A_456 = arith.constant 384 : i32
    %add3A_457 = arith.addi %mul3A_455, %add3A_456 : i32
    "tpu.region"() ({
      %run_scoped3A = tpu.sem_alloc : memref<!tpu.dma_semaphore, #tpu.memory_space<semaphore_mem>>
      %dma_start3A_606 = arith.constant 0 : i32
      %dma_start3A_607 = tpu.memref_slice %arg2[%add3A_457, %dma_start3A_606] : memref<16384x100xi32, #tpu.memory_space<hbm>> -> memref<128x100xi32, #tpu.memory_space<hbm>>
      %dma_start3A_608 = arith.constant 0 : i32
      %dma_start3A_609 = tpu.memref_slice %arg2[%add3A_457, %dma_start3A_608] : memref<16384x100xi32, #tpu.memory_space<hbm>> -> memref<128x100xi32, #tpu.memory_space<hbm>>
      tpu.enqueue_dma source(%dma_start3A_609 : memref<128x100xi32, #tpu.memory_space<hbm>>) target(%arg5 : memref<128x100xi32, #tpu.memory_space<vmem>>) target_semaphore(%run_scoped3A : memref<!tpu.dma_semaphore, #tpu.memory_space<semaphore_mem>>)
      %dma_wait3A_610 = arith.constant 0 : i32
      %dma_wait3A_611 = tpu.memref_slice %arg2[%add3A_457, %dma_wait3A_610] : memref<16384x100xi32, #tpu.memory_space<hbm>> -> memref<128x100xi32, #tpu.memory_space<hbm>>
      %dma_wait3A_612 = arith.constant 0 : i32
      %dma_wait3A_613 = tpu.memref_slice %arg2[%add3A_457, %dma_wait3A_612] : memref<16384x100xi32, #tpu.memory_space<hbm>> -> memref<128x100xi32, #tpu.memory_space<hbm>>
      tpu.wait_dma2 semaphore(%run_scoped3A : memref<!tpu.dma_semaphore, #tpu.memory_space<semaphore_mem>>) src(%dma_wait3A_613 : memref<128x100xi32, #tpu.memory_space<hbm>>) dst(%arg5 : memref<128x100xi32, #tpu.memory_space<vmem>>)
      tpu.yield
    }) : () -> ()
    %dma_start3A_458 = arith.constant 0 : i32
    %dma_start3A_459 = arith.constant 0 : i32
    %dma_start3A_460 = arith.constant 0 : i32
    %dma_start3A_461 = arith.constant 0 : i32
    %dma_start3A_462 = arith.constant 0 : i32
    %dma_start3A_463 = tpu.memref_slice %arg6[%dma_start3A_459, %dma_start3A_460, %dma_start3A_461, %dma_start3A_462] : memref<2x4x100x128xf32, #tpu.memory_space<vmem>> -> memref<1x1x100x128xf32, #tpu.memory_space<vmem>>
    %dma_start3A_464 = tpu.memref_squeeze %dma_start3A_463 : memref<1x1x100x128xf32, #tpu.memory_space<vmem>> -> memref<100x128xf32, #tpu.memory_space<vmem>>
    %dma_start3A_465 = arith.constant 0 : i32
    %dma_start3A_466 = tpu.memref_slice %arg5[%dma_start3A_458, %dma_start3A_465] : memref<128x100xi32, #tpu.memory_space<vmem>> -> memref<1x100xi32, #tpu.memory_space<vmem>>
    %dma_start3A_467 = tpu.memref_squeeze %dma_start3A_466 : memref<1x100xi32, #tpu.memory_space<vmem>> -> memref<100xi32, #tpu.memory_space<vmem>>
    %dma_start3A_468 = arith.constant 0 : i32
    %dma_start3A_469 = arith.constant 0 : i32
    %dma_start3A_470 = tpu.memref_slice %arg3[%dma_start3A_468, %dma_start3A_469] : memref<100000x128xf32, #tpu.memory_space<hbm>> -> memref<100000x128xf32, #tpu.memory_space<hbm>>
    tpu.enqueue_indirect_dma source(%dma_start3A_470 : memref<100000x128xf32, #tpu.memory_space<hbm>>) target(%dma_start3A_464 : memref<100x128xf32, #tpu.memory_space<vmem>>) offsets(%dma_start3A_467 : memref<100xi32, #tpu.memory_space<vmem>>) semaphore(%arg7 : memref<!tpu.dma_semaphore, #tpu.memory_space<semaphore_mem>>)
    %dma_start3A_471 = arith.constant 1 : i32
    %dma_start3A_472 = arith.constant 0 : i32
    %dma_start3A_473 = arith.constant 1 : i32
    %dma_start3A_474 = arith.constant 0 : i32
    %dma_start3A_475 = arith.constant 0 : i32
    %dma_start3A_476 = tpu.memref_slice %arg6[%dma_start3A_472, %dma_start3A_473, %dma_start3A_474, %dma_start3A_475] : memref<2x4x100x128xf32, #tpu.memory_space<vmem>> -> memref<1x1x100x128xf32, #tpu.memory_space<vmem>>
    %dma_start3A_477 = tpu.memref_squeeze %dma_start3A_476 : memref<1x1x100x128xf32, #tpu.memory_space<vmem>> -> memref<100x128xf32, #tpu.memory_space<vmem>>
    %dma_start3A_478 = arith.constant 0 : i32
    %dma_start3A_479 = tpu.memref_slice %arg5[%dma_start3A_471, %dma_start3A_478] : memref<128x100xi32, #tpu.memory_space<vmem>> -> memref<1x100xi32, #tpu.memory_space<vmem>>
    %dma_start3A_480 = tpu.memref_squeeze %dma_start3A_479 : memref<1x100xi32, #tpu.memory_space<vmem>> -> memref<100xi32, #tpu.memory_space<vmem>>
    %dma_start3A_481 = arith.constant 0 : i32
    %dma_start3A_482 = arith.constant 0 : i32
    %dma_start3A_483 = tpu.memref_slice %arg3[%dma_start3A_481, %dma_start3A_482] : memref<100000x128xf32, #tpu.memory_space<hbm>> -> memref<100000x128xf32, #tpu.memory_space<hbm>>
    tpu.enqueue_indirect_dma source(%dma_start3A_483 : memref<100000x128xf32, #tpu.memory_space<hbm>>) target(%dma_start3A_477 : memref<100x128xf32, #tpu.memory_space<vmem>>) offsets(%dma_start3A_480 : memref<100xi32, #tpu.memory_space<vmem>>) semaphore(%arg7 : memref<!tpu.dma_semaphore, #tpu.memory_space<semaphore_mem>>)
    %dma_start3A_484 = arith.constant 2 : i32
    %dma_start3A_485 = arith.constant 0 : i32
    %dma_start3A_486 = arith.constant 2 : i32
    %dma_start3A_487 = arith.constant 0 : i32
    %dma_start3A_488 = arith.constant 0 : i32
    %dma_start3A_489 = tpu.memref_slice %arg6[%dma_start3A_485, %dma_start3A_486, %dma_start3A_487, %dma_start3A_488] : memref<2x4x100x128xf32, #tpu.memory_space<vmem>> -> memref<1x1x100x128xf32, #tpu.memory_space<vmem>>
    %dma_start3A_490 = tpu.memref_squeeze %dma_start3A_489 : memref<1x1x100x128xf32, #tpu.memory_space<vmem>> -> memref<100x128xf32, #tpu.memory_space<vmem>>
    %dma_start3A_491 = arith.constant 0 : i32
    %dma_start3A_492 = tpu.memref_slice %arg5[%dma_start3A_484, %dma_start3A_491] : memref<128x100xi32, #tpu.memory_space<vmem>> -> memref<1x100xi32, #tpu.memory_space<vmem>>
    %dma_start3A_493 = tpu.memref_squeeze %dma_start3A_492 : memref<1x100xi32, #tpu.memory_space<vmem>> -> memref<100xi32, #tpu.memory_space<vmem>>
    %dma_start3A_494 = arith.constant 0 : i32
    %dma_start3A_495 = arith.constant 0 : i32
    %dma_start3A_496 = tpu.memref_slice %arg3[%dma_start3A_494, %dma_start3A_495] : memref<100000x128xf32, #tpu.memory_space<hbm>> -> memref<100000x128xf32, #tpu.memory_space<hbm>>
    tpu.enqueue_indirect_dma source(%dma_start3A_496 : memref<100000x128xf32, #tpu.memory_space<hbm>>) target(%dma_start3A_490 : memref<100x128xf32, #tpu.memory_space<vmem>>) offsets(%dma_start3A_493 : memref<100xi32, #tpu.memory_space<vmem>>) semaphore(%arg7 : memref<!tpu.dma_semaphore, #tpu.memory_space<semaphore_mem>>)
    %dma_start3A_497 = arith.constant 3 : i32
    %dma_start3A_498 = arith.constant 0 : i32
    %dma_start3A_499 = arith.constant 3 : i32
    %dma_start3A_500 = arith.constant 0 : i32
    %dma_start3A_501 = arith.constant 0 : i32
    %dma_start3A_502 = tpu.memref_slice %arg6[%dma_start3A_498, %dma_start3A_499, %dma_start3A_500, %dma_start3A_501] : memref<2x4x100x128xf32, #tpu.memory_space<vmem>> -> memref<1x1x100x128xf32, #tpu.memory_space<vmem>>
    %dma_start3A_503 = tpu.memref_squeeze %dma_start3A_502 : memref<1x1x100x128xf32, #tpu.memory_space<vmem>> -> memref<100x128xf32, #tpu.memory_space<vmem>>
    %dma_start3A_504 = arith.constant 0 : i32
    %dma_start3A_505 = tpu.memref_slice %arg5[%dma_start3A_497, %dma_start3A_504] : memref<128x100xi32, #tpu.memory_space<vmem>> -> memref<1x100xi32, #tpu.memory_space<vmem>>
    %dma_start3A_506 = tpu.memref_squeeze %dma_start3A_505 : memref<1x100xi32, #tpu.memory_space<vmem>> -> memref<100xi32, #tpu.memory_space<vmem>>
    %dma_start3A_507 = arith.constant 0 : i32
    %dma_start3A_508 = arith.constant 0 : i32
    %dma_start3A_509 = tpu.memref_slice %arg3[%dma_start3A_507, %dma_start3A_508] : memref<100000x128xf32, #tpu.memory_space<hbm>> -> memref<100000x128xf32, #tpu.memory_space<hbm>>
    tpu.enqueue_indirect_dma source(%dma_start3A_509 : memref<100000x128xf32, #tpu.memory_space<hbm>>) target(%dma_start3A_503 : memref<100x128xf32, #tpu.memory_space<vmem>>) offsets(%dma_start3A_506 : memref<100xi32, #tpu.memory_space<vmem>>) semaphore(%arg7 : memref<!tpu.dma_semaphore, #tpu.memory_space<semaphore_mem>>)
    %dma_start3A_510 = arith.constant 4 : i32
    %dma_start3A_511 = arith.constant 1 : i32
    %dma_start3A_512 = arith.constant 0 : i32
    %dma_start3A_513 = arith.constant 0 : i32
    %dma_start3A_514 = arith.constant 0 : i32
    %dma_start3A_515 = tpu.memref_slice %arg6[%dma_start3A_511, %dma_start3A_512, %dma_start3A_513, %dma_start3A_514] : memref<2x4x100x128xf32, #tpu.memory_space<vmem>> -> memref<1x1x100x128xf32, #tpu.memory_space<vmem>>
    %dma_start3A_516 = tpu.memref_squeeze %dma_start3A_515 : memref<1x1x100x128xf32, #tpu.memory_space<vmem>> -> memref<100x128xf32, #tpu.memory_space<vmem>>
    %dma_start3A_517 = arith.constant 0 : i32
    %dma_start3A_518 = tpu.memref_slice %arg5[%dma_start3A_510, %dma_start3A_517] : memref<128x100xi32, #tpu.memory_space<vmem>> -> memref<1x100xi32, #tpu.memory_space<vmem>>
    %dma_start3A_519 = tpu.memref_squeeze %dma_start3A_518 : memref<1x100xi32, #tpu.memory_space<vmem>> -> memref<100xi32, #tpu.memory_space<vmem>>
    %dma_start3A_520 = arith.constant 0 : i32
    %dma_start3A_521 = arith.constant 0 : i32
    %dma_start3A_522 = tpu.memref_slice %arg3[%dma_start3A_520, %dma_start3A_521] : memref<100000x128xf32, #tpu.memory_space<hbm>> -> memref<100000x128xf32, #tpu.memory_space<hbm>>
    tpu.enqueue_indirect_dma source(%dma_start3A_522 : memref<100000x128xf32, #tpu.memory_space<hbm>>) target(%dma_start3A_516 : memref<100x128xf32, #tpu.memory_space<vmem>>) offsets(%dma_start3A_519 : memref<100xi32, #tpu.memory_space<vmem>>) semaphore(%arg8 : memref<!tpu.dma_semaphore, #tpu.memory_space<semaphore_mem>>)
    %dma_start3A_523 = arith.constant 5 : i32
    %dma_start3A_524 = arith.constant 1 : i32
    %dma_start3A_525 = arith.constant 1 : i32
    %dma_start3A_526 = arith.constant 0 : i32
    %dma_start3A_527 = arith.constant 0 : i32
    %dma_start3A_528 = tpu.memref_slice %arg6[%dma_start3A_524, %dma_start3A_525, %dma_start3A_526, %dma_start3A_527] : memref<2x4x100x128xf32, #tpu.memory_space<vmem>> -> memref<1x1x100x128xf32, #tpu.memory_space<vmem>>
    %dma_start3A_529 = tpu.memref_squeeze %dma_start3A_528 : memref<1x1x100x128xf32, #tpu.memory_space<vmem>> -> memref<100x128xf32, #tpu.memory_space<vmem>>
    %dma_start3A_530 = arith.constant 0 : i32
    %dma_start3A_531 = tpu.memref_slice %arg5[%dma_start3A_523, %dma_start3A_530] : memref<128x100xi32, #tpu.memory_space<vmem>> -> memref<1x100xi32, #tpu.memory_space<vmem>>
    %dma_start3A_532 = tpu.memref_squeeze %dma_start3A_531 : memref<1x100xi32, #tpu.memory_space<vmem>> -> memref<100xi32, #tpu.memory_space<vmem>>
    %dma_start3A_533 = arith.constant 0 : i32
    %dma_start3A_534 = arith.constant 0 : i32
    %dma_start3A_535 = tpu.memref_slice %arg3[%dma_start3A_533, %dma_start3A_534] : memref<100000x128xf32, #tpu.memory_space<hbm>> -> memref<100000x128xf32, #tpu.memory_space<hbm>>
    tpu.enqueue_indirect_dma source(%dma_start3A_535 : memref<100000x128xf32, #tpu.memory_space<hbm>>) target(%dma_start3A_529 : memref<100x128xf32, #tpu.memory_space<vmem>>) offsets(%dma_start3A_532 : memref<100xi32, #tpu.memory_space<vmem>>) semaphore(%arg8 : memref<!tpu.dma_semaphore, #tpu.memory_space<semaphore_mem>>)
    %dma_start3A_536 = arith.constant 6 : i32
    %dma_start3A_537 = arith.constant 1 : i32
    %dma_start3A_538 = arith.constant 2 : i32
    %dma_start3A_539 = arith.constant 0 : i32
    %dma_start3A_540 = arith.constant 0 : i32
    %dma_start3A_541 = tpu.memref_slice %arg6[%dma_start3A_537, %dma_start3A_538, %dma_start3A_539, %dma_start3A_540] : memref<2x4x100x128xf32, #tpu.memory_space<vmem>> -> memref<1x1x100x128xf32, #tpu.memory_space<vmem>>
    %dma_start3A_542 = tpu.memref_squeeze %dma_start3A_541 : memref<1x1x100x128xf32, #tpu.memory_space<vmem>> -> memref<100x128xf32, #tpu.memory_space<vmem>>
    %dma_start3A_543 = arith.constant 0 : i32
    %dma_start3A_544 = tpu.memref_slice %arg5[%dma_start3A_536, %dma_start3A_543] : memref<128x100xi32, #tpu.memory_space<vmem>> -> memref<1x100xi32, #tpu.memory_space<vmem>>
    %dma_start3A_545 = tpu.memref_squeeze %dma_start3A_544 : memref<1x100xi32, #tpu.memory_space<vmem>> -> memref<100xi32, #tpu.memory_space<vmem>>
    %dma_start3A_546 = arith.constant 0 : i32
    %dma_start3A_547 = arith.constant 0 : i32
    %dma_start3A_548 = tpu.memref_slice %arg3[%dma_start3A_546, %dma_start3A_547] : memref<100000x128xf32, #tpu.memory_space<hbm>> -> memref<100000x128xf32, #tpu.memory_space<hbm>>
    tpu.enqueue_indirect_dma source(%dma_start3A_548 : memref<100000x128xf32, #tpu.memory_space<hbm>>) target(%dma_start3A_542 : memref<100x128xf32, #tpu.memory_space<vmem>>) offsets(%dma_start3A_545 : memref<100xi32, #tpu.memory_space<vmem>>) semaphore(%arg8 : memref<!tpu.dma_semaphore, #tpu.memory_space<semaphore_mem>>)
    %dma_start3A_549 = arith.constant 7 : i32
    %dma_start3A_550 = arith.constant 1 : i32
    %dma_start3A_551 = arith.constant 3 : i32
    %dma_start3A_552 = arith.constant 0 : i32
    %dma_start3A_553 = arith.constant 0 : i32
    %dma_start3A_554 = tpu.memref_slice %arg6[%dma_start3A_550, %dma_start3A_551, %dma_start3A_552, %dma_start3A_553] : memref<2x4x100x128xf32, #tpu.memory_space<vmem>> -> memref<1x1x100x128xf32, #tpu.memory_space<vmem>>
    %dma_start3A_555 = tpu.memref_squeeze %dma_start3A_554 : memref<1x1x100x128xf32, #tpu.memory_space<vmem>> -> memref<100x128xf32, #tpu.memory_space<vmem>>
    %dma_start3A_556 = arith.constant 0 : i32
    %dma_start3A_557 = tpu.memref_slice %arg5[%dma_start3A_549, %dma_start3A_556] : memref<128x100xi32, #tpu.memory_space<vmem>> -> memref<1x100xi32, #tpu.memory_space<vmem>>
    %dma_start3A_558 = tpu.memref_squeeze %dma_start3A_557 : memref<1x100xi32, #tpu.memory_space<vmem>> -> memref<100xi32, #tpu.memory_space<vmem>>
    %dma_start3A_559 = arith.constant 0 : i32
    %dma_start3A_560 = arith.constant 0 : i32
    %dma_start3A_561 = tpu.memref_slice %arg3[%dma_start3A_559, %dma_start3A_560] : memref<100000x128xf32, #tpu.memory_space<hbm>> -> memref<100000x128xf32, #tpu.memory_space<hbm>>
    tpu.enqueue_indirect_dma source(%dma_start3A_561 : memref<100000x128xf32, #tpu.memory_space<hbm>>) target(%dma_start3A_555 : memref<100x128xf32, #tpu.memory_space<vmem>>) offsets(%dma_start3A_558 : memref<100xi32, #tpu.memory_space<vmem>>) semaphore(%arg8 : memref<!tpu.dma_semaphore, #tpu.memory_space<semaphore_mem>>)
    %scan3A_562 = arith.constant 0 : i32
    %scan3A_563 = arith.constant 0 : i32
    %scan3A_564 = arith.constant 16 : i32
    %scan3A_565 = arith.addi %scan3A_563, %scan3A_564 : i32
    %scan3A_566 = arith.constant 1 : i32
    scf.for %scan3A_606 = %scan3A_563 to %scan3A_565 step %scan3A_566  : i32 {
      %dma_wait3A_607 = arith.constant 0 : i32
      %dma_wait3A_608 = arith.constant 0 : i32
      %dma_wait3A_609 = arith.constant 0 : i32
      %dma_wait3A_610 = arith.constant 0 : i32
      %dma_wait3A_611 = tpu.memref_slice %arg6[%dma_wait3A_607, %dma_wait3A_608, %dma_wait3A_609, %dma_wait3A_610] : memref<2x4x100x128xf32, #tpu.memory_space<vmem>> -> memref<1x4x100x128xf32, #tpu.memory_space<vmem>>
      %dma_wait3A_612 = tpu.memref_squeeze %dma_wait3A_611 : memref<1x4x100x128xf32, #tpu.memory_space<vmem>> -> memref<4x100x128xf32, #tpu.memory_space<vmem>>
      %dma_wait3A_613 = arith.constant 0 : i32
      %dma_wait3A_614 = arith.constant 0 : i32
      %dma_wait3A_615 = arith.constant 0 : i32
      %dma_wait3A_616 = tpu.memref_slice %arg4[%dma_wait3A_613, %dma_wait3A_614, %dma_wait3A_615] : memref<16384x100x128xf32, #tpu.memory_space<hbm>> -> memref<4x100x128xf32, #tpu.memory_space<hbm>>
      %dma_wait3A_617 = arith.constant 0 : i32
      %dma_wait3A_618 = arith.constant 0 : i32
      %dma_wait3A_619 = arith.constant 0 : i32
      %dma_wait3A_620 = tpu.memref_slice %arg6[%dma_wait3A_607, %dma_wait3A_617, %dma_wait3A_618, %dma_wait3A_619] : memref<2x4x100x128xf32, #tpu.memory_space<vmem>> -> memref<1x4x100x128xf32, #tpu.memory_space<vmem>>
      %dma_wait3A_621 = tpu.memref_squeeze %dma_wait3A_620 : memref<1x4x100x128xf32, #tpu.memory_space<vmem>> -> memref<4x100x128xf32, #tpu.memory_space<vmem>>
      %dma_wait3A_622 = arith.constant 0 : i32
      %dma_wait3A_623 = arith.constant 0 : i32
      %dma_wait3A_624 = arith.constant 0 : i32
      %dma_wait3A_625 = tpu.memref_slice %arg4[%dma_wait3A_622, %dma_wait3A_623, %dma_wait3A_624] : memref<16384x100x128xf32, #tpu.memory_space<hbm>> -> memref<4x100x128xf32, #tpu.memory_space<hbm>>
      tpu.wait_dma2 semaphore(%arg7 : memref<!tpu.dma_semaphore, #tpu.memory_space<semaphore_mem>>) src(%dma_wait3A_625 : memref<4x100x128xf32, #tpu.memory_space<hbm>>) dst(%dma_wait3A_621 : memref<4x100x128xf32, #tpu.memory_space<vmem>>)
      %mul3A_626 = arith.constant 2 : i32
      %mul3A_627 = arith.muli %scan3A_606, %mul3A_626 : i32
      %add3A_628 = arith.constant 0 : i32
      %add3A_629 = arith.addi %mul3A_627, %add3A_628 : i32
      %mul3A_630 = arith.constant 4 : i32
      %mul3A_631 = arith.muli %add3A_629, %mul3A_630 : i32
      %add3A_632 = arith.addi %add3A_457, %mul3A_631 : i32
      %dma_start3A_633 = arith.constant 0 : i32
      %dma_start3A_634 = arith.constant 0 : i32
      %dma_start3A_635 = arith.constant 0 : i32
      %dma_start3A_636 = arith.constant 0 : i32
      %dma_start3A_637 = tpu.memref_slice %arg6[%dma_start3A_633, %dma_start3A_634, %dma_start3A_635, %dma_start3A_636] : memref<2x4x100x128xf32, #tpu.memory_space<vmem>> -> memref<1x4x100x128xf32, #tpu.memory_space<vmem>>
      %dma_start3A_638 = tpu.memref_squeeze %dma_start3A_637 : memref<1x4x100x128xf32, #tpu.memory_space<vmem>> -> memref<4x100x128xf32, #tpu.memory_space<vmem>>
      %dma_start3A_639 = arith.constant 0 : i32
      %dma_start3A_640 = arith.constant 0 : i32
      %dma_start3A_641 = tpu.memref_slice %arg4[%add3A_632, %dma_start3A_639, %dma_start3A_640] : memref<16384x100x128xf32, #tpu.memory_space<hbm>> -> memref<4x100x128xf32, #tpu.memory_space<hbm>>
      %dma_start3A_642 = arith.constant 0 : i32
      %dma_start3A_643 = arith.constant 0 : i32
      %dma_start3A_644 = tpu.memref_slice %arg4[%add3A_632, %dma_start3A_642, %dma_start3A_643] : memref<16384x100x128xf32, #tpu.memory_space<hbm>> -> memref<4x100x128xf32, #tpu.memory_space<hbm>>
      %dma_start3A_645 = arith.constant 0 : i32
      %dma_start3A_646 = arith.constant 0 : i32
      %dma_start3A_647 = arith.constant 0 : i32
      %dma_start3A_648 = tpu.memref_slice %arg6[%dma_start3A_633, %dma_start3A_645, %dma_start3A_646, %dma_start3A_647] : memref<2x4x100x128xf32, #tpu.memory_space<vmem>> -> memref<1x4x100x128xf32, #tpu.memory_space<vmem>>
      %dma_start3A_649 = tpu.memref_squeeze %dma_start3A_648 : memref<1x4x100x128xf32, #tpu.memory_space<vmem>> -> memref<4x100x128xf32, #tpu.memory_space<vmem>>
      tpu.enqueue_dma source(%dma_start3A_649 : memref<4x100x128xf32, #tpu.memory_space<vmem>>) target(%dma_start3A_644 : memref<4x100x128xf32, #tpu.memory_space<hbm>>) target_semaphore(%arg9 : memref<!tpu.dma_semaphore, #tpu.memory_space<semaphore_mem>>)
      %dma_wait3A_650 = arith.constant 1 : i32
      %dma_wait3A_651 = arith.constant 0 : i32
      %dma_wait3A_652 = arith.constant 0 : i32
      %dma_wait3A_653 = arith.constant 0 : i32
      %dma_wait3A_654 = tpu.memref_slice %arg6[%dma_wait3A_650, %dma_wait3A_651, %dma_wait3A_652, %dma_wait3A_653] : memref<2x4x100x128xf32, #tpu.memory_space<vmem>> -> memref<1x4x100x128xf32, #tpu.memory_space<vmem>>
      %dma_wait3A_655 = tpu.memref_squeeze %dma_wait3A_654 : memref<1x4x100x128xf32, #tpu.memory_space<vmem>> -> memref<4x100x128xf32, #tpu.memory_space<vmem>>
      %dma_wait3A_656 = arith.constant 0 : i32
      %dma_wait3A_657 = arith.constant 0 : i32
      %dma_wait3A_658 = arith.constant 0 : i32
      %dma_wait3A_659 = tpu.memref_slice %arg4[%dma_wait3A_656, %dma_wait3A_657, %dma_wait3A_658] : memref<16384x100x128xf32, #tpu.memory_space<hbm>> -> memref<4x100x128xf32, #tpu.memory_space<hbm>>
      %dma_wait3A_660 = arith.constant 0 : i32
      %dma_wait3A_661 = arith.constant 0 : i32
      %dma_wait3A_662 = arith.constant 0 : i32
      %dma_wait3A_663 = tpu.memref_slice %arg6[%dma_wait3A_650, %dma_wait3A_660, %dma_wait3A_661, %dma_wait3A_662] : memref<2x4x100x128xf32, #tpu.memory_space<vmem>> -> memref<1x4x100x128xf32, #tpu.memory_space<vmem>>
      %dma_wait3A_664 = tpu.memref_squeeze %dma_wait3A_663 : memref<1x4x100x128xf32, #tpu.memory_space<vmem>> -> memref<4x100x128xf32, #tpu.memory_space<vmem>>
      %dma_wait3A_665 = arith.constant 0 : i32
      %dma_wait3A_666 = arith.constant 0 : i32
      %dma_wait3A_667 = arith.constant 0 : i32
      %dma_wait3A_668 = tpu.memref_slice %arg4[%dma_wait3A_665, %dma_wait3A_666, %dma_wait3A_667] : memref<16384x100x128xf32, #tpu.memory_space<hbm>> -> memref<4x100x128xf32, #tpu.memory_space<hbm>>
      tpu.wait_dma2 semaphore(%arg8 : memref<!tpu.dma_semaphore, #tpu.memory_space<semaphore_mem>>) src(%dma_wait3A_668 : memref<4x100x128xf32, #tpu.memory_space<hbm>>) dst(%dma_wait3A_664 : memref<4x100x128xf32, #tpu.memory_space<vmem>>)
      %mul3A_669 = arith.constant 2 : i32
      %mul3A_670 = arith.muli %scan3A_606, %mul3A_669 : i32
      %add3A_671 = arith.constant 1 : i32
      %add3A_672 = arith.addi %mul3A_670, %add3A_671 : i32
      %mul3A_673 = arith.constant 4 : i32
      %mul3A_674 = arith.muli %add3A_672, %mul3A_673 : i32
      %add3A_675 = arith.addi %add3A_457, %mul3A_674 : i32
      %dma_start3A_676 = arith.constant 1 : i32
      %dma_start3A_677 = arith.constant 0 : i32
      %dma_start3A_678 = arith.constant 0 : i32
      %dma_start3A_679 = arith.constant 0 : i32
      %dma_start3A_680 = tpu.memref_slice %arg6[%dma_start3A_676, %dma_start3A_677, %dma_start3A_678, %dma_start3A_679] : memref<2x4x100x128xf32, #tpu.memory_space<vmem>> -> memref<1x4x100x128xf32, #tpu.memory_space<vmem>>
      %dma_start3A_681 = tpu.memref_squeeze %dma_start3A_680 : memref<1x4x100x128xf32, #tpu.memory_space<vmem>> -> memref<4x100x128xf32, #tpu.memory_space<vmem>>
      %dma_start3A_682 = arith.constant 0 : i32
      %dma_start3A_683 = arith.constant 0 : i32
      %dma_start3A_684 = tpu.memref_slice %arg4[%add3A_675, %dma_start3A_682, %dma_start3A_683] : memref<16384x100x128xf32, #tpu.memory_space<hbm>> -> memref<4x100x128xf32, #tpu.memory_space<hbm>>
      %dma_start3A_685 = arith.constant 0 : i32
      %dma_start3A_686 = arith.constant 0 : i32
      %dma_start3A_687 = tpu.memref_slice %arg4[%add3A_675, %dma_start3A_685, %dma_start3A_686] : memref<16384x100x128xf32, #tpu.memory_space<hbm>> -> memref<4x100x128xf32, #tpu.memory_space<hbm>>
      %dma_start3A_688 = arith.constant 0 : i32
      %dma_start3A_689 = arith.constant 0 : i32
      %dma_start3A_690 = arith.constant 0 : i32
      %dma_start3A_691 = tpu.memref_slice %arg6[%dma_start3A_676, %dma_start3A_688, %dma_start3A_689, %dma_start3A_690] : memref<2x4x100x128xf32, #tpu.memory_space<vmem>> -> memref<1x4x100x128xf32, #tpu.memory_space<vmem>>
      %dma_start3A_692 = tpu.memref_squeeze %dma_start3A_691 : memref<1x4x100x128xf32, #tpu.memory_space<vmem>> -> memref<4x100x128xf32, #tpu.memory_space<vmem>>
      tpu.enqueue_dma source(%dma_start3A_692 : memref<4x100x128xf32, #tpu.memory_space<vmem>>) target(%dma_start3A_687 : memref<4x100x128xf32, #tpu.memory_space<hbm>>) target_semaphore(%arg10 : memref<!tpu.dma_semaphore, #tpu.memory_space<semaphore_mem>>)
      %lt3A = arith.constant 15 : i32
      %lt3A_693 = arith.cmpi slt, %scan3A_606, %lt3A : i32
      %convert_element_type3A = arith.extui %lt3A_693 : i1 to i32
      %cond3A = arith.constant 0 : i32
      %cond3A_694 = arith.cmpi ne, %convert_element_type3A, %cond3A : i32
      scf.if %cond3A_694 {
        %dma_wait3A_695 = arith.constant 0 : i32
        %dma_wait3A_696 = arith.constant 0 : i32
        %dma_wait3A_697 = arith.constant 0 : i32
        %dma_wait3A_698 = arith.constant 0 : i32
        %dma_wait3A_699 = tpu.memref_slice %arg6[%dma_wait3A_695, %dma_wait3A_696, %dma_wait3A_697, %dma_wait3A_698] : memref<2x4x100x128xf32, #tpu.memory_space<vmem>> -> memref<1x4x100x128xf32, #tpu.memory_space<vmem>>
        %dma_wait3A_700 = tpu.memref_squeeze %dma_wait3A_699 : memref<1x4x100x128xf32, #tpu.memory_space<vmem>> -> memref<4x100x128xf32, #tpu.memory_space<vmem>>
        %dma_wait3A_701 = arith.constant 0 : i32
        %dma_wait3A_702 = arith.constant 0 : i32
        %dma_wait3A_703 = arith.constant 0 : i32
        %dma_wait3A_704 = tpu.memref_slice %arg4[%dma_wait3A_701, %dma_wait3A_702, %dma_wait3A_703] : memref<16384x100x128xf32, #tpu.memory_space<hbm>> -> memref<4x100x128xf32, #tpu.memory_space<hbm>>
        %dma_wait3A_705 = arith.constant 0 : i32
        %dma_wait3A_706 = arith.constant 0 : i32
        %dma_wait3A_707 = arith.constant 0 : i32
        %dma_wait3A_708 = tpu.memref_slice %arg4[%dma_wait3A_705, %dma_wait3A_706, %dma_wait3A_707] : memref<16384x100x128xf32, #tpu.memory_space<hbm>> -> memref<4x100x128xf32, #tpu.memory_space<hbm>>
        %dma_wait3A_709 = arith.constant 0 : i32
        %dma_wait3A_710 = arith.constant 0 : i32
        %dma_wait3A_711 = arith.constant 0 : i32
        %dma_wait3A_712 = tpu.memref_slice %arg6[%dma_wait3A_695, %dma_wait3A_709, %dma_wait3A_710, %dma_wait3A_711] : memref<2x4x100x128xf32, #tpu.memory_space<vmem>> -> memref<1x4x100x128xf32, #tpu.memory_space<vmem>>
        %dma_wait3A_713 = tpu.memref_squeeze %dma_wait3A_712 : memref<1x4x100x128xf32, #tpu.memory_space<vmem>> -> memref<4x100x128xf32, #tpu.memory_space<vmem>>
        tpu.wait_dma2 semaphore(%arg9 : memref<!tpu.dma_semaphore, #tpu.memory_space<semaphore_mem>>) src(%dma_wait3A_713 : memref<4x100x128xf32, #tpu.memory_space<vmem>>) dst(%dma_wait3A_708 : memref<4x100x128xf32, #tpu.memory_space<hbm>>)
        %add3A_714 = arith.constant 1 : i32
        %add3A_715 = arith.addi %scan3A_606, %add3A_714 : i32
        %mul3A_716 = arith.constant 2 : i32
        %mul3A_717 = arith.muli %add3A_715, %mul3A_716 : i32
        %add3A_718 = arith.constant 0 : i32
        %add3A_719 = arith.addi %mul3A_717, %add3A_718 : i32
        %mul3A_720 = arith.constant 4 : i32
        %mul3A_721 = arith.muli %add3A_719, %mul3A_720 : i32
        %add3A_722 = arith.constant 0 : i32
        %add3A_723 = arith.addi %mul3A_721, %add3A_722 : i32
        %dma_start3A_724 = arith.constant 0 : i32
        %dma_start3A_725 = arith.constant 0 : i32
        %dma_start3A_726 = arith.constant 0 : i32
        %dma_start3A_727 = arith.constant 0 : i32
        %dma_start3A_728 = tpu.memref_slice %arg6[%dma_start3A_724, %dma_start3A_725, %dma_start3A_726, %dma_start3A_727] : memref<2x4x100x128xf32, #tpu.memory_space<vmem>> -> memref<1x1x100x128xf32, #tpu.memory_space<vmem>>
        %dma_start3A_729 = tpu.memref_squeeze %dma_start3A_728 : memref<1x1x100x128xf32, #tpu.memory_space<vmem>> -> memref<100x128xf32, #tpu.memory_space<vmem>>
        %dma_start3A_730 = arith.constant 0 : i32
        %dma_start3A_731 = tpu.memref_slice %arg5[%add3A_723, %dma_start3A_730] : memref<128x100xi32, #tpu.memory_space<vmem>> -> memref<1x100xi32, #tpu.memory_space<vmem>>
        %dma_start3A_732 = tpu.memref_squeeze %dma_start3A_731 : memref<1x100xi32, #tpu.memory_space<vmem>> -> memref<100xi32, #tpu.memory_space<vmem>>
        %dma_start3A_733 = arith.constant 0 : i32
        %dma_start3A_734 = arith.constant 0 : i32
        %dma_start3A_735 = tpu.memref_slice %arg3[%dma_start3A_733, %dma_start3A_734] : memref<100000x128xf32, #tpu.memory_space<hbm>> -> memref<100000x128xf32, #tpu.memory_space<hbm>>
        tpu.enqueue_indirect_dma source(%dma_start3A_735 : memref<100000x128xf32, #tpu.memory_space<hbm>>) target(%dma_start3A_729 : memref<100x128xf32, #tpu.memory_space<vmem>>) offsets(%dma_start3A_732 : memref<100xi32, #tpu.memory_space<vmem>>) semaphore(%arg7 : memref<!tpu.dma_semaphore, #tpu.memory_space<semaphore_mem>>)
        %mul3A_736 = arith.constant 4 : i32
        %mul3A_737 = arith.muli %add3A_719, %mul3A_736 : i32
        %add3A_738 = arith.constant 1 : i32
        %add3A_739 = arith.addi %mul3A_737, %add3A_738 : i32
        %dma_start3A_740 = arith.constant 0 : i32
        %dma_start3A_741 = arith.constant 1 : i32
        %dma_start3A_742 = arith.constant 0 : i32
        %dma_start3A_743 = arith.constant 0 : i32
        %dma_start3A_744 = tpu.memref_slice %arg6[%dma_start3A_740, %dma_start3A_741, %dma_start3A_742, %dma_start3A_743] : memref<2x4x100x128xf32, #tpu.memory_space<vmem>> -> memref<1x1x100x128xf32, #tpu.memory_space<vmem>>
        %dma_start3A_745 = tpu.memref_squeeze %dma_start3A_744 : memref<1x1x100x128xf32, #tpu.memory_space<vmem>> -> memref<100x128xf32, #tpu.memory_space<vmem>>
        %dma_start3A_746 = arith.constant 0 : i32
        %dma_start3A_747 = tpu.memref_slice %arg5[%add3A_739, %dma_start3A_746] : memref<128x100xi32, #tpu.memory_space<vmem>> -> memref<1x100xi32, #tpu.memory_space<vmem>>
        %dma_start3A_748 = tpu.memref_squeeze %dma_start3A_747 : memref<1x100xi32, #tpu.memory_space<vmem>> -> memref<100xi32, #tpu.memory_space<vmem>>
        %dma_start3A_749 = arith.constant 0 : i32
        %dma_start3A_750 = arith.constant 0 : i32
        %dma_start3A_751 = tpu.memref_slice %arg3[%dma_start3A_749, %dma_start3A_750] : memref<100000x128xf32, #tpu.memory_space<hbm>> -> memref<100000x128xf32, #tpu.memory_space<hbm>>
        tpu.enqueue_indirect_dma source(%dma_start3A_751 : memref<100000x128xf32, #tpu.memory_space<hbm>>) target(%dma_start3A_745 : memref<100x128xf32, #tpu.memory_space<vmem>>) offsets(%dma_start3A_748 : memref<100xi32, #tpu.memory_space<vmem>>) semaphore(%arg7 : memref<!tpu.dma_semaphore, #tpu.memory_space<semaphore_mem>>)
        %mul3A_752 = arith.constant 4 : i32
        %mul3A_753 = arith.muli %add3A_719, %mul3A_752 : i32
        %add3A_754 = arith.constant 2 : i32
        %add3A_755 = arith.addi %mul3A_753, %add3A_754 : i32
        %dma_start3A_756 = arith.constant 0 : i32
        %dma_start3A_757 = arith.constant 2 : i32
        %dma_start3A_758 = arith.constant 0 : i32
        %dma_start3A_759 = arith.constant 0 : i32
        %dma_start3A_760 = tpu.memref_slice %arg6[%dma_start3A_756, %dma_start3A_757, %dma_start3A_758, %dma_start3A_759] : memref<2x4x100x128xf32, #tpu.memory_space<vmem>> -> memref<1x1x100x128xf32, #tpu.memory_space<vmem>>
        %dma_start3A_761 = tpu.memref_squeeze %dma_start3A_760 : memref<1x1x100x128xf32, #tpu.memory_space<vmem>> -> memref<100x128xf32, #tpu.memory_space<vmem>>
        %dma_start3A_762 = arith.constant 0 : i32
        %dma_start3A_763 = tpu.memref_slice %arg5[%add3A_755, %dma_start3A_762] : memref<128x100xi32, #tpu.memory_space<vmem>> -> memref<1x100xi32, #tpu.memory_space<vmem>>
        %dma_start3A_764 = tpu.memref_squeeze %dma_start3A_763 : memref<1x100xi32, #tpu.memory_space<vmem>> -> memref<100xi32, #tpu.memory_space<vmem>>
        %dma_start3A_765 = arith.constant 0 : i32
        %dma_start3A_766 = arith.constant 0 : i32
        %dma_start3A_767 = tpu.memref_slice %arg3[%dma_start3A_765, %dma_start3A_766] : memref<100000x128xf32, #tpu.memory_space<hbm>> -> memref<100000x128xf32, #tpu.memory_space<hbm>>
        tpu.enqueue_indirect_dma source(%dma_start3A_767 : memref<100000x128xf32, #tpu.memory_space<hbm>>) target(%dma_start3A_761 : memref<100x128xf32, #tpu.memory_space<vmem>>) offsets(%dma_start3A_764 : memref<100xi32, #tpu.memory_space<vmem>>) semaphore(%arg7 : memref<!tpu.dma_semaphore, #tpu.memory_space<semaphore_mem>>)
        %mul3A_768 = arith.constant 4 : i32
        %mul3A_769 = arith.muli %add3A_719, %mul3A_768 : i32
        %add3A_770 = arith.constant 3 : i32
        %add3A_771 = arith.addi %mul3A_769, %add3A_770 : i32
        %dma_start3A_772 = arith.constant 0 : i32
        %dma_start3A_773 = arith.constant 3 : i32
        %dma_start3A_774 = arith.constant 0 : i32
        %dma_start3A_775 = arith.constant 0 : i32
        %dma_start3A_776 = tpu.memref_slice %arg6[%dma_start3A_772, %dma_start3A_773, %dma_start3A_774, %dma_start3A_775] : memref<2x4x100x128xf32, #tpu.memory_space<vmem>> -> memref<1x1x100x128xf32, #tpu.memory_space<vmem>>
        %dma_start3A_777 = tpu.memref_squeeze %dma_start3A_776 : memref<1x1x100x128xf32, #tpu.memory_space<vmem>> -> memref<100x128xf32, #tpu.memory_space<vmem>>
        %dma_start3A_778 = arith.constant 0 : i32
        %dma_start3A_779 = tpu.memref_slice %arg5[%add3A_771, %dma_start3A_778] : memref<128x100xi32, #tpu.memory_space<vmem>> -> memref<1x100xi32, #tpu.memory_space<vmem>>
        %dma_start3A_780 = tpu.memref_squeeze %dma_start3A_779 : memref<1x100xi32, #tpu.memory_space<vmem>> -> memref<100xi32, #tpu.memory_space<vmem>>
        %dma_start3A_781 = arith.constant 0 : i32
        %dma_start3A_782 = arith.constant 0 : i32
        %dma_start3A_783 = tpu.memref_slice %arg3[%dma_start3A_781, %dma_start3A_782] : memref<100000x128xf32, #tpu.memory_space<hbm>> -> memref<100000x128xf32, #tpu.memory_space<hbm>>
        tpu.enqueue_indirect_dma source(%dma_start3A_783 : memref<100000x128xf32, #tpu.memory_space<hbm>>) target(%dma_start3A_777 : memref<100x128xf32, #tpu.memory_space<vmem>>) offsets(%dma_start3A_780 : memref<100xi32, #tpu.memory_space<vmem>>) semaphore(%arg7 : memref<!tpu.dma_semaphore, #tpu.memory_space<semaphore_mem>>)
        %dma_wait3A_784 = arith.constant 1 : i32
        %dma_wait3A_785 = arith.constant 0 : i32
        %dma_wait3A_786 = arith.constant 0 : i32
        %dma_wait3A_787 = arith.constant 0 : i32
        %dma_wait3A_788 = tpu.memref_slice %arg6[%dma_wait3A_784, %dma_wait3A_785, %dma_wait3A_786, %dma_wait3A_787] : memref<2x4x100x128xf32, #tpu.memory_space<vmem>> -> memref<1x4x100x128xf32, #tpu.memory_space<vmem>>
        %dma_wait3A_789 = tpu.memref_squeeze %dma_wait3A_788 : memref<1x4x100x128xf32, #tpu.memory_space<vmem>> -> memref<4x100x128xf32, #tpu.memory_space<vmem>>
        %dma_wait3A_790 = arith.constant 0 : i32
        %dma_wait3A_791 = arith.constant 0 : i32
        %dma_wait3A_792 = arith.constant 0 : i32
        %dma_wait3A_793 = tpu.memref_slice %arg4[%dma_wait3A_790, %dma_wait3A_791, %dma_wait3A_792] : memref<16384x100x128xf32, #tpu.memory_space<hbm>> -> memref<4x100x128xf32, #tpu.memory_space<hbm>>
        %dma_wait3A_794 = arith.constant 0 : i32
        %dma_wait3A_795 = arith.constant 0 : i32
        %dma_wait3A_796 = arith.constant 0 : i32
        %dma_wait3A_797 = tpu.memref_slice %arg4[%dma_wait3A_794, %dma_wait3A_795, %dma_wait3A_796] : memref<16384x100x128xf32, #tpu.memory_space<hbm>> -> memref<4x100x128xf32, #tpu.memory_space<hbm>>
        %dma_wait3A_798 = arith.constant 0 : i32
        %dma_wait3A_799 = arith.constant 0 : i32
        %dma_wait3A_800 = arith.constant 0 : i32
        %dma_wait3A_801 = tpu.memref_slice %arg6[%dma_wait3A_784, %dma_wait3A_798, %dma_wait3A_799, %dma_wait3A_800] : memref<2x4x100x128xf32, #tpu.memory_space<vmem>> -> memref<1x4x100x128xf32, #tpu.memory_space<vmem>>
        %dma_wait3A_802 = tpu.memref_squeeze %dma_wait3A_801 : memref<1x4x100x128xf32, #tpu.memory_space<vmem>> -> memref<4x100x128xf32, #tpu.memory_space<vmem>>
        tpu.wait_dma2 semaphore(%arg10 : memref<!tpu.dma_semaphore, #tpu.memory_space<semaphore_mem>>) src(%dma_wait3A_802 : memref<4x100x128xf32, #tpu.memory_space<vmem>>) dst(%dma_wait3A_797 : memref<4x100x128xf32, #tpu.memory_space<hbm>>)
        %add3A_803 = arith.constant 1 : i32
        %add3A_804 = arith.addi %scan3A_606, %add3A_803 : i32
        %mul3A_805 = arith.constant 2 : i32
        %mul3A_806 = arith.muli %add3A_804, %mul3A_805 : i32
        %add3A_807 = arith.constant 1 : i32
        %add3A_808 = arith.addi %mul3A_806, %add3A_807 : i32
        %mul3A_809 = arith.constant 4 : i32
        %mul3A_810 = arith.muli %add3A_808, %mul3A_809 : i32
        %add3A_811 = arith.constant 0 : i32
        %add3A_812 = arith.addi %mul3A_810, %add3A_811 : i32
        %dma_start3A_813 = arith.constant 1 : i32
        %dma_start3A_814 = arith.constant 0 : i32
        %dma_start3A_815 = arith.constant 0 : i32
        %dma_start3A_816 = arith.constant 0 : i32
        %dma_start3A_817 = tpu.memref_slice %arg6[%dma_start3A_813, %dma_start3A_814, %dma_start3A_815, %dma_start3A_816] : memref<2x4x100x128xf32, #tpu.memory_space<vmem>> -> memref<1x1x100x128xf32, #tpu.memory_space<vmem>>
        %dma_start3A_818 = tpu.memref_squeeze %dma_start3A_817 : memref<1x1x100x128xf32, #tpu.memory_space<vmem>> -> memref<100x128xf32, #tpu.memory_space<vmem>>
        %dma_start3A_819 = arith.constant 0 : i32
        %dma_start3A_820 = tpu.memref_slice %arg5[%add3A_812, %dma_start3A_819] : memref<128x100xi32, #tpu.memory_space<vmem>> -> memref<1x100xi32, #tpu.memory_space<vmem>>
        %dma_start3A_821 = tpu.memref_squeeze %dma_start3A_820 : memref<1x100xi32, #tpu.memory_space<vmem>> -> memref<100xi32, #tpu.memory_space<vmem>>
        %dma_start3A_822 = arith.constant 0 : i32
        %dma_start3A_823 = arith.constant 0 : i32
        %dma_start3A_824 = tpu.memref_slice %arg3[%dma_start3A_822, %dma_start3A_823] : memref<100000x128xf32, #tpu.memory_space<hbm>> -> memref<100000x128xf32, #tpu.memory_space<hbm>>
        tpu.enqueue_indirect_dma source(%dma_start3A_824 : memref<100000x128xf32, #tpu.memory_space<hbm>>) target(%dma_start3A_818 : memref<100x128xf32, #tpu.memory_space<vmem>>) offsets(%dma_start3A_821 : memref<100xi32, #tpu.memory_space<vmem>>) semaphore(%arg8 : memref<!tpu.dma_semaphore, #tpu.memory_space<semaphore_mem>>)
        %mul3A_825 = arith.constant 4 : i32
        %mul3A_826 = arith.muli %add3A_808, %mul3A_825 : i32
        %add3A_827 = arith.constant 1 : i32
        %add3A_828 = arith.addi %mul3A_826, %add3A_827 : i32
        %dma_start3A_829 = arith.constant 1 : i32
        %dma_start3A_830 = arith.constant 1 : i32
        %dma_start3A_831 = arith.constant 0 : i32
        %dma_start3A_832 = arith.constant 0 : i32
        %dma_start3A_833 = tpu.memref_slice %arg6[%dma_start3A_829, %dma_start3A_830, %dma_start3A_831, %dma_start3A_832] : memref<2x4x100x128xf32, #tpu.memory_space<vmem>> -> memref<1x1x100x128xf32, #tpu.memory_space<vmem>>
        %dma_start3A_834 = tpu.memref_squeeze %dma_start3A_833 : memref<1x1x100x128xf32, #tpu.memory_space<vmem>> -> memref<100x128xf32, #tpu.memory_space<vmem>>
        %dma_start3A_835 = arith.constant 0 : i32
        %dma_start3A_836 = tpu.memref_slice %arg5[%add3A_828, %dma_start3A_835] : memref<128x100xi32, #tpu.memory_space<vmem>> -> memref<1x100xi32, #tpu.memory_space<vmem>>
        %dma_start3A_837 = tpu.memref_squeeze %dma_start3A_836 : memref<1x100xi32, #tpu.memory_space<vmem>> -> memref<100xi32, #tpu.memory_space<vmem>>
        %dma_start3A_838 = arith.constant 0 : i32
        %dma_start3A_839 = arith.constant 0 : i32
        %dma_start3A_840 = tpu.memref_slice %arg3[%dma_start3A_838, %dma_start3A_839] : memref<100000x128xf32, #tpu.memory_space<hbm>> -> memref<100000x128xf32, #tpu.memory_space<hbm>>
        tpu.enqueue_indirect_dma source(%dma_start3A_840 : memref<100000x128xf32, #tpu.memory_space<hbm>>) target(%dma_start3A_834 : memref<100x128xf32, #tpu.memory_space<vmem>>) offsets(%dma_start3A_837 : memref<100xi32, #tpu.memory_space<vmem>>) semaphore(%arg8 : memref<!tpu.dma_semaphore, #tpu.memory_space<semaphore_mem>>)
        %mul3A_841 = arith.constant 4 : i32
        %mul3A_842 = arith.muli %add3A_808, %mul3A_841 : i32
        %add3A_843 = arith.constant 2 : i32
        %add3A_844 = arith.addi %mul3A_842, %add3A_843 : i32
        %dma_start3A_845 = arith.constant 1 : i32
        %dma_start3A_846 = arith.constant 2 : i32
        %dma_start3A_847 = arith.constant 0 : i32
        %dma_start3A_848 = arith.constant 0 : i32
        %dma_start3A_849 = tpu.memref_slice %arg6[%dma_start3A_845, %dma_start3A_846, %dma_start3A_847, %dma_start3A_848] : memref<2x4x100x128xf32, #tpu.memory_space<vmem>> -> memref<1x1x100x128xf32, #tpu.memory_space<vmem>>
        %dma_start3A_850 = tpu.memref_squeeze %dma_start3A_849 : memref<1x1x100x128xf32, #tpu.memory_space<vmem>> -> memref<100x128xf32, #tpu.memory_space<vmem>>
        %dma_start3A_851 = arith.constant 0 : i32
        %dma_start3A_852 = tpu.memref_slice %arg5[%add3A_844, %dma_start3A_851] : memref<128x100xi32, #tpu.memory_space<vmem>> -> memref<1x100xi32, #tpu.memory_space<vmem>>
        %dma_start3A_853 = tpu.memref_squeeze %dma_start3A_852 : memref<1x100xi32, #tpu.memory_space<vmem>> -> memref<100xi32, #tpu.memory_space<vmem>>
        %dma_start3A_854 = arith.constant 0 : i32
        %dma_start3A_855 = arith.constant 0 : i32
        %dma_start3A_856 = tpu.memref_slice %arg3[%dma_start3A_854, %dma_start3A_855] : memref<100000x128xf32, #tpu.memory_space<hbm>> -> memref<100000x128xf32, #tpu.memory_space<hbm>>
        tpu.enqueue_indirect_dma source(%dma_start3A_856 : memref<100000x128xf32, #tpu.memory_space<hbm>>) target(%dma_start3A_850 : memref<100x128xf32, #tpu.memory_space<vmem>>) offsets(%dma_start3A_853 : memref<100xi32, #tpu.memory_space<vmem>>) semaphore(%arg8 : memref<!tpu.dma_semaphore, #tpu.memory_space<semaphore_mem>>)
        %mul3A_857 = arith.constant 4 : i32
        %mul3A_858 = arith.muli %add3A_808, %mul3A_857 : i32
        %add3A_859 = arith.constant 3 : i32
        %add3A_860 = arith.addi %mul3A_858, %add3A_859 : i32
        %dma_start3A_861 = arith.constant 1 : i32
        %dma_start3A_862 = arith.constant 3 : i32
        %dma_start3A_863 = arith.constant 0 : i32
        %dma_start3A_864 = arith.constant 0 : i32
        %dma_start3A_865 = tpu.memref_slice %arg6[%dma_start3A_861, %dma_start3A_862, %dma_start3A_863, %dma_start3A_864] : memref<2x4x100x128xf32, #tpu.memory_space<vmem>> -> memref<1x1x100x128xf32, #tpu.memory_space<vmem>>
        %dma_start3A_866 = tpu.memref_squeeze %dma_start3A_865 : memref<1x1x100x128xf32, #tpu.memory_space<vmem>> -> memref<100x128xf32, #tpu.memory_space<vmem>>
        %dma_start3A_867 = arith.constant 0 : i32
        %dma_start3A_868 = tpu.memref_slice %arg5[%add3A_860, %dma_start3A_867] : memref<128x100xi32, #tpu.memory_space<vmem>> -> memref<1x100xi32, #tpu.memory_space<vmem>>
        %dma_start3A_869 = tpu.memref_squeeze %dma_start3A_868 : memref<1x100xi32, #tpu.memory_space<vmem>> -> memref<100xi32, #tpu.memory_space<vmem>>
        %dma_start3A_870 = arith.constant 0 : i32
        %dma_start3A_871 = arith.constant 0 : i32
        %dma_start3A_872 = tpu.memref_slice %arg3[%dma_start3A_870, %dma_start3A_871] : memref<100000x128xf32, #tpu.memory_space<hbm>> -> memref<100000x128xf32, #tpu.memory_space<hbm>>
        tpu.enqueue_indirect_dma source(%dma_start3A_872 : memref<100000x128xf32, #tpu.memory_space<hbm>>) target(%dma_start3A_866 : memref<100x128xf32, #tpu.memory_space<vmem>>) offsets(%dma_start3A_869 : memref<100xi32, #tpu.memory_space<vmem>>) semaphore(%arg8 : memref<!tpu.dma_semaphore, #tpu.memory_space<semaphore_mem>>)
      } else {
      }
    }
    %scan3A_567 = arith.constant 16 : i32
    %dma_wait3A_568 = arith.constant 0 : i32
    %dma_wait3A_569 = arith.constant 0 : i32
    %dma_wait3A_570 = arith.constant 0 : i32
    %dma_wait3A_571 = arith.constant 0 : i32
    %dma_wait3A_572 = tpu.memref_slice %arg6[%dma_wait3A_568, %dma_wait3A_569, %dma_wait3A_570, %dma_wait3A_571] : memref<2x4x100x128xf32, #tpu.memory_space<vmem>> -> memref<1x4x100x128xf32, #tpu.memory_space<vmem>>
    %dma_wait3A_573 = tpu.memref_squeeze %dma_wait3A_572 : memref<1x4x100x128xf32, #tpu.memory_space<vmem>> -> memref<4x100x128xf32, #tpu.memory_space<vmem>>
    %dma_wait3A_574 = arith.constant 0 : i32
    %dma_wait3A_575 = arith.constant 0 : i32
    %dma_wait3A_576 = arith.constant 0 : i32
    %dma_wait3A_577 = tpu.memref_slice %arg4[%dma_wait3A_574, %dma_wait3A_575, %dma_wait3A_576] : memref<16384x100x128xf32, #tpu.memory_space<hbm>> -> memref<4x100x128xf32, #tpu.memory_space<hbm>>
    %dma_wait3A_578 = arith.constant 0 : i32
    %dma_wait3A_579 = arith.constant 0 : i32
    %dma_wait3A_580 = arith.constant 0 : i32
    %dma_wait3A_581 = tpu.memref_slice %arg4[%dma_wait3A_578, %dma_wait3A_579, %dma_wait3A_580] : memref<16384x100x128xf32, #tpu.memory_space<hbm>> -> memref<4x100x128xf32, #tpu.memory_space<hbm>>
    %dma_wait3A_582 = arith.constant 0 : i32
    %dma_wait3A_583 = arith.constant 0 : i32
    %dma_wait3A_584 = arith.constant 0 : i32
    %dma_wait3A_585 = tpu.memref_slice %arg6[%dma_wait3A_568, %dma_wait3A_582, %dma_wait3A_583, %dma_wait3A_584] : memref<2x4x100x128xf32, #tpu.memory_space<vmem>> -> memref<1x4x100x128xf32, #tpu.memory_space<vmem>>
    %dma_wait3A_586 = tpu.memref_squeeze %dma_wait3A_585 : memref<1x4x100x128xf32, #tpu.memory_space<vmem>> -> memref<4x100x128xf32, #tpu.memory_space<vmem>>
    tpu.wait_dma2 semaphore(%arg9 : memref<!tpu.dma_semaphore, #tpu.memory_space<semaphore_mem>>) src(%dma_wait3A_586 : memref<4x100x128xf32, #tpu.memory_space<vmem>>) dst(%dma_wait3A_581 : memref<4x100x128xf32, #tpu.memory_space<hbm>>)
    %dma_wait3A_587 = arith.constant 1 : i32
    %dma_wait3A_588 = arith.constant 0 : i32
    %dma_wait3A_589 = arith.constant 0 : i32
    %dma_wait3A_590 = arith.constant 0 : i32
    %dma_wait3A_591 = tpu.memref_slice %arg6[%dma_wait3A_587, %dma_wait3A_588, %dma_wait3A_589, %dma_wait3A_590] : memref<2x4x100x128xf32, #tpu.memory_space<vmem>> -> memref<1x4x100x128xf32, #tpu.memory_space<vmem>>
    %dma_wait3A_592 = tpu.memref_squeeze %dma_wait3A_591 : memref<1x4x100x128xf32, #tpu.memory_space<vmem>> -> memref<4x100x128xf32, #tpu.memory_space<vmem>>
    %dma_wait3A_593 = arith.constant 0 : i32
    %dma_wait3A_594 = arith.constant 0 : i32
    %dma_wait3A_595 = arith.constant 0 : i32
    %dma_wait3A_596 = tpu.memref_slice %arg4[%dma_wait3A_593, %dma_wait3A_594, %dma_wait3A_595] : memref<16384x100x128xf32, #tpu.memory_space<hbm>> -> memref<4x100x128xf32, #tpu.memory_space<hbm>>
    %dma_wait3A_597 = arith.constant 0 : i32
    %dma_wait3A_598 = arith.constant 0 : i32
    %dma_wait3A_599 = arith.constant 0 : i32
    %dma_wait3A_600 = tpu.memref_slice %arg4[%dma_wait3A_597, %dma_wait3A_598, %dma_wait3A_599] : memref<16384x100x128xf32, #tpu.memory_space<hbm>> -> memref<4x100x128xf32, #tpu.memory_space<hbm>>
    %dma_wait3A_601 = arith.constant 0 : i32
    %dma_wait3A_602 = arith.constant 0 : i32
    %dma_wait3A_603 = arith.constant 0 : i32
    %dma_wait3A_604 = tpu.memref_slice %arg6[%dma_wait3A_587, %dma_wait3A_601, %dma_wait3A_602, %dma_wait3A_603] : memref<2x4x100x128xf32, #tpu.memory_space<vmem>> -> memref<1x4x100x128xf32, #tpu.memory_space<vmem>>
    %dma_wait3A_605 = tpu.memref_squeeze %dma_wait3A_604 : memref<1x4x100x128xf32, #tpu.memory_space<vmem>> -> memref<4x100x128xf32, #tpu.memory_space<vmem>>
    tpu.wait_dma2 semaphore(%arg10 : memref<!tpu.dma_semaphore, #tpu.memory_space<semaphore_mem>>) src(%dma_wait3A_605 : memref<4x100x128xf32, #tpu.memory_space<vmem>>) dst(%dma_wait3A_600 : memref<4x100x128xf32, #tpu.memory_space<hbm>>)
    return
  }
}

</mosaic_0001>

<sc_bundles>
// kernel: _sc_gather.3.cloned.1.call-start
scs
__scs_entry_jumppad:
0x0: {  	(pc) =	sbr.rel $0x88, $3  }
0x1: {  	(tag) =	ssettag $0x0;
	lr =	simm.s32 $0x1  }
0x2: {  	[smem:$0x3F9F] =	sst lr;
	_ =	strace $0xD0000000  }
0x3: {  	_ = 	snop  }
0x4: {  	_ = 	snop  }
0x5: {  	_ = 	snop  }
0x6: {  	_ = 	snop  }
0x7: {  	_ = 	snop  }
__scs_overlays_trampoline_lowered:
0x8: {  	[smem:$0x3FAE] =	sst s0  }
0x9: {  	[smem:$0x3FAF] =	sst s1  }
0xa: {  	[smem:$0x3FB0] =	sst s2  }
0xb: {  	[smem:$0x3FB1] =	sst s3  }
0xc: {  	[smem:$0x3FB2] =	sst s4  }
0xd: {  	[smem:$0x3FB3] =	sst s5  }
0xe: {  	[smem:$0x3FB4] =	sst s6  }
0xf: {  	[smem:$0x3FB5] =	sst s7  }
0x10: {  	[smem:$0x3FB6] =	sst s8  }
0x11: {  	[smem:$0x3FB7] =	sst s9;
	s0 =	simm.s32 @!p0 $0x0  }
0x12: {  	s1 =	sld [smem:$0x3F9D];
	s0 =	simm.s32 @p0 $0x1  }
0x13: {  	[smem:$0x3FB8] =	sst s0;
	s0 =	simm.s32 @!p1 $0x0  }
0x14: {  	s2 =	sld [smem:$0x3F9C];
	s0 =	simm.s32 @p1 $0x1  }
0x15: {  	[smem:$0x3FB9] =	sst s0;
	s0 =	simm.s32 @!p2 $0x0  }
0x16: {  	s3 =	sld [smem:$0x3FDB];
	s0 =	simm.s32 @p2 $0x1  }
0x17: {  	s4 =	simm.s32 $0x1BF5;
	[smem:$0x3FBB] =	sst s0  }
0x18: {  	s0 =	sld [smem:$0x3F9E];
	_ =	swait.ge [sflag:s4], $0x0  }
0x19: {  	s7 =	sld [smem:$0x3F9F]  }
0x1a: {  	s8 =	sadd.s32 $0xFFFFE003, lr  }
0x1b: {  	s9 =	sadd.s32 $0xFFFFFEF7, lr;
	s5 =	simm.s32 $0xFFFFFFFF;
	p2 =	slt.u32 s8, $0xFFFFF086  }
0x1c: {  	p1 =	slt.u32 s9, $0xF7A;
	s5 =	simm.s32 @!p2 $0x0  }
0x1d: {  	s5 =	simm.s32 @p1 $0x1;
	p0 =	seq.s32 s7, s2  }
0x1e: {  	s7 =	smul.u32 @!p0 $0xF7A, s2;
	p2 =	seq.s32 @!p0 s5, $0x0  }
0x1f: {  	s9 =	smul.u32 $0xF7A, s1;
	s8 =	simm.s32 @!p0 $0x1BF5;
	p2 =	por !p2, p0  }
0x20: {  	[sflag:s8] =	ssyncset.s32 @!p0 $0xFFFFF086;
	s6 =	sadd.s32 @!p0 s3, s7;
	s7 =	simm.s32 @!p0 $0x108  }
0x21: {  	s3 =	sadd.s32 s3, s9;
	s6 =	sadd.s32 @!p0 $0x88, s6;
	s7 =	simm.s32 @p2 $0x1082  }
0x22: {  	[simem:s7], [sflag:s8] =	dma.local @!p0 [hbm:s6], $0xF7A  }
0x23: {  	s9 =	sor.u32 $0xD0000000, s2;
	s6 =	simm.s32 $0x108;
	_ =	swait.ge @!p0 [sflag:s8], $0x0  }
0x24: {  	s3 =	sadd.s32 $0x88, s3;
	s6 =	simm.s32 @!p1 $0x1082;
	[sflag:s4] =	ssyncset.s32 $0xFFFFF086  }
0x25: {  	[simem:s6], [sflag:s4] =	dma.local [hbm:s3], $0xF7A  }
0x26: {  	[smem:$0x3F9F] =	sst s1;
	(tag) =	ssettag s2;
	_ =	strace s9  }
0x27: {  	s1 =	sld [smem:$0x3FAF]  }
0x28: {  	s2 =	sld [smem:$0x3FB0]  }
0x29: {  	s4 =	sld [smem:$0x3FB2]  }
0x2a: {  	p0 =	seq.s32 s5, $0x0;
	s5 =	sld [smem:$0x3FB3]  }
0x2b: {  	s6 =	sld [smem:$0x3FB4]  }
0x2c: {  	s7 =	sld [smem:$0x3FB5]  }
0x2d: {  	s3 =	simm.s32 $0x108;
	s8 =	sld [smem:$0x3FB6]  }
0x2e: {  	s3 =	simm.s32 @!p0 $0x1082;
	s9 =	sld [smem:$0x3FB7]  }
0x2f: {  	lr =	sadd.s32 s0, s3;
	s0 =	sld [smem:$0x3FAE]  }
0x30: {  	s3 =	sld [smem:$0x3FB1]  }
0x31: {  	[smem:$0x3FBA] =	sst s10  }
0x32: {  	s10 =	sld [smem:$0x3FB8];
	_ =	sdelay $0x3  }
0x33: {  	p0 =	seq.s32 s10, $0x1;
	s10 =	sld [smem:$0x3FBA];
	_ =	sdelay $0x3  }
0x34: {  	[smem:$0x3FBA] =	sst s10  }
0x35: {  	s10 =	sld [smem:$0x3FB9];
	_ =	sdelay $0x3  }
0x36: {  	p1 =	seq.s32 s10, $0x1;
	s10 =	sld [smem:$0x3FBA];
	_ =	sdelay $0x3  }
0x37: {  	[smem:$0x3FBA] =	sst s10  }
0x38: {  	s10 =	sld [smem:$0x3FBB]  }
0x39: {  	_ = 	snop;
	(pc) =	sbr.ind lr, $3  }
0x3a: {  	_ = 	snop  }
0x3b: {  	_ = 	snop  }
0x3c: {  	p2 =	seq.s32 s10, $0x1;
	s10 =	sld [smem:$0x3FBA]  }
0x3d: {  	_ =	shalt  }
0x3e: {  	_ =	shalt  }
0x3f: {  	_ =	shalt  }
0x40: {  	_ =	shalt  }
0x41: {  	_ =	shalt  }
0x42: {  	_ =	shalt  }
0x43: {  	_ =	shalt  }
0x44: {  	_ =	shalt  }
0x45: {  	_ =	shalt  }
0x46: {  	_ =	shalt  }
0x47: {  	_ =	shalt  }
0x48: {  	_ =	shalt  }
0x49: {  	_ =	shalt  }
0x4a: {  	_ =	shalt  }
0x4b: {  	_ =	shalt  }
0x4c: {  	_ =	shalt  }
0x4d: {  	_ =	shalt  }
0x4e: {  	_ =	shalt  }
0x4f: {  	_ =	shalt  }
0x50: {  	_ =	shalt  }
0x51: {  	_ =	shalt  }
0x52: {  	_ =	shalt  }
0x53: {  	_ =	shalt  }
0x54: {  	_ =	shalt  }
0x55: {  	_ =	shalt  }
0x56: {  	_ =	shalt  }
0x57: {  	_ =	shalt  }
0x58: {  	_ =	shalt  }
0x59: {  	_ =	shalt  }
0x5a: {  	_ =	shalt  }
0x5b: {  	_ =	shalt  }
0x5c: {  	_ =	shalt  }
0x5d: {  	_ =	shalt  }
0x5e: {  	_ =	shalt  }
0x5f: {  	_ =	shalt  }
0x60: {  	_ =	shalt  }
0x61: {  	_ =	shalt  }
0x62: {  	_ =	shalt  }
0x63: {  	_ =	shalt  }
0x64: {  	_ =	shalt  }
0x65: {  	_ =	shalt  }
0x66: {  	_ =	shalt  }
0x67: {  	_ =	shalt  }
0x68: {  	_ =	shalt  }
0x69: {  	_ =	shalt  }
0x6a: {  	_ =	shalt  }
0x6b: {  	_ =	shalt  }
0x6c: {  	_ =	shalt  }
0x6d: {  	_ =	shalt  }
0x6e: {  	_ =	shalt  }
0x6f: {  	_ =	shalt  }
0x70: {  	_ =	shalt  }
0x71: {  	_ =	shalt  }
0x72: {  	_ =	shalt  }
0x73: {  	_ =	shalt  }
0x74: {  	_ =	shalt  }
0x75: {  	_ =	shalt  }
0x76: {  	_ =	shalt  }
0x77: {  	_ =	shalt  }
0x78: {  	_ =	shalt  }
0x79: {  	_ =	shalt  }
0x7a: {  	_ =	shalt  }
0x7b: {  	_ =	shalt  }
0x7c: {  	_ =	shalt  }
0x7d: {  	_ =	shalt  }
0x7e: {  	_ =	shalt  }
0x7f: {  	_ =	shalt  }
0x80: {  	_ =	shalt  }
0x81: {  	_ =	shalt  }
0x82: {  	_ =	shalt  }
0x83: {  	_ =	shalt  }
0x84: {  	_ =	shalt  }
0x85: {  	_ =	shalt  }
0x86: {  	_ =	shalt  }
0x87: {  	_ =	shalt  }
.Lfunc_end0:
.L_simem_size_0:
called_computation_lowered:
.L_overlay_start_0:
0x88: {  	s2 =	sld [smem:$0x3FD9]  }
0x89: {  	s3 =	sld [smem:$0x3FFE];
	_ =	sdelay $0x1  }
0x8a: {  	s1 =	srdreg.scid  }
0x8b: {  	s0 =	sand.u32 $0x1, s1  }
0x8c: {  	s17 =	sshll.u32 s0, $0xA;
	s2 =	sadd.s32 s3, s2  }
0x8d: {  	s2 =	sadd.s32 s2, s17  }
0x8e: {  	[smem:$0x3FC6] =	sst s2  }
0x8f: {  	_ = 	snop  }
0x90: {  	s2 =	sld [smem:$0x3FC8]  }
0x91: {  	s18 =	sld [smem:$0x3FD0];
	(tm) =	ssettm $0x1  }
0x92: {  	s4 =	sld [smem:$0x3FFB];
	_ =	sdelay $0x3  }
0x93: {  	_ =	strace s4  }
0x94: {  	s4 =	sld [smem:$0x3FFC];
	_ =	sdelay $0x3  }
0x95: {  	_ =	strace s4  }
0x96: {  	s4 =	sld [smem:$0x3FFD];
	_ =	sdelay $0x3  }
0x97: {  	_ =	strace s4  }
0x98: {  	_ =	strace $0x8FFFFFFF  }
0x99: {  	s19 =	sld [smem:$0x3FDB];
	_ =	sdelay $0x1  }
0x9a: {  	s5 =	simm.s32 $_scs_section_size  }
0x9b: {  	s6 =	simm.s32 $_size__tile_overlayer_lowered;
	s7 =	simm.s32 $_tile_overlayer_lowered  }
0x9c: {  	s22 =	simm.s32 $0x1BFF;
	s21 =	sshll.u32 s7, $0x1;
	s4 =	sadd.s32 s5, s19  }
0x9d: {  	s8 =	simm.s32 $0x0;
	s20 =	sshll.u32 s6, $0x1;
	s6 =	sadd.s32 s21, s4  }
0x9e: {  	[timem:s8], [sflag:s22] =	dma.local [hbm:s6], s20  }
0x9f: {  	_ =	swait.ge [sflag:s22], s20  }
0xa0: {  	s5 =	ssub.s32 $0x0, s20;
	[sflag:s22] =	ssyncset.done $0x0  }
0xa1: {  	[sflag:s22] =	ssyncadd.s32 s5;
	_ =	sdelay $0x1  }
0xa2: {  	s23 =	simm.s32 $0x1B8B  }
0xa3: {  	_ =	swait.ge [sflag:s23], $0x1  }
0xa4: {  	[sflag:s23] =	ssyncset.done $0x0  }
0xa5: {  	s25 =	simm.s32 $0x1B8E;
	s24 =	sld [smem:$0x3FFE];
	[sflag:s23] =	ssyncadd.s32 $0xFFFFFFFF  }
0xa6: {  	s26 =	simm.s32 $execute0_lowered;
	[smem:$0x3FD2] =	sst s25  }
0xa7: {  	s6 =	sshll.u32 s26, $0x1;
	_ =	strace $0x80000046;
	[dreg:$0x1] =	wrdreg $0xFFFFFFFF  }
0xa8: {  	s28 =	simm.s32 $_size_execute0_lowered;
	s4 =	sadd.s32 s4, s6;
	[dreg:$0x0] =	wrdreg $0x0  }
0xa9: {  	s6 =	sshll.u32 s28, $0x1;
	[dreg:$0x2] =	wrdreg s4  }
0xaa: {  	[dreg:$0x3] =	wrdreg s6  }
0xab: {  	[dreg:$0x4] =	wrdreg $0xC0  }
0xac: {  	_ =	task [dreg:s8], $0x5FFFF  }
0xad: {  	[dreg:$0x1] =	wrdreg $0xFFFFFFFF  }
0xae: {  	[dreg:$0x0] =	wrdreg $0x60  }
0xaf: {  	[dreg:$0x2] =	wrdreg s18  }
0xb0: {  	[dreg:$0x3] =	wrdreg s2  }
0xb1: {  	[dreg:$0x4] =	wrdreg s24  }
0xb2: {  	[dreg:$0x5] =	wrdreg $0x9  }
0xb3: {  	_ =	task.clear_ibuf [dreg:s8], $0x6FFFF;
	_ =	strace $0x90000046  }
0xb4: {  	s29 =	simm.s32 $0x9;
	_ =	strace $0x80000048  }
0xb5: {  	_ =	swait.ge [sflag:s29], $0x1  }
0xb6: {  	[sflag:s29] =	ssyncadd.s32 $0xFFFFFFFF  }
0xb7: {  	_ =	strace $0x90000048  }
0xb8: {  	_ =	sfence  }
0xb9: {  	s30 =	sld [smem:$0x0];
	_ =	sdelay $0x2  }
0xba: {  	s31 =	sshll.u32 s1, $0xD;
	s1 =	sshrl.u32 s1, $0x2  }
0xbb: {  	s3 =	sand.u32 $0x4000, s31;
	s1 =	sadd.s32 s1, s30  }
0xbc: {  	s0 =	sor.u32 s3, s0;
	s1 =	sshll.u32 s1, $0x11  }
0xbd: {  	s0 =	sor.u32 s1, s0  }
0xbe: {  	s0 =	sadd.s32 $0x8F2B, s0  }
0xbf: {  	[sflag:s0] =	ssyncadd.remote.s32 $0x1  }
0xc0: {  	_ =	sfence.sel $0xFFFF  }
0xc1: {  	[dreg:$0x0] =	wrdreg $0xFFFFFFFF;
	(pc) =	sbr.abs _section_cstart, $3  }
0xc2: {  	[dreg:$0x1] =	wrdreg $0xFFFFFFFF  }
0xc3: {  	_ =	task.clear_ibuf [dreg:s8], $0x2FFFF;
	_ =	strace $0x9FFFFFFF  }
0xc4: {  	(tm) =	ssettm $0x7FFFFFFF  }
0xc5: {  	_ =	shalt  }
tec
execute0_lowered:
.L_overlay_start_1:
0x0: {  	(tag) =	ssettag $0x1  }
0x1: {  	s0 =	rddreg [dreg:$0x0]  }
0x2: {  	s1 =	rddreg [dreg:$0x1]  }
0x3: {  	s2 =	rddreg [dreg:$0x2]  }
0x4: {  	s3 =	simm.s32 $0x0;
	s4 =	srdreg.scid;
	s7 =	stileid.u32  }
0x5: {  	s13 =	simm.s32 $0x5;
	s14 =	simm.s32 $0x64;
	s15 =	simm.s32 $0x4000  }
0x6: {  	s16 =	simm.s32 $0x80;
	s28 =	simm.s32 $0x17800;
	s29 =	simm.s32 $0x380  }
0x7: {  	s30 =	simm.s32 $0x1AC00;
	s31 =	simm.s32 $0x1;
	[smem:$0x7FF] =	sst s3  }
0x8: {  	s5 =	sand.u32 $0x1, s4;
	s17 =	sshll.u32 s7, $0xE;
	s7 =	smul.u32 $0x1A0000, s7  }
0x9: {  	_ =	strace $0x80000047;
	s6 =	sshll.u32 s5, $0xD;
	s8 =	ssub.s32 $0x2, s5  }
0xa: {  	s19 =	smul.u32 $0xD0000, s5;
	s5 =	simm.s32 $0x4;
	s4 =	sor.u32 s6, s17  }
0xb: {  	s18 =	sshrl.u32 s8, $0x1;
	s2 =	sadd.s32 s7, s2;
	s17 =	simm.s32 $0x7400  }
0xc: {  	s6 =	simm.s32 $0x0;
	s4 =	sadd.s32 s0, s4;
	s20 =	ssub.s32 s8, s18  }
0xd: {  	s0 =	sadd.s32 s19, s2;
	s18 =	simm.s32 $0x100;
	s21 =	sadd.s32 $0x800, s4  }
0xe: {  	s19 =	simm.s32 $0xA800;
	s22 =	sadd.s32 $0x1000, s4;
	[dreg:$0x4] =	wrdreg s21  }
0xf: {  	s2 =	simm.s32 $0x3;
	s23 =	sadd.s32 $0x1800, s4;
	[dreg:$0x5] =	wrdreg s22  }
0x10: {  	s24 =	smax.u32 s20, $0x1;
	s25 =	sadd.s32 $0x400, s0;
	[dreg:$0x6] =	wrdreg s23  }
.Ltmp0:
0x11: {  	s26 =	sadd.s32 $0x34400, s0;
	[dreg:$0x7] =	wrdreg s24;
	(pc) =	sbr.rel .LBB2_1-.Ltmp0, $4  }
0x12: {  	s11 =	sadd.s32 $0x68400, s0;
	s12 =	sadd.s32 $0x9C400, s0;
	[dreg:$0x8] =	wrdreg s25  }
0x13: {  	s20 =	simm.s32 $0x180;
	s0 =	simm.s32 $0x2;
	[dreg:$0x9] =	wrdreg s26  }
0x14: {  	s21 =	simm.s32 $0xDC00;
	s22 =	simm.s32 $0x200;
	s23 =	simm.s32 $0x11000  }
0x15: {  	s24 =	simm.s32 $0x280;
	s25 =	simm.s32 $0x14400;
	s26 =	simm.s32 $0x300  }
.LBB2_13:
0x16: {  	_ =	swait.ge [sflag:s5], $0xC800  }
0x17: {  	s6 =	sadd.s32 $0x1, s6;
	s7 =	rddreg [dreg:$0x7]  }
0x18: {  	p0 =	sne.s32 s6, s7  }
.Ltmp1:
0x19: {  	_ = 	snop;
	(pc) =	sbr.rel @!p0 .LBB2_14-.Ltmp1, $3  }
0x1a: {  	_ =	sdelay $0x1  }
0x1b: {  	[sflag:s5] =	ssyncset.done $0x0  }
0x1c: {  	[sflag:s5] =	ssyncadd.s32 $0xFFFF3800  }
.LBB2_1:
0x1d: {  	[tilespmem:s3], [sflag:$0x5] =	stream.linear.gather [hbm4b:s4+s3], $0x4000, $0x38;
	[tilespmem:$0x1E000] =	vst v63  }
0x1e: {  	_ =	swait.ge [sflag:s13], $0x4000  }
0x1f: {  	[sflag:s13] =	ssyncset.done $0x0  }
0x20: {  	[sflag:s13] =	ssyncadd.s32 $0xFFFFC000  }
0x21: {  	[tilespmem:s15], [sflag:$0x1] =	stream.indirect.gather [hbm4b:s1+s14], $0x80, s3, s14, $0xb8;
	[tilespmem:$0x1E000] =	vst v63  }
0x22: {  	_ = 	snop  }
0x23: {  	[tilespmem:s17], [sflag:$0x1] =	stream.indirect.gather [hbm4b:s1+s14], $0x80, s16, s14, $0xb8;
	[tilespmem:$0x1E000] =	vst v63  }
0x24: {  	_ = 	snop  }
0x25: {  	[tilespmem:s19], [sflag:$0x1] =	stream.indirect.gather [hbm4b:s1+s14], $0x80, s18, s14, $0xb8;
	[tilespmem:$0x1E000] =	vst v63  }
0x26: {  	_ = 	snop  }
0x27: {  	[tilespmem:s21], [sflag:$0x1] =	stream.indirect.gather [hbm4b:s1+s14], $0x80, s20, s14, $0xb8;
	[tilespmem:$0x1E000] =	vst v63  }
0x28: {  	_ = 	snop  }
0x29: {  	[tilespmem:s23], [sflag:$0x2] =	stream.indirect.gather [hbm4b:s1+s14], $0x80, s22, s14, $0xb8;
	[tilespmem:$0x1E000] =	vst v63  }
0x2a: {  	_ = 	snop  }
0x2b: {  	[tilespmem:s25], [sflag:$0x2] =	stream.indirect.gather [hbm4b:s1+s14], $0x80, s24, s14, $0xb8;
	[tilespmem:$0x1E000] =	vst v63  }
0x2c: {  	_ = 	snop  }
0x2d: {  	[tilespmem:s28], [sflag:$0x2] =	stream.indirect.gather [hbm4b:s1+s14], $0x80, s26, s14, $0xb8;
	[tilespmem:$0x1E000] =	vst v63  }
0x2e: {  	s8 =	simm.s32 $0x0;
	s7 =	rddreg [dreg:$0x8]  }
0x2f: {  	[tilespmem:s30], [sflag:$0x2] =	stream.indirect.gather [hbm4b:s1+s14], $0x80, s29, s14, $0xb8;
	[tilespmem:$0x1E000] =	vst v63  }
.LBB2_2:
0x30: {  	_ =	swait.ge [sflag:s31], $0xC800  }
0x31: {  	[sflag:s31] =	ssyncset.done $0x0  }
0x32: {  	[sflag:s31] =	ssyncadd.s32 $0xFFFF3800  }
0x33: {  	[hbm4b:s7+s3] =	stream.linear.scatter [tilespmem:s15], [sflag:$0x3], $0x3200, $0x38;
	[tilespmem:$0x1E000] =	vst v63  }
0x34: {  	s9 =	sadd.s32 $0x680, s7  }
0x35: {  	[hbm4b:s9+s3] =	stream.linear.scatter [tilespmem:s17], [sflag:$0x3], $0x3200, $0x38;
	[tilespmem:$0x1E000] =	vst v63  }
0x36: {  	s10 =	sadd.s32 $0xD00, s7  }
0x37: {  	[hbm4b:s10+s3] =	stream.linear.scatter [tilespmem:s19], [sflag:$0x3], $0x3200, $0x38;
	[tilespmem:$0x1E000] =	vst v63  }
0x38: {  	s10 =	sadd.s32 $0x1380, s7  }
0x39: {  	[hbm4b:s10+s3] =	stream.linear.scatter [tilespmem:s21], [sflag:$0x3], $0x3200, $0x38;
	[tilespmem:$0x1E000] =	vst v63  }
0x3a: {  	_ =	swait.ge [sflag:s0], $0xC800  }
0x3b: {  	[sflag:s0] =	ssyncset.done $0x0  }
0x3c: {  	s10 =	sadd.s32 $0x1A00, s7;
	[sflag:s0] =	ssyncadd.s32 $0xFFFF3800  }
0x3d: {  	[hbm4b:s10+s3] =	stream.linear.scatter [tilespmem:s23], [sflag:$0x4], $0x3200, $0x38;
	[tilespmem:$0x1E000] =	vst v63  }
0x3e: {  	s10 =	sadd.s32 $0x2080, s7  }
0x3f: {  	[hbm4b:s10+s3] =	stream.linear.scatter [tilespmem:s25], [sflag:$0x4], $0x3200, $0x38;
	[tilespmem:$0x1E000] =	vst v63  }
0x40: {  	p0 =	seq.s32 s8, $0xF000;
	s10 =	sadd.s32 $0x2700, s7  }
0x41: {  	[hbm4b:s10+s3] =	stream.linear.scatter [tilespmem:s28], [sflag:$0x4], $0x3200, $0x38;
	[tilespmem:$0x1E000] =	vst v63  }
.Ltmp2:
0x42: {  	s10 =	sadd.s32 $0x2D80, s7;
	(pc) =	sbr.rel @p0 .LBB2_4-.Ltmp2, $4  }
0x43: {  	[hbm4b:s10+s3] =	stream.linear.scatter [tilespmem:s30], [sflag:$0x4], $0x3200, $0x38;
	[tilespmem:$0x1E000] =	vst v63  }
0x44: {  	_ =	swait.ge [sflag:s2], $0xC800  }
0x45: {  	[sflag:s2] =	ssyncset.done $0x0  }
0x46: {  	[sflag:s2] =	ssyncadd.s32 $0xFFFF3800  }
0x47: {  	s9 =	sshra.s32 s8, $0x2  }
0x48: {  	s10 =	sadd.s32 $0x400, s9  }
0x49: {  	[tilespmem:s15], [sflag:$0x1] =	stream.indirect.gather [hbm4b:s1+s14], $0x80, s10, s14, $0xb8;
	[tilespmem:$0x1E000] =	vst v63  }
0x4a: {  	s10 =	sadd.s32 $0x480, s9  }
0x4b: {  	[tilespmem:s17], [sflag:$0x1] =	stream.indirect.gather [hbm4b:s1+s14], $0x80, s10, s14, $0xb8;
	[tilespmem:$0x1E000] =	vst v63  }
0x4c: {  	s10 =	sadd.s32 $0x500, s9  }
0x4d: {  	[tilespmem:s19], [sflag:$0x1] =	stream.indirect.gather [hbm4b:s1+s14], $0x80, s10, s14, $0xb8;
	[tilespmem:$0x1E000] =	vst v63  }
0x4e: {  	s10 =	sadd.s32 $0x580, s9  }
0x4f: {  	[tilespmem:s21], [sflag:$0x1] =	stream.indirect.gather [hbm4b:s1+s14], $0x80, s10, s14, $0xb8;
	[tilespmem:$0x1E000] =	vst v63  }
0x50: {  	_ =	swait.ge [sflag:s5], $0xC800  }
0x51: {  	[sflag:s5] =	ssyncset.done $0x0  }
0x52: {  	s10 =	sadd.s32 $0x600, s9;
	[sflag:s5] =	ssyncadd.s32 $0xFFFF3800  }
0x53: {  	[tilespmem:s23], [sflag:$0x2] =	stream.indirect.gather [hbm4b:s1+s14], $0x80, s10, s14, $0xb8;
	[tilespmem:$0x1E000] =	vst v63  }
0x54: {  	s10 =	sadd.s32 $0x680, s9  }
0x55: {  	[tilespmem:s25], [sflag:$0x2] =	stream.indirect.gather [hbm4b:s1+s14], $0x80, s10, s14, $0xb8;
	[tilespmem:$0x1E000] =	vst v63  }
.Ltmp3:
0x56: {  	_ = 	snop;
	(pc) =	sbr.rel .LBB2_2-.Ltmp3, $4  }
0x57: {  	s10 =	sadd.s32 $0x700, s9  }
0x58: {  	[tilespmem:s28], [sflag:$0x2] =	stream.indirect.gather [hbm4b:s1+s14], $0x80, s10, s14, $0xb8;
	[tilespmem:$0x1E000] =	vst v63  }
0x59: {  	s8 =	sadd.s32 $0x1000, s8;
	s7 =	sadd.s32 $0x3400, s7;
	s9 =	sadd.s32 $0x780, s9  }
0x5a: {  	[tilespmem:s30], [sflag:$0x2] =	stream.indirect.gather [hbm4b:s1+s14], $0x80, s9, s14, $0xb8;
	[tilespmem:$0x1E000] =	vst v63  }
.LBB2_4:
0x5b: {  	_ =	swait.ge [sflag:s5], $0xC800  }
0x5c: {  	[sflag:s5] =	ssyncset.done $0x0  }
0x5d: {  	s7 =	simm.s32 $0x0;
	s8 =	rddreg [dreg:$0x4];
	[sflag:s5] =	ssyncadd.s32 $0xFFFF3800  }
0x5e: {  	[tilespmem:s7], [sflag:$0x5] =	stream.linear.gather [hbm4b:s8+s7], $0x4000, $0x38;
	[tilespmem:$0x1E000] =	vst v63  }
0x5f: {  	_ =	swait.ge [sflag:s13], $0x4000  }
0x60: {  	[sflag:s13] =	ssyncset.done $0x0  }
0x61: {  	[sflag:s13] =	ssyncadd.s32 $0xFFFFC000  }
0x62: {  	[tilespmem:s15], [sflag:$0x1] =	stream.indirect.gather [hbm4b:s1+s14], $0x80, s7, s14, $0xb8;
	[tilespmem:$0x1E000] =	vst v63  }
0x63: {  	_ = 	snop  }
0x64: {  	[tilespmem:s17], [sflag:$0x1] =	stream.indirect.gather [hbm4b:s1+s14], $0x80, s16, s14, $0xb8;
	[tilespmem:$0x1E000] =	vst v63  }
0x65: {  	_ = 	snop  }
0x66: {  	[tilespmem:s19], [sflag:$0x1] =	stream.indirect.gather [hbm4b:s1+s14], $0x80, s18, s14, $0xb8;
	[tilespmem:$0x1E000] =	vst v63  }
0x67: {  	_ = 	snop  }
0x68: {  	[tilespmem:s21], [sflag:$0x1] =	stream.indirect.gather [hbm4b:s1+s14], $0x80, s20, s14, $0xb8;
	[tilespmem:$0x1E000] =	vst v63  }
0x69: {  	_ = 	snop  }
0x6a: {  	[tilespmem:s23], [sflag:$0x2] =	stream.indirect.gather [hbm4b:s1+s14], $0x80, s22, s14, $0xb8;
	[tilespmem:$0x1E000] =	vst v63  }
0x6b: {  	_ = 	snop  }
0x6c: {  	[tilespmem:s25], [sflag:$0x2] =	stream.indirect.gather [hbm4b:s1+s14], $0x80, s24, s14, $0xb8;
	[tilespmem:$0x1E000] =	vst v63  }
0x6d: {  	_ = 	snop  }
0x6e: {  	[tilespmem:s28], [sflag:$0x2] =	stream.indirect.gather [hbm4b:s1+s14], $0x80, s26, s14, $0xb8;
	[tilespmem:$0x1E000] =	vst v63  }
0x6f: {  	s8 =	rddreg [dreg:$0x9]  }
0x70: {  	[tilespmem:s30], [sflag:$0x2] =	stream.indirect.gather [hbm4b:s1+s14], $0x80, s29, s14, $0xb8;
	[tilespmem:$0x1E000] =	vst v63  }
.LBB2_5:
0x71: {  	_ =	swait.ge [sflag:s31], $0xC800  }
0x72: {  	[sflag:s31] =	ssyncset.done $0x0  }
0x73: {  	[sflag:s31] =	ssyncadd.s32 $0xFFFF3800  }
0x74: {  	[hbm4b:s8+s3] =	stream.linear.scatter [tilespmem:s15], [sflag:$0x3], $0x3200, $0x38;
	[tilespmem:$0x1E000] =	vst v63  }
0x75: {  	s9 =	sadd.s32 $0x680, s8  }
0x76: {  	[hbm4b:s9+s3] =	stream.linear.scatter [tilespmem:s17], [sflag:$0x3], $0x3200, $0x38;
	[tilespmem:$0x1E000] =	vst v63  }
0x77: {  	s10 =	sadd.s32 $0xD00, s8  }
0x78: {  	[hbm4b:s10+s3] =	stream.linear.scatter [tilespmem:s19], [sflag:$0x3], $0x3200, $0x38;
	[tilespmem:$0x1E000] =	vst v63  }
0x79: {  	s10 =	sadd.s32 $0x1380, s8  }
0x7a: {  	[hbm4b:s10+s3] =	stream.linear.scatter [tilespmem:s21], [sflag:$0x3], $0x3200, $0x38;
	[tilespmem:$0x1E000] =	vst v63  }
0x7b: {  	_ =	swait.ge [sflag:s0], $0xC800  }
0x7c: {  	[sflag:s0] =	ssyncset.done $0x0  }
0x7d: {  	s10 =	sadd.s32 $0x1A00, s8;
	[sflag:s0] =	ssyncadd.s32 $0xFFFF3800  }
0x7e: {  	[hbm4b:s10+s3] =	stream.linear.scatter [tilespmem:s23], [sflag:$0x4], $0x3200, $0x38;
	[tilespmem:$0x1E000] =	vst v63  }
0x7f: {  	s10 =	sadd.s32 $0x2080, s8  }
0x80: {  	[hbm4b:s10+s3] =	stream.linear.scatter [tilespmem:s25], [sflag:$0x4], $0x3200, $0x38;
	[tilespmem:$0x1E000] =	vst v63  }
0x81: {  	p0 =	seq.s32 s7, $0xF000;
	s10 =	sadd.s32 $0x2700, s8  }
0x82: {  	[hbm4b:s10+s3] =	stream.linear.scatter [tilespmem:s28], [sflag:$0x4], $0x3200, $0x38;
	[tilespmem:$0x1E000] =	vst v63  }
.Ltmp4:
0x83: {  	s10 =	sadd.s32 $0x2D80, s8;
	(pc) =	sbr.rel @p0 .LBB2_7-.Ltmp4, $4  }
0x84: {  	[hbm4b:s10+s3] =	stream.linear.scatter [tilespmem:s30], [sflag:$0x4], $0x3200, $0x38;
	[tilespmem:$0x1E000] =	vst v63  }
0x85: {  	_ =	swait.ge [sflag:s2], $0xC800  }
0x86: {  	[sflag:s2] =	ssyncset.done $0x0  }
0x87: {  	[sflag:s2] =	ssyncadd.s32 $0xFFFF3800  }
0x88: {  	s9 =	sshra.s32 s7, $0x2  }
0x89: {  	s10 =	sadd.s32 $0x400, s9  }
0x8a: {  	[tilespmem:s15], [sflag:$0x1] =	stream.indirect.gather [hbm4b:s1+s14], $0x80, s10, s14, $0xb8;
	[tilespmem:$0x1E000] =	vst v63  }
0x8b: {  	s10 =	sadd.s32 $0x480, s9  }
0x8c: {  	[tilespmem:s17], [sflag:$0x1] =	stream.indirect.gather [hbm4b:s1+s14], $0x80, s10, s14, $0xb8;
	[tilespmem:$0x1E000] =	vst v63  }
0x8d: {  	s10 =	sadd.s32 $0x500, s9  }
0x8e: {  	[tilespmem:s19], [sflag:$0x1] =	stream.indirect.gather [hbm4b:s1+s14], $0x80, s10, s14, $0xb8;
	[tilespmem:$0x1E000] =	vst v63  }
0x8f: {  	s10 =	sadd.s32 $0x580, s9  }
0x90: {  	[tilespmem:s21], [sflag:$0x1] =	stream.indirect.gather [hbm4b:s1+s14], $0x80, s10, s14, $0xb8;
	[tilespmem:$0x1E000] =	vst v63  }
0x91: {  	_ =	swait.ge [sflag:s5], $0xC800  }
0x92: {  	[sflag:s5] =	ssyncset.done $0x0  }
0x93: {  	s10 =	sadd.s32 $0x600, s9;
	[sflag:s5] =	ssyncadd.s32 $0xFFFF3800  }
0x94: {  	[tilespmem:s23], [sflag:$0x2] =	stream.indirect.gather [hbm4b:s1+s14], $0x80, s10, s14, $0xb8;
	[tilespmem:$0x1E000] =	vst v63  }
0x95: {  	s10 =	sadd.s32 $0x680, s9  }
0x96: {  	[tilespmem:s25], [sflag:$0x2] =	stream.indirect.gather [hbm4b:s1+s14], $0x80, s10, s14, $0xb8;
	[tilespmem:$0x1E000] =	vst v63  }
.Ltmp5:
0x97: {  	_ = 	snop;
	(pc) =	sbr.rel .LBB2_5-.Ltmp5, $4  }
0x98: {  	s10 =	sadd.s32 $0x700, s9  }
0x99: {  	[tilespmem:s28], [sflag:$0x2] =	stream.indirect.gather [hbm4b:s1+s14], $0x80, s10, s14, $0xb8;
	[tilespmem:$0x1E000] =	vst v63  }
0x9a: {  	s7 =	sadd.s32 $0x1000, s7;
	s8 =	sadd.s32 $0x3400, s8;
	s9 =	sadd.s32 $0x780, s9  }
0x9b: {  	[tilespmem:s30], [sflag:$0x2] =	stream.indirect.gather [hbm4b:s1+s14], $0x80, s9, s14, $0xb8;
	[tilespmem:$0x1E000] =	vst v63  }
.LBB2_7:
0x9c: {  	_ =	swait.ge [sflag:s5], $0xC800  }
0x9d: {  	[sflag:s5] =	ssyncset.done $0x0  }
0x9e: {  	s7 =	simm.s32 $0x0;
	s8 =	rddreg [dreg:$0x5];
	[sflag:s5] =	ssyncadd.s32 $0xFFFF3800  }
0x9f: {  	[tilespmem:s7], [sflag:$0x5] =	stream.linear.gather [hbm4b:s8+s7], $0x4000, $0x38;
	[tilespmem:$0x1E000] =	vst v63  }
0xa0: {  	_ =	swait.ge [sflag:s13], $0x4000  }
0xa1: {  	[sflag:s13] =	ssyncset.done $0x0  }
0xa2: {  	[sflag:s13] =	ssyncadd.s32 $0xFFFFC000  }
0xa3: {  	[tilespmem:s15], [sflag:$0x1] =	stream.indirect.gather [hbm4b:s1+s14], $0x80, s7, s14, $0xb8;
	[tilespmem:$0x1E000] =	vst v63  }
0xa4: {  	_ = 	snop  }
0xa5: {  	[tilespmem:s17], [sflag:$0x1] =	stream.indirect.gather [hbm4b:s1+s14], $0x80, s16, s14, $0xb8;
	[tilespmem:$0x1E000] =	vst v63  }
0xa6: {  	_ = 	snop  }
0xa7: {  	[tilespmem:s19], [sflag:$0x1] =	stream.indirect.gather [hbm4b:s1+s14], $0x80, s18, s14, $0xb8;
	[tilespmem:$0x1E000] =	vst v63  }
0xa8: {  	_ = 	snop  }
0xa9: {  	[tilespmem:s21], [sflag:$0x1] =	stream.indirect.gather [hbm4b:s1+s14], $0x80, s20, s14, $0xb8;
	[tilespmem:$0x1E000] =	vst v63  }
0xaa: {  	_ = 	snop  }
0xab: {  	[tilespmem:s23], [sflag:$0x2] =	stream.indirect.gather [hbm4b:s1+s14], $0x80, s22, s14, $0xb8;
	[tilespmem:$0x1E000] =	vst v63  }
0xac: {  	_ = 	snop  }
0xad: {  	[tilespmem:s25], [sflag:$0x2] =	stream.indirect.gather [hbm4b:s1+s14], $0x80, s24, s14, $0xb8;
	[tilespmem:$0x1E000] =	vst v63  }
0xae: {  	_ = 	snop  }
0xaf: {  	[tilespmem:s28], [sflag:$0x2] =	stream.indirect.gather [hbm4b:s1+s14], $0x80, s26, s14, $0xb8;
	[tilespmem:$0x1E000] =	vst v63  }
0xb0: {  	s8 =	smov.u32 s11  }
0xb1: {  	[tilespmem:s30], [sflag:$0x2] =	stream.indirect.gather [hbm4b:s1+s14], $0x80, s29, s14, $0xb8;
	[tilespmem:$0x1E000] =	vst v63  }
.LBB2_8:
0xb2: {  	_ =	swait.ge [sflag:s31], $0xC800  }
0xb3: {  	[sflag:s31] =	ssyncset.done $0x0  }
0xb4: {  	[sflag:s31] =	ssyncadd.s32 $0xFFFF3800  }
0xb5: {  	[hbm4b:s8+s3] =	stream.linear.scatter [tilespmem:s15], [sflag:$0x3], $0x3200, $0x38;
	[tilespmem:$0x1E000] =	vst v63  }
0xb6: {  	s9 =	sadd.s32 $0x680, s8  }
0xb7: {  	[hbm4b:s9+s3] =	stream.linear.scatter [tilespmem:s17], [sflag:$0x3], $0x3200, $0x38;
	[tilespmem:$0x1E000] =	vst v63  }
0xb8: {  	s10 =	sadd.s32 $0xD00, s8  }
0xb9: {  	[hbm4b:s10+s3] =	stream.linear.scatter [tilespmem:s19], [sflag:$0x3], $0x3200, $0x38;
	[tilespmem:$0x1E000] =	vst v63  }
0xba: {  	s10 =	sadd.s32 $0x1380, s8  }
0xbb: {  	[hbm4b:s10+s3] =	stream.linear.scatter [tilespmem:s21], [sflag:$0x3], $0x3200, $0x38;
	[tilespmem:$0x1E000] =	vst v63  }
0xbc: {  	_ =	swait.ge [sflag:s0], $0xC800  }
0xbd: {  	[sflag:s0] =	ssyncset.done $0x0  }
0xbe: {  	s10 =	sadd.s32 $0x1A00, s8;
	[sflag:s0] =	ssyncadd.s32 $0xFFFF3800  }
0xbf: {  	[hbm4b:s10+s3] =	stream.linear.scatter [tilespmem:s23], [sflag:$0x4], $0x3200, $0x38;
	[tilespmem:$0x1E000] =	vst v63  }
0xc0: {  	s10 =	sadd.s32 $0x2080, s8  }
0xc1: {  	[hbm4b:s10+s3] =	stream.linear.scatter [tilespmem:s25], [sflag:$0x4], $0x3200, $0x38;
	[tilespmem:$0x1E000] =	vst v63  }
0xc2: {  	p0 =	seq.s32 s7, $0xF000;
	s10 =	sadd.s32 $0x2700, s8  }
0xc3: {  	[hbm4b:s10+s3] =	stream.linear.scatter [tilespmem:s28], [sflag:$0x4], $0x3200, $0x38;
	[tilespmem:$0x1E000] =	vst v63  }
.Ltmp6:
0xc4: {  	s10 =	sadd.s32 $0x2D80, s8;
	(pc) =	sbr.rel @p0 .LBB2_10-.Ltmp6, $4  }
0xc5: {  	[hbm4b:s10+s3] =	stream.linear.scatter [tilespmem:s30], [sflag:$0x4], $0x3200, $0x38;
	[tilespmem:$0x1E000] =	vst v63  }
0xc6: {  	_ =	swait.ge [sflag:s2], $0xC800  }
0xc7: {  	[sflag:s2] =	ssyncset.done $0x0  }
0xc8: {  	[sflag:s2] =	ssyncadd.s32 $0xFFFF3800  }
0xc9: {  	s9 =	sshra.s32 s7, $0x2  }
0xca: {  	s10 =	sadd.s32 $0x400, s9  }
0xcb: {  	[tilespmem:s15], [sflag:$0x1] =	stream.indirect.gather [hbm4b:s1+s14], $0x80, s10, s14, $0xb8;
	[tilespmem:$0x1E000] =	vst v63  }
0xcc: {  	s10 =	sadd.s32 $0x480, s9  }
0xcd: {  	[tilespmem:s17], [sflag:$0x1] =	stream.indirect.gather [hbm4b:s1+s14], $0x80, s10, s14, $0xb8;
	[tilespmem:$0x1E000] =	vst v63  }
0xce: {  	s10 =	sadd.s32 $0x500, s9  }
0xcf: {  	[tilespmem:s19], [sflag:$0x1] =	stream.indirect.gather [hbm4b:s1+s14], $0x80, s10, s14, $0xb8;
	[tilespmem:$0x1E000] =	vst v63  }
0xd0: {  	s10 =	sadd.s32 $0x580, s9  }
0xd1: {  	[tilespmem:s21], [sflag:$0x1] =	stream.indirect.gather [hbm4b:s1+s14], $0x80, s10, s14, $0xb8;
	[tilespmem:$0x1E000] =	vst v63  }
0xd2: {  	_ =	swait.ge [sflag:s5], $0xC800  }
0xd3: {  	[sflag:s5] =	ssyncset.done $0x0  }
0xd4: {  	s10 =	sadd.s32 $0x600, s9;
	[sflag:s5] =	ssyncadd.s32 $0xFFFF3800  }
0xd5: {  	[tilespmem:s23], [sflag:$0x2] =	stream.indirect.gather [hbm4b:s1+s14], $0x80, s10, s14, $0xb8;
	[tilespmem:$0x1E000] =	vst v63  }
0xd6: {  	s10 =	sadd.s32 $0x680, s9  }
0xd7: {  	[tilespmem:s25], [sflag:$0x2] =	stream.indirect.gather [hbm4b:s1+s14], $0x80, s10, s14, $0xb8;
	[tilespmem:$0x1E000] =	vst v63  }
.Ltmp7:
0xd8: {  	_ = 	snop;
	(pc) =	sbr.rel .LBB2_8-.Ltmp7, $4  }
0xd9: {  	s10 =	sadd.s32 $0x700, s9  }
0xda: {  	[tilespmem:s28], [sflag:$0x2] =	stream.indirect.gather [hbm4b:s1+s14], $0x80, s10, s14, $0xb8;
	[tilespmem:$0x1E000] =	vst v63  }
0xdb: {  	s7 =	sadd.s32 $0x1000, s7;
	s8 =	sadd.s32 $0x3400, s8;
	s9 =	sadd.s32 $0x780, s9  }
0xdc: {  	[tilespmem:s30], [sflag:$0x2] =	stream.indirect.gather [hbm4b:s1+s14], $0x80, s9, s14, $0xb8;
	[tilespmem:$0x1E000] =	vst v63  }
.LBB2_10:
0xdd: {  	_ =	swait.ge [sflag:s5], $0xC800  }
0xde: {  	[sflag:s5] =	ssyncset.done $0x0  }
0xdf: {  	s7 =	simm.s32 $0x0;
	s8 =	rddreg [dreg:$0x6];
	[sflag:s5] =	ssyncadd.s32 $0xFFFF3800  }
0xe0: {  	[tilespmem:s7], [sflag:$0x5] =	stream.linear.gather [hbm4b:s8+s7], $0x4000, $0x38;
	[tilespmem:$0x1E000] =	vst v63  }
0xe1: {  	_ =	swait.ge [sflag:s13], $0x4000  }
0xe2: {  	[sflag:s13] =	ssyncset.done $0x0  }
0xe3: {  	[sflag:s13] =	ssyncadd.s32 $0xFFFFC000  }
0xe4: {  	[tilespmem:s15], [sflag:$0x1] =	stream.indirect.gather [hbm4b:s1+s14], $0x80, s7, s14, $0xb8;
	[tilespmem:$0x1E000] =	vst v63  }
0xe5: {  	_ = 	snop  }
0xe6: {  	[tilespmem:s17], [sflag:$0x1] =	stream.indirect.gather [hbm4b:s1+s14], $0x80, s16, s14, $0xb8;
	[tilespmem:$0x1E000] =	vst v63  }
0xe7: {  	_ = 	snop  }
0xe8: {  	[tilespmem:s19], [sflag:$0x1] =	stream.indirect.gather [hbm4b:s1+s14], $0x80, s18, s14, $0xb8;
	[tilespmem:$0x1E000] =	vst v63  }
0xe9: {  	_ = 	snop  }
0xea: {  	[tilespmem:s21], [sflag:$0x1] =	stream.indirect.gather [hbm4b:s1+s14], $0x80, s20, s14, $0xb8;
	[tilespmem:$0x1E000] =	vst v63  }
0xeb: {  	_ = 	snop  }
0xec: {  	[tilespmem:s23], [sflag:$0x2] =	stream.indirect.gather [hbm4b:s1+s14], $0x80, s22, s14, $0xb8;
	[tilespmem:$0x1E000] =	vst v63  }
0xed: {  	_ = 	snop  }
0xee: {  	[tilespmem:s25], [sflag:$0x2] =	stream.indirect.gather [hbm4b:s1+s14], $0x80, s24, s14, $0xb8;
	[tilespmem:$0x1E000] =	vst v63  }
0xef: {  	_ = 	snop  }
0xf0: {  	[tilespmem:s28], [sflag:$0x2] =	stream.indirect.gather [hbm4b:s1+s14], $0x80, s26, s14, $0xb8;
	[tilespmem:$0x1E000] =	vst v63  }
0xf1: {  	s8 =	smov.u32 s12  }
0xf2: {  	[tilespmem:s30], [sflag:$0x2] =	stream.indirect.gather [hbm4b:s1+s14], $0x80, s29, s14, $0xb8;
	[tilespmem:$0x1E000] =	vst v63  }
.LBB2_11:
0xf3: {  	_ =	swait.ge [sflag:s31], $0xC800  }
0xf4: {  	[sflag:s31] =	ssyncset.done $0x0  }
0xf5: {  	[sflag:s31] =	ssyncadd.s32 $0xFFFF3800  }
0xf6: {  	[hbm4b:s8+s3] =	stream.linear.scatter [tilespmem:s15], [sflag:$0x3], $0x3200, $0x38;
	[tilespmem:$0x1E000] =	vst v63  }
0xf7: {  	s9 =	sadd.s32 $0x680, s8  }
0xf8: {  	[hbm4b:s9+s3] =	stream.linear.scatter [tilespmem:s17], [sflag:$0x3], $0x3200, $0x38;
	[tilespmem:$0x1E000] =	vst v63  }
0xf9: {  	s10 =	sadd.s32 $0xD00, s8  }
0xfa: {  	[hbm4b:s10+s3] =	stream.linear.scatter [tilespmem:s19], [sflag:$0x3], $0x3200, $0x38;
	[tilespmem:$0x1E000] =	vst v63  }
0xfb: {  	s10 =	sadd.s32 $0x1380, s8  }
0xfc: {  	[hbm4b:s10+s3] =	stream.linear.scatter [tilespmem:s21], [sflag:$0x3], $0x3200, $0x38;
	[tilespmem:$0x1E000] =	vst v63  }
0xfd: {  	_ =	swait.ge [sflag:s0], $0xC800  }
0xfe: {  	[sflag:s0] =	ssyncset.done $0x0  }
0xff: {  	s10 =	sadd.s32 $0x1A00, s8;
	[sflag:s0] =	ssyncadd.s32 $0xFFFF3800  }
0x100: {  	[hbm4b:s10+s3] =	stream.linear.scatter [tilespmem:s23], [sflag:$0x4], $0x3200, $0x38;
	[tilespmem:$0x1E000] =	vst v63  }
0x101: {  	s10 =	sadd.s32 $0x2080, s8  }
0x102: {  	[hbm4b:s10+s3] =	stream.linear.scatter [tilespmem:s25], [sflag:$0x4], $0x3200, $0x38;
	[tilespmem:$0x1E000] =	vst v63  }
0x103: {  	p0 =	seq.s32 s7, $0xF000;
	s10 =	sadd.s32 $0x2700, s8  }
0x104: {  	[hbm4b:s10+s3] =	stream.linear.scatter [tilespmem:s28], [sflag:$0x4], $0x3200, $0x38;
	[tilespmem:$0x1E000] =	vst v63  }
.Ltmp8:
0x105: {  	s10 =	sadd.s32 $0x2D80, s8;
	(pc) =	sbr.rel @p0 .LBB2_13-.Ltmp8, $4  }
0x106: {  	[hbm4b:s10+s3] =	stream.linear.scatter [tilespmem:s30], [sflag:$0x4], $0x3200, $0x38;
	[tilespmem:$0x1E000] =	vst v63  }
0x107: {  	_ =	swait.ge [sflag:s2], $0xC800  }
0x108: {  	[sflag:s2] =	ssyncset.done $0x0  }
0x109: {  	[sflag:s2] =	ssyncadd.s32 $0xFFFF3800  }
0x10a: {  	s9 =	sshra.s32 s7, $0x2  }
0x10b: {  	s10 =	sadd.s32 $0x400, s9  }
0x10c: {  	[tilespmem:s15], [sflag:$0x1] =	stream.indirect.gather [hbm4b:s1+s14], $0x80, s10, s14, $0xb8;
	[tilespmem:$0x1E000] =	vst v63  }
0x10d: {  	s10 =	sadd.s32 $0x480, s9  }
0x10e: {  	[tilespmem:s17], [sflag:$0x1] =	stream.indirect.gather [hbm4b:s1+s14], $0x80, s10, s14, $0xb8;
	[tilespmem:$0x1E000] =	vst v63  }
0x10f: {  	s10 =	sadd.s32 $0x500, s9  }
0x110: {  	[tilespmem:s19], [sflag:$0x1] =	stream.indirect.gather [hbm4b:s1+s14], $0x80, s10, s14, $0xb8;
	[tilespmem:$0x1E000] =	vst v63  }
0x111: {  	s10 =	sadd.s32 $0x580, s9  }
0x112: {  	[tilespmem:s21], [sflag:$0x1] =	stream.indirect.gather [hbm4b:s1+s14], $0x80, s10, s14, $0xb8;
	[tilespmem:$0x1E000] =	vst v63  }
0x113: {  	_ =	swait.ge [sflag:s5], $0xC800  }
0x114: {  	[sflag:s5] =	ssyncset.done $0x0  }
0x115: {  	s10 =	sadd.s32 $0x600, s9;
	[sflag:s5] =	ssyncadd.s32 $0xFFFF3800  }
0x116: {  	[tilespmem:s23], [sflag:$0x2] =	stream.indirect.gather [hbm4b:s1+s14], $0x80, s10, s14, $0xb8;
	[tilespmem:$0x1E000] =	vst v63  }
0x117: {  	s10 =	sadd.s32 $0x680, s9  }
0x118: {  	[tilespmem:s25], [sflag:$0x2] =	stream.indirect.gather [hbm4b:s1+s14], $0x80, s10, s14, $0xb8;
	[tilespmem:$0x1E000] =	vst v63  }
.Ltmp9:
0x119: {  	_ = 	snop;
	(pc) =	sbr.rel .LBB2_11-.Ltmp9, $4  }
0x11a: {  	s10 =	sadd.s32 $0x700, s9  }
0x11b: {  	[tilespmem:s28], [sflag:$0x2] =	stream.indirect.gather [hbm4b:s1+s14], $0x80, s10, s14, $0xb8;
	[tilespmem:$0x1E000] =	vst v63  }
0x11c: {  	s7 =	sadd.s32 $0x1000, s7;
	s8 =	sadd.s32 $0x3400, s8;
	s9 =	sadd.s32 $0x780, s9  }
0x11d: {  	[tilespmem:s30], [sflag:$0x2] =	stream.indirect.gather [hbm4b:s1+s14], $0x80, s9, s14, $0xb8;
	[tilespmem:$0x1E000] =	vst v63  }
.LBB2_14:
0x11e: {  	_ =	sfence.sel $0x180000  }
0x11f: {  	[bflag:$0x0] =	sbarrier.arrive $0xFFFF  }
0x120: {  	_ =	strace $0x90000047  }
0x121: {  	s0 =	stileid.u32;
	[bflag:$0x2] =	sbarrier.arrive $0xFFFF  }
0x122: {  	p0 =	sne.s32 s0, $0x0;
	s0 =	rddreg [dreg:$0x3]  }
0x123: {  	s0 =	sadd.s32 @!p0 $0x100000, s0  }
0x124: {  	[sflag:s0] =	ssyncadd.tile.s32 @!p0 $0x1;
	_ =	shalt  }
.Lfunc_end2:
_tile_overlayer_lowered:
.L_overlay_start_2:
0x125: {  	(tag) =	ssettag $0x2  }
0x126: {  	s0 =	rddreg [dreg:$0x0];
	s2 =	stileid.u32  }
0x127: {  	s1 =	rddreg [dreg:$0x1];
	p0 =	sne.s32 s2, $0x0  }
0x128: {  	s3 =	rddreg [dreg:$0x2];
	[bflag:$0x3] =	sbarrier.arrive $0xFFFF;
	s2 =	simm.s32 @!p0 $0x1C05  }
0x129: {  	[timem:s3], [sflag:s2] =	dma.local @!p0 [hbm:s0], s1  }
0x12a: {  	s0 =	simm.s32 @!p0 $0x5  }
0x12b: {  	_ =	swait.ge @!p0 [sflag:s0], s1  }
0x12c: {  	s1 =	ssub.s32 @!p0 $0x0, s1;
	[sflag:s0] =	ssyncset.done @!p0 $0x0  }
0x12d: {  	[sflag:s0] =	ssyncadd.s32 @!p0 s1  }
0x12e: {  	[bflag:$0x3] =	sbarrier.arrive $0xFFFF  }
0x12f: {  	_ =	shalt  }

</sc_bundles>
